<compile_context>
chip_gen: v7x
topology: tpu7x:2x2x1
jax: 0.10.2.dev20260603
libtpu: 0.0.44.dev20260713+nightly
codegen_flags: <defaults>
</compile_context>

<pallas_src>
import functools

import jax
import jax.numpy as jnp
from jax import lax
from jax.experimental import pallas as pl
from jax.experimental.pallas import tpu as pltpu
from jax.experimental.pallas import tpu_sc as plsc

VOCAB = 1000000
H = 64
S = 200
B = 4096
T = 4
L = 16
NC = 2
NS = 16
NW = NC * NS
BPW = B // NW
NCHUNK = BPW // L
ROWS = T * BPW


def _sc_body(seqs_hbm, tgt_hbm, table_hbm, w_hbm, out_hbm,
             idx_v, tok_v, rows_v, w_v, wbc_v, pred_v, sem):
    wid = lax.axis_index("s") * NC + lax.axis_index("c")
    base = wid * BPW

    for t in range(T):
        pltpu.sync_copy(tgt_hbm.at[pl.ds(t * B + base, BPW)], idx_v.at[t])
    pltpu.sync_copy(w_hbm, w_v)
    for t in range(T):
        for j in range(NCHUNK):
            col = lax.iota(jnp.int32, L) + (base + j * L)
            sl = pl.ds(j * L, L)
            idx_v[t, sl] = idx_v[t, sl] * B + col

    cps = [pltpu.async_copy(seqs_hbm.at[idx_v.at[t]], tok_v.at[t], sem)
           for t in range(T)]
    for cp in cps:
        cp.wait()

    def wfill(j, carry):
        wbc_v[j, :] = plsc.load_gather(w_v, [jnp.full((L,), j, jnp.int32)])
        return carry
    lax.fori_loop(0, T * H, wfill, 0)

    def fetch(k, carry):
        t = k // NCHUNK
        tokc = tok_v[t, pl.ds((k % NCHUNK) * L, L)]
        for l in range(L):
            pltpu.async_copy(table_hbm.at[tokc[l]], rows_v.at[k * L + l], sem)
        return carry
    lax.fori_loop(0, T * NCHUNK, fetch, 0)
    pltpu.make_async_copy(table_hbm.at[pl.ds(0, ROWS)], rows_v, sem).wait()

    for t in range(T):
        iidx = [lax.iota(jnp.int32, L) + (t * BPW + c * L)
                for c in range(NCHUNK)]

        def hbody(h, accs, t=t, iidx=iidx):
            bw = wbc_v[t * H + h, :]
            colh = jnp.full((L,), h, jnp.int32)
            return tuple(
                accs[c] + plsc.load_gather(rows_v, [iidx[c], colh]) * bw
                for c in range(NCHUNK))

        accs = lax.fori_loop(
            0, H, hbody, tuple(jnp.zeros((L,), jnp.float32)
                               for _ in range(NCHUNK)))
        for c in range(NCHUNK):
            sl = pl.ds(c * L, L)
            if t == 0:
                pred_v[sl] = accs[c]
            else:
                pred_v[sl] = pred_v[sl] + accs[c]

    pltpu.sync_copy(pred_v, out_hbm.at[pl.ds(base, BPW)])


_sc_gather = functools.partial(
    pl.kernel,
    out_type=jax.ShapeDtypeStruct((B,), jnp.float32),
    mesh=plsc.VectorSubcoreMesh(core_axis_name="c", subcore_axis_name="s"),
    compiler_params=pltpu.CompilerParams(needs_layout_passes=False),
    scratch_types=[
        pltpu.VMEM((T, BPW), jnp.int32),
        pltpu.VMEM((T, BPW), jnp.int32),
        pltpu.VMEM((ROWS, H), jnp.float32),
        pltpu.VMEM((T * H,), jnp.float32),
        pltpu.VMEM((T * H, L), jnp.float32),
        pltpu.VMEM((BPW,), jnp.float32),
        pltpu.SemaphoreType.DMA,
    ],
)(_sc_body)


def _loss_body(pred_ref, lab_ref, b_ref, out_ref):
    p = pred_ref[:] + b_ref[0]
    lab = lab_ref[:]
    terms = (jnp.maximum(p, 0.0) - p * lab
             + jnp.log(1.0 + jnp.exp(-jnp.abs(p))))
    out_ref[0, 0] = jnp.sum(terms) * (1.0 / B)


_loss_call = pl.pallas_call(
    _loss_body,
    out_shape=jax.ShapeDtypeStruct((1, 1), jnp.float32),
    in_specs=[
        pl.BlockSpec(memory_space=pltpu.VMEM),
        pl.BlockSpec(memory_space=pltpu.VMEM),
        pl.BlockSpec(memory_space=pltpu.SMEM),
    ],
    out_specs=pl.BlockSpec(memory_space=pltpu.SMEM),
)


def kernel(seqs, targets, labels, table, W, b):
    seqs_flat = seqs.reshape(-1).astype(jnp.int32)
    tgt_flat = targets.reshape(-1).astype(jnp.int32)
    w_flat = W.reshape(-1)
    pred = _sc_gather(seqs_flat, tgt_flat, table, w_flat)
    loss = _loss_call(pred.reshape(B // 128, 128),
                      labels.reshape(B // 128, 128), b)
    return loss[0, 0]

# --- scband reference (transcript-rebuilt; emitter-appended) ---
"""Pipeline reference for scband-graph-gpt-39350490366855 (READ-ONLY COPY).

The authoritative reference and input builder live on the scoring server;
editing this copy changes nothing except your own understanding.
"""

import jax, jax.numpy as jnp
import numpy as np

VOCAB = 1000000
H = 64
S = 200
B = 4096
T = 4


def setup_inputs(seed: int = 0) -> dict:
    key = jax.random.key(seed)
    k1, k2, k3, k4, k5 = jax.random.split(key, 5)
    seqs = jax.random.randint(k1, (S, B), 0, VOCAB, dtype=jnp.int64) if jax.config.jax_enable_x64 else jax.random.randint(k1, (S, B), 0, VOCAB)
    targets = jax.random.randint(k2, (T, B), 0, S)
    labels = jax.random.uniform(k3, (B, 1), dtype=jnp.float32)
    table = jax.random.normal(k4, (VOCAB, H), dtype=jnp.float32) * 0.02
    W = jax.random.normal(k5, (T * H, 1), dtype=jnp.float32) * 0.02
    b = jnp.zeros((1,), dtype=jnp.float32)
    return {"seqs": seqs, "targets": targets, "labels": labels, "table": table, "W": W, "b": b}


def reference(seqs, targets, labels, table, W, b):
    # fm.embedding(seqs, offset=False) -> token embedding lookup, [S, B, H]
    embs = jnp.take(table, seqs, axis=0)
    # embs[targets, torch.arange(B)] -> gather T target positions per batch column, [T, B, H]
    embs = embs[targets, jnp.arange(embs.shape[1])[None, :]]
    # transpose(0, 1) -> [B, T, H]; reshape -> [B, T*H]
    embs = jnp.transpose(embs, (1, 0, 2)).reshape(embs.shape[1], -1)
    # nn.Linear(hidden_size*4, 1)
    pred = embs @ W + b
    # BCEWithLogitsLoss (mean reduction), numerically stable form
    loss = jnp.mean(jnp.maximum(pred, 0.0) - pred * labels + jnp.log1p(jnp.exp(-jnp.abs(pred))))
    return loss

if __name__ == "__main__":
    import jax
    _d = setup_inputs()
    print(jax.jit(kernel)(*tuple(_d.values())))

</pallas_src>

<mosaic_0001>
#map = affine_map<(d0, d1) -> (0)>
#map1 = affine_map<(d0, d1) -> (0, 0)>
module attributes {stable_mosaic.version = 14 : i64} {
  func.func @_sc_body(%arg0: i32, %arg1: i32, %arg2: memref<819200xi32, #tpu.memory_space<hbm>>, %arg3: memref<16384xi32, #tpu.memory_space<hbm>>, %arg4: memref<1000000x64xf32, #tpu.memory_space<hbm>>, %arg5: memref<256xf32, #tpu.memory_space<hbm>>, %arg6: memref<4096xf32, #tpu.memory_space<hbm>>, %arg7: memref<4x128xi32, #tpu.memory_space<vmem>>, %arg8: memref<4x128xi32, #tpu.memory_space<vmem>>, %arg9: memref<512x64xf32, #tpu.memory_space<vmem>>, %arg10: memref<256xf32, #tpu.memory_space<vmem>>, %arg11: memref<256x16xf32, #tpu.memory_space<vmem>>, %arg12: memref<128xf32, #tpu.memory_space<vmem>>, %arg13: memref<!tpu.dma_semaphore, #tpu.memory_space<semaphore_mem>>) attributes {dimension_semantics = [#tpu.dimension_semantics<core_parallel>, #tpu.dimension_semantics<subcore_parallel>], iteration_bounds = array<i64: 2, 16>, scalar_prefetch = 0 : i64, scratch_operands = 7 : i64, tpu.core_type = #tpu.core_type<sc_vector_subcore>, window_params = [{transform_indices = #map}, {transform_indices = #map}, {transform_indices = #map1}, {transform_indices = #map}, {transform_indices = #map}]} {
    %mul3A = arith.constant 2 : i32
    %mul3A_0 = arith.muli %arg1, %mul3A : i32
    %add3A = arith.addi %mul3A_0, %arg0 : i32
    %mul3A_1 = arith.constant 128 : i32
    %mul3A_2 = arith.muli %add3A, %mul3A_1 : i32
    %add3A_3 = arith.constant 0 : i32
    %add3A_4 = arith.addi %add3A_3, %mul3A_2 : i32
    %run_scoped3A = arith.constant 0 : i32
    "tpu.region"() ({
      %run_scoped3A_1001 = tpu.sem_alloc : memref<!tpu.dma_semaphore, #tpu.memory_space<semaphore_mem>>
      %dma_start3A_1002 = arith.constant 0 : i32
      %dma_start3A_1003 = tpu.memref_slice %arg7[%run_scoped3A, %dma_start3A_1002] : memref<4x128xi32, #tpu.memory_space<vmem>> -> memref<1x128xi32, #tpu.memory_space<vmem>>
      %dma_start3A_1004 = tpu.memref_squeeze %dma_start3A_1003 : memref<1x128xi32, #tpu.memory_space<vmem>> -> memref<128xi32, #tpu.memory_space<vmem>>
      %dma_start3A_1005 = tpu.memref_slice %arg3[%add3A_4] : memref<16384xi32, #tpu.memory_space<hbm>> -> memref<128xi32, #tpu.memory_space<hbm>>
      %dma_start3A_1006 = arith.constant 0 : i32
      %dma_start3A_1007 = tpu.memref_slice %arg7[%run_scoped3A, %dma_start3A_1006] : memref<4x128xi32, #tpu.memory_space<vmem>> -> memref<1x128xi32, #tpu.memory_space<vmem>>
      %dma_start3A_1008 = tpu.memref_squeeze %dma_start3A_1007 : memref<1x128xi32, #tpu.memory_space<vmem>> -> memref<128xi32, #tpu.memory_space<vmem>>
      %dma_start3A_1009 = tpu.memref_slice %arg3[%add3A_4] : memref<16384xi32, #tpu.memory_space<hbm>> -> memref<128xi32, #tpu.memory_space<hbm>>
      tpu.enqueue_dma source(%dma_start3A_1009 : memref<128xi32, #tpu.memory_space<hbm>>) target(%dma_start3A_1008 : memref<128xi32, #tpu.memory_space<vmem>>) target_semaphore(%run_scoped3A_1001 : memref<!tpu.dma_semaphore, #tpu.memory_space<semaphore_mem>>)
      %dma_wait3A_1010 = arith.constant 0 : i32
      %dma_wait3A_1011 = tpu.memref_slice %arg7[%run_scoped3A, %dma_wait3A_1010] : memref<4x128xi32, #tpu.memory_space<vmem>> -> memref<1x128xi32, #tpu.memory_space<vmem>>
      %dma_wait3A_1012 = tpu.memref_squeeze %dma_wait3A_1011 : memref<1x128xi32, #tpu.memory_space<vmem>> -> memref<128xi32, #tpu.memory_space<vmem>>
      %dma_wait3A_1013 = tpu.memref_slice %arg3[%add3A_4] : memref<16384xi32, #tpu.memory_space<hbm>> -> memref<128xi32, #tpu.memory_space<hbm>>
      %dma_wait3A_1014 = arith.constant 0 : i32
      %dma_wait3A_1015 = tpu.memref_slice %arg7[%run_scoped3A, %dma_wait3A_1014] : memref<4x128xi32, #tpu.memory_space<vmem>> -> memref<1x128xi32, #tpu.memory_space<vmem>>
      %dma_wait3A_1016 = tpu.memref_squeeze %dma_wait3A_1015 : memref<1x128xi32, #tpu.memory_space<vmem>> -> memref<128xi32, #tpu.memory_space<vmem>>
      %dma_wait3A_1017 = tpu.memref_slice %arg3[%add3A_4] : memref<16384xi32, #tpu.memory_space<hbm>> -> memref<128xi32, #tpu.memory_space<hbm>>
      tpu.wait_dma2 semaphore(%run_scoped3A_1001 : memref<!tpu.dma_semaphore, #tpu.memory_space<semaphore_mem>>) src(%dma_wait3A_1017 : memref<128xi32, #tpu.memory_space<hbm>>) dst(%dma_wait3A_1016 : memref<128xi32, #tpu.memory_space<vmem>>)
      tpu.yield
    }) : () -> ()
    %add3A_5 = arith.constant 4096 : i32
    %add3A_6 = arith.addi %add3A_5, %mul3A_2 : i32
    %run_scoped3A_7 = arith.constant 1 : i32
    "tpu.region"() ({
      %run_scoped3A_1001 = tpu.sem_alloc : memref<!tpu.dma_semaphore, #tpu.memory_space<semaphore_mem>>
      %dma_start3A_1002 = arith.constant 0 : i32
      %dma_start3A_1003 = tpu.memref_slice %arg7[%run_scoped3A_7, %dma_start3A_1002] : memref<4x128xi32, #tpu.memory_space<vmem>> -> memref<1x128xi32, #tpu.memory_space<vmem>>
      %dma_start3A_1004 = tpu.memref_squeeze %dma_start3A_1003 : memref<1x128xi32, #tpu.memory_space<vmem>> -> memref<128xi32, #tpu.memory_space<vmem>>
      %dma_start3A_1005 = tpu.memref_slice %arg3[%add3A_6] : memref<16384xi32, #tpu.memory_space<hbm>> -> memref<128xi32, #tpu.memory_space<hbm>>
      %dma_start3A_1006 = arith.constant 0 : i32
      %dma_start3A_1007 = tpu.memref_slice %arg7[%run_scoped3A_7, %dma_start3A_1006] : memref<4x128xi32, #tpu.memory_space<vmem>> -> memref<1x128xi32, #tpu.memory_space<vmem>>
      %dma_start3A_1008 = tpu.memref_squeeze %dma_start3A_1007 : memref<1x128xi32, #tpu.memory_space<vmem>> -> memref<128xi32, #tpu.memory_space<vmem>>
      %dma_start3A_1009 = tpu.memref_slice %arg3[%add3A_6] : memref<16384xi32, #tpu.memory_space<hbm>> -> memref<128xi32, #tpu.memory_space<hbm>>
      tpu.enqueue_dma source(%dma_start3A_1009 : memref<128xi32, #tpu.memory_space<hbm>>) target(%dma_start3A_1008 : memref<128xi32, #tpu.memory_space<vmem>>) target_semaphore(%run_scoped3A_1001 : memref<!tpu.dma_semaphore, #tpu.memory_space<semaphore_mem>>)
      %dma_wait3A_1010 = arith.constant 0 : i32
      %dma_wait3A_1011 = tpu.memref_slice %arg7[%run_scoped3A_7, %dma_wait3A_1010] : memref<4x128xi32, #tpu.memory_space<vmem>> -> memref<1x128xi32, #tpu.memory_space<vmem>>
      %dma_wait3A_1012 = tpu.memref_squeeze %dma_wait3A_1011 : memref<1x128xi32, #tpu.memory_space<vmem>> -> memref<128xi32, #tpu.memory_space<vmem>>
      %dma_wait3A_1013 = tpu.memref_slice %arg3[%add3A_6] : memref<16384xi32, #tpu.memory_space<hbm>> -> memref<128xi32, #tpu.memory_space<hbm>>
      %dma_wait3A_1014 = arith.constant 0 : i32
      %dma_wait3A_1015 = tpu.memref_slice %arg7[%run_scoped3A_7, %dma_wait3A_1014] : memref<4x128xi32, #tpu.memory_space<vmem>> -> memref<1x128xi32, #tpu.memory_space<vmem>>
      %dma_wait3A_1016 = tpu.memref_squeeze %dma_wait3A_1015 : memref<1x128xi32, #tpu.memory_space<vmem>> -> memref<128xi32, #tpu.memory_space<vmem>>
      %dma_wait3A_1017 = tpu.memref_slice %arg3[%add3A_6] : memref<16384xi32, #tpu.memory_space<hbm>> -> memref<128xi32, #tpu.memory_space<hbm>>
      tpu.wait_dma2 semaphore(%run_scoped3A_1001 : memref<!tpu.dma_semaphore, #tpu.memory_space<semaphore_mem>>) src(%dma_wait3A_1017 : memref<128xi32, #tpu.memory_space<hbm>>) dst(%dma_wait3A_1016 : memref<128xi32, #tpu.memory_space<vmem>>)
      tpu.yield
    }) : () -> ()
    %add3A_8 = arith.constant 8192 : i32
    %add3A_9 = arith.addi %add3A_8, %mul3A_2 : i32
    %run_scoped3A_10 = arith.constant 2 : i32
    "tpu.region"() ({
      %run_scoped3A_1001 = tpu.sem_alloc : memref<!tpu.dma_semaphore, #tpu.memory_space<semaphore_mem>>
      %dma_start3A_1002 = arith.constant 0 : i32
      %dma_start3A_1003 = tpu.memref_slice %arg7[%run_scoped3A_10, %dma_start3A_1002] : memref<4x128xi32, #tpu.memory_space<vmem>> -> memref<1x128xi32, #tpu.memory_space<vmem>>
      %dma_start3A_1004 = tpu.memref_squeeze %dma_start3A_1003 : memref<1x128xi32, #tpu.memory_space<vmem>> -> memref<128xi32, #tpu.memory_space<vmem>>
      %dma_start3A_1005 = tpu.memref_slice %arg3[%add3A_9] : memref<16384xi32, #tpu.memory_space<hbm>> -> memref<128xi32, #tpu.memory_space<hbm>>
      %dma_start3A_1006 = arith.constant 0 : i32
      %dma_start3A_1007 = tpu.memref_slice %arg7[%run_scoped3A_10, %dma_start3A_1006] : memref<4x128xi32, #tpu.memory_space<vmem>> -> memref<1x128xi32, #tpu.memory_space<vmem>>
      %dma_start3A_1008 = tpu.memref_squeeze %dma_start3A_1007 : memref<1x128xi32, #tpu.memory_space<vmem>> -> memref<128xi32, #tpu.memory_space<vmem>>
      %dma_start3A_1009 = tpu.memref_slice %arg3[%add3A_9] : memref<16384xi32, #tpu.memory_space<hbm>> -> memref<128xi32, #tpu.memory_space<hbm>>
      tpu.enqueue_dma source(%dma_start3A_1009 : memref<128xi32, #tpu.memory_space<hbm>>) target(%dma_start3A_1008 : memref<128xi32, #tpu.memory_space<vmem>>) target_semaphore(%run_scoped3A_1001 : memref<!tpu.dma_semaphore, #tpu.memory_space<semaphore_mem>>)
      %dma_wait3A_1010 = arith.constant 0 : i32
      %dma_wait3A_1011 = tpu.memref_slice %arg7[%run_scoped3A_10, %dma_wait3A_1010] : memref<4x128xi32, #tpu.memory_space<vmem>> -> memref<1x128xi32, #tpu.memory_space<vmem>>
      %dma_wait3A_1012 = tpu.memref_squeeze %dma_wait3A_1011 : memref<1x128xi32, #tpu.memory_space<vmem>> -> memref<128xi32, #tpu.memory_space<vmem>>
      %dma_wait3A_1013 = tpu.memref_slice %arg3[%add3A_9] : memref<16384xi32, #tpu.memory_space<hbm>> -> memref<128xi32, #tpu.memory_space<hbm>>
      %dma_wait3A_1014 = arith.constant 0 : i32
      %dma_wait3A_1015 = tpu.memref_slice %arg7[%run_scoped3A_10, %dma_wait3A_1014] : memref<4x128xi32, #tpu.memory_space<vmem>> -> memref<1x128xi32, #tpu.memory_space<vmem>>
      %dma_wait3A_1016 = tpu.memref_squeeze %dma_wait3A_1015 : memref<1x128xi32, #tpu.memory_space<vmem>> -> memref<128xi32, #tpu.memory_space<vmem>>
      %dma_wait3A_1017 = tpu.memref_slice %arg3[%add3A_9] : memref<16384xi32, #tpu.memory_space<hbm>> -> memref<128xi32, #tpu.memory_space<hbm>>
      tpu.wait_dma2 semaphore(%run_scoped3A_1001 : memref<!tpu.dma_semaphore, #tpu.memory_space<semaphore_mem>>) src(%dma_wait3A_1017 : memref<128xi32, #tpu.memory_space<hbm>>) dst(%dma_wait3A_1016 : memref<128xi32, #tpu.memory_space<vmem>>)
      tpu.yield
    }) : () -> ()
    %add3A_11 = arith.constant 12288 : i32
    %add3A_12 = arith.addi %add3A_11, %mul3A_2 : i32
    %run_scoped3A_13 = arith.constant 3 : i32
    "tpu.region"() ({
      %run_scoped3A_1001 = tpu.sem_alloc : memref<!tpu.dma_semaphore, #tpu.memory_space<semaphore_mem>>
      %dma_start3A_1002 = arith.constant 0 : i32
      %dma_start3A_1003 = tpu.memref_slice %arg7[%run_scoped3A_13, %dma_start3A_1002] : memref<4x128xi32, #tpu.memory_space<vmem>> -> memref<1x128xi32, #tpu.memory_space<vmem>>
      %dma_start3A_1004 = tpu.memref_squeeze %dma_start3A_1003 : memref<1x128xi32, #tpu.memory_space<vmem>> -> memref<128xi32, #tpu.memory_space<vmem>>
      %dma_start3A_1005 = tpu.memref_slice %arg3[%add3A_12] : memref<16384xi32, #tpu.memory_space<hbm>> -> memref<128xi32, #tpu.memory_space<hbm>>
      %dma_start3A_1006 = arith.constant 0 : i32
      %dma_start3A_1007 = tpu.memref_slice %arg7[%run_scoped3A_13, %dma_start3A_1006] : memref<4x128xi32, #tpu.memory_space<vmem>> -> memref<1x128xi32, #tpu.memory_space<vmem>>
      %dma_start3A_1008 = tpu.memref_squeeze %dma_start3A_1007 : memref<1x128xi32, #tpu.memory_space<vmem>> -> memref<128xi32, #tpu.memory_space<vmem>>
      %dma_start3A_1009 = tpu.memref_slice %arg3[%add3A_12] : memref<16384xi32, #tpu.memory_space<hbm>> -> memref<128xi32, #tpu.memory_space<hbm>>
      tpu.enqueue_dma source(%dma_start3A_1009 : memref<128xi32, #tpu.memory_space<hbm>>) target(%dma_start3A_1008 : memref<128xi32, #tpu.memory_space<vmem>>) target_semaphore(%run_scoped3A_1001 : memref<!tpu.dma_semaphore, #tpu.memory_space<semaphore_mem>>)
      %dma_wait3A_1010 = arith.constant 0 : i32
      %dma_wait3A_1011 = tpu.memref_slice %arg7[%run_scoped3A_13, %dma_wait3A_1010] : memref<4x128xi32, #tpu.memory_space<vmem>> -> memref<1x128xi32, #tpu.memory_space<vmem>>
      %dma_wait3A_1012 = tpu.memref_squeeze %dma_wait3A_1011 : memref<1x128xi32, #tpu.memory_space<vmem>> -> memref<128xi32, #tpu.memory_space<vmem>>
      %dma_wait3A_1013 = tpu.memref_slice %arg3[%add3A_12] : memref<16384xi32, #tpu.memory_space<hbm>> -> memref<128xi32, #tpu.memory_space<hbm>>
      %dma_wait3A_1014 = arith.constant 0 : i32
      %dma_wait3A_1015 = tpu.memref_slice %arg7[%run_scoped3A_13, %dma_wait3A_1014] : memref<4x128xi32, #tpu.memory_space<vmem>> -> memref<1x128xi32, #tpu.memory_space<vmem>>
      %dma_wait3A_1016 = tpu.memref_squeeze %dma_wait3A_1015 : memref<1x128xi32, #tpu.memory_space<vmem>> -> memref<128xi32, #tpu.memory_space<vmem>>
      %dma_wait3A_1017 = tpu.memref_slice %arg3[%add3A_12] : memref<16384xi32, #tpu.memory_space<hbm>> -> memref<128xi32, #tpu.memory_space<hbm>>
      tpu.wait_dma2 semaphore(%run_scoped3A_1001 : memref<!tpu.dma_semaphore, #tpu.memory_space<semaphore_mem>>) src(%dma_wait3A_1017 : memref<128xi32, #tpu.memory_space<hbm>>) dst(%dma_wait3A_1016 : memref<128xi32, #tpu.memory_space<vmem>>)
      tpu.yield
    }) : () -> ()
    "tpu.region"() ({
      %run_scoped3A_1001 = tpu.sem_alloc : memref<!tpu.dma_semaphore, #tpu.memory_space<semaphore_mem>>
      tpu.enqueue_dma source(%arg5 : memref<256xf32, #tpu.memory_space<hbm>>) target(%arg10 : memref<256xf32, #tpu.memory_space<vmem>>) target_semaphore(%run_scoped3A_1001 : memref<!tpu.dma_semaphore, #tpu.memory_space<semaphore_mem>>)
      tpu.wait_dma2 semaphore(%run_scoped3A_1001 : memref<!tpu.dma_semaphore, #tpu.memory_space<semaphore_mem>>) src(%arg5 : memref<256xf32, #tpu.memory_space<hbm>>) dst(%arg10 : memref<256xf32, #tpu.memory_space<vmem>>)
      tpu.yield
    }) : () -> ()
    %iota3A = tpu.iota {dimensions = array<i32: 0>} : vector<16xi32>
    %add3A_14 = arith.constant 0 : i32
    %add3A_15 = arith.addi %mul3A_2, %add3A_14 : i32
    %add3A_16 = vector.broadcast %add3A_15 : i32 to vector<16xi32>
    %add3A_17 = arith.addi %iota3A, %add3A_16 : vector<16xi32>
    %get3A = arith.constant 0 : i32
    %get3A_18 = arith.index_cast %get3A : i32 to index
    %get3A_19 = arith.constant 0 : index
    %get3A_20 = tpu.vector_load %arg7[%get3A_18, %get3A_19] {strides = array<i32>} : memref<4x128xi32, #tpu.memory_space<vmem>>, vector<16xi32>,
    %mul3A_21 = arith.constant 4096 : i32
    %mul3A_22 = vector.broadcast %mul3A_21 : i32 to vector<16xi32>
    %mul3A_23 = arith.muli %get3A_20, %mul3A_22 : vector<16xi32>
    %add3A_24 = arith.addi %mul3A_23, %add3A_17 : vector<16xi32>
    %swap3A = arith.constant 0 : i32
    %swap3A_25 = arith.index_cast %swap3A : i32 to index
    %swap3A_26 = arith.constant 0 : index
    %swap3A_27 = tpu.vector_load %arg7[%swap3A_25, %swap3A_26] {strides = array<i32>} : memref<4x128xi32, #tpu.memory_space<vmem>>, vector<16xi32>,
    tpu.vector_store %arg7[%swap3A_25, %swap3A_26], %add3A_24 {strides = array<i32>} : memref<4x128xi32, #tpu.memory_space<vmem>>, vector<16xi32>,
    %iota3A_28 = tpu.iota {dimensions = array<i32: 0>} : vector<16xi32>
    %add3A_29 = arith.constant 16 : i32
    %add3A_30 = arith.addi %mul3A_2, %add3A_29 : i32
    %add3A_31 = vector.broadcast %add3A_30 : i32 to vector<16xi32>
    %add3A_32 = arith.addi %iota3A_28, %add3A_31 : vector<16xi32>
    %get3A_33 = arith.constant 0 : i32
    %get3A_34 = arith.index_cast %get3A_33 : i32 to index
    %get3A_35 = arith.constant 16 : index
    %get3A_36 = tpu.vector_load %arg7[%get3A_34, %get3A_35] {strides = array<i32>} : memref<4x128xi32, #tpu.memory_space<vmem>>, vector<16xi32>,
    %mul3A_37 = arith.constant 4096 : i32
    %mul3A_38 = vector.broadcast %mul3A_37 : i32 to vector<16xi32>
    %mul3A_39 = arith.muli %get3A_36, %mul3A_38 : vector<16xi32>
    %add3A_40 = arith.addi %mul3A_39, %add3A_32 : vector<16xi32>
    %swap3A_41 = arith.constant 0 : i32
    %swap3A_42 = arith.index_cast %swap3A_41 : i32 to index
    %swap3A_43 = arith.constant 16 : index
    %swap3A_44 = tpu.vector_load %arg7[%swap3A_42, %swap3A_43] {strides = array<i32>} : memref<4x128xi32, #tpu.memory_space<vmem>>, vector<16xi32>,
    tpu.vector_store %arg7[%swap3A_42, %swap3A_43], %add3A_40 {strides = array<i32>} : memref<4x128xi32, #tpu.memory_space<vmem>>, vector<16xi32>,
    %iota3A_45 = tpu.iota {dimensions = array<i32: 0>} : vector<16xi32>
    %add3A_46 = arith.constant 32 : i32
    %add3A_47 = arith.addi %mul3A_2, %add3A_46 : i32
    %add3A_48 = vector.broadcast %add3A_47 : i32 to vector<16xi32>
    %add3A_49 = arith.addi %iota3A_45, %add3A_48 : vector<16xi32>
    %get3A_50 = arith.constant 0 : i32
    %get3A_51 = arith.index_cast %get3A_50 : i32 to index
    %get3A_52 = arith.constant 32 : index
    %get3A_53 = tpu.vector_load %arg7[%get3A_51, %get3A_52] {strides = array<i32>} : memref<4x128xi32, #tpu.memory_space<vmem>>, vector<16xi32>,
    %mul3A_54 = arith.constant 4096 : i32
    %mul3A_55 = vector.broadcast %mul3A_54 : i32 to vector<16xi32>
    %mul3A_56 = arith.muli %get3A_53, %mul3A_55 : vector<16xi32>
    %add3A_57 = arith.addi %mul3A_56, %add3A_49 : vector<16xi32>
    %swap3A_58 = arith.constant 0 : i32
    %swap3A_59 = arith.index_cast %swap3A_58 : i32 to index
    %swap3A_60 = arith.constant 32 : index
    %swap3A_61 = tpu.vector_load %arg7[%swap3A_59, %swap3A_60] {strides = array<i32>} : memref<4x128xi32, #tpu.memory_space<vmem>>, vector<16xi32>,
    tpu.vector_store %arg7[%swap3A_59, %swap3A_60], %add3A_57 {strides = array<i32>} : memref<4x128xi32, #tpu.memory_space<vmem>>, vector<16xi32>,
    %iota3A_62 = tpu.iota {dimensions = array<i32: 0>} : vector<16xi32>
    %add3A_63 = arith.constant 48 : i32
    %add3A_64 = arith.addi %mul3A_2, %add3A_63 : i32
    %add3A_65 = vector.broadcast %add3A_64 : i32 to vector<16xi32>
    %add3A_66 = arith.addi %iota3A_62, %add3A_65 : vector<16xi32>
    %get3A_67 = arith.constant 0 : i32
    %get3A_68 = arith.index_cast %get3A_67 : i32 to index
    %get3A_69 = arith.constant 48 : index
    %get3A_70 = tpu.vector_load %arg7[%get3A_68, %get3A_69] {strides = array<i32>} : memref<4x128xi32, #tpu.memory_space<vmem>>, vector<16xi32>,
    %mul3A_71 = arith.constant 4096 : i32
    %mul3A_72 = vector.broadcast %mul3A_71 : i32 to vector<16xi32>
    %mul3A_73 = arith.muli %get3A_70, %mul3A_72 : vector<16xi32>
    %add3A_74 = arith.addi %mul3A_73, %add3A_66 : vector<16xi32>
    %swap3A_75 = arith.constant 0 : i32
    %swap3A_76 = arith.index_cast %swap3A_75 : i32 to index
    %swap3A_77 = arith.constant 48 : index
    %swap3A_78 = tpu.vector_load %arg7[%swap3A_76, %swap3A_77] {strides = array<i32>} : memref<4x128xi32, #tpu.memory_space<vmem>>, vector<16xi32>,
    tpu.vector_store %arg7[%swap3A_76, %swap3A_77], %add3A_74 {strides = array<i32>} : memref<4x128xi32, #tpu.memory_space<vmem>>, vector<16xi32>,
    %iota3A_79 = tpu.iota {dimensions = array<i32: 0>} : vector<16xi32>
    %add3A_80 = arith.constant 64 : i32
    %add3A_81 = arith.addi %mul3A_2, %add3A_80 : i32
    %add3A_82 = vector.broadcast %add3A_81 : i32 to vector<16xi32>
    %add3A_83 = arith.addi %iota3A_79, %add3A_82 : vector<16xi32>
    %get3A_84 = arith.constant 0 : i32
    %get3A_85 = arith.index_cast %get3A_84 : i32 to index
    %get3A_86 = arith.constant 64 : index
    %get3A_87 = tpu.vector_load %arg7[%get3A_85, %get3A_86] {strides = array<i32>} : memref<4x128xi32, #tpu.memory_space<vmem>>, vector<16xi32>,
    %mul3A_88 = arith.constant 4096 : i32
    %mul3A_89 = vector.broadcast %mul3A_88 : i32 to vector<16xi32>
    %mul3A_90 = arith.muli %get3A_87, %mul3A_89 : vector<16xi32>
    %add3A_91 = arith.addi %mul3A_90, %add3A_83 : vector<16xi32>
    %swap3A_92 = arith.constant 0 : i32
    %swap3A_93 = arith.index_cast %swap3A_92 : i32 to index
    %swap3A_94 = arith.constant 64 : index
    %swap3A_95 = tpu.vector_load %arg7[%swap3A_93, %swap3A_94] {strides = array<i32>} : memref<4x128xi32, #tpu.memory_space<vmem>>, vector<16xi32>,
    tpu.vector_store %arg7[%swap3A_93, %swap3A_94], %add3A_91 {strides = array<i32>} : memref<4x128xi32, #tpu.memory_space<vmem>>, vector<16xi32>,
    %iota3A_96 = tpu.iota {dimensions = array<i32: 0>} : vector<16xi32>
    %add3A_97 = arith.constant 80 : i32
    %add3A_98 = arith.addi %mul3A_2, %add3A_97 : i32
    %add3A_99 = vector.broadcast %add3A_98 : i32 to vector<16xi32>
    %add3A_100 = arith.addi %iota3A_96, %add3A_99 : vector<16xi32>
    %get3A_101 = arith.constant 0 : i32
    %get3A_102 = arith.index_cast %get3A_101 : i32 to index
    %get3A_103 = arith.constant 80 : index
    %get3A_104 = tpu.vector_load %arg7[%get3A_102, %get3A_103] {strides = array<i32>} : memref<4x128xi32, #tpu.memory_space<vmem>>, vector<16xi32>,
    %mul3A_105 = arith.constant 4096 : i32
    %mul3A_106 = vector.broadcast %mul3A_105 : i32 to vector<16xi32>
    %mul3A_107 = arith.muli %get3A_104, %mul3A_106 : vector<16xi32>
    %add3A_108 = arith.addi %mul3A_107, %add3A_100 : vector<16xi32>
    %swap3A_109 = arith.constant 0 : i32
    %swap3A_110 = arith.index_cast %swap3A_109 : i32 to index
    %swap3A_111 = arith.constant 80 : index
    %swap3A_112 = tpu.vector_load %arg7[%swap3A_110, %swap3A_111] {strides = array<i32>} : memref<4x128xi32, #tpu.memory_space<vmem>>, vector<16xi32>,
    tpu.vector_store %arg7[%swap3A_110, %swap3A_111], %add3A_108 {strides = array<i32>} : memref<4x128xi32, #tpu.memory_space<vmem>>, vector<16xi32>,
    %iota3A_113 = tpu.iota {dimensions = array<i32: 0>} : vector<16xi32>
    %add3A_114 = arith.constant 96 : i32
    %add3A_115 = arith.addi %mul3A_2, %add3A_114 : i32
    %add3A_116 = vector.broadcast %add3A_115 : i32 to vector<16xi32>
    %add3A_117 = arith.addi %iota3A_113, %add3A_116 : vector<16xi32>
    %get3A_118 = arith.constant 0 : i32
    %get3A_119 = arith.index_cast %get3A_118 : i32 to index
    %get3A_120 = arith.constant 96 : index
    %get3A_121 = tpu.vector_load %arg7[%get3A_119, %get3A_120] {strides = array<i32>} : memref<4x128xi32, #tpu.memory_space<vmem>>, vector<16xi32>,
    %mul3A_122 = arith.constant 4096 : i32
    %mul3A_123 = vector.broadcast %mul3A_122 : i32 to vector<16xi32>
    %mul3A_124 = arith.muli %get3A_121, %mul3A_123 : vector<16xi32>
    %add3A_125 = arith.addi %mul3A_124, %add3A_117 : vector<16xi32>
    %swap3A_126 = arith.constant 0 : i32
    %swap3A_127 = arith.index_cast %swap3A_126 : i32 to index
    %swap3A_128 = arith.constant 96 : index
    %swap3A_129 = tpu.vector_load %arg7[%swap3A_127, %swap3A_128] {strides = array<i32>} : memref<4x128xi32, #tpu.memory_space<vmem>>, vector<16xi32>,
    tpu.vector_store %arg7[%swap3A_127, %swap3A_128], %add3A_125 {strides = array<i32>} : memref<4x128xi32, #tpu.memory_space<vmem>>, vector<16xi32>,
    %iota3A_130 = tpu.iota {dimensions = array<i32: 0>} : vector<16xi32>
    %add3A_131 = arith.constant 112 : i32
    %add3A_132 = arith.addi %mul3A_2, %add3A_131 : i32
    %add3A_133 = vector.broadcast %add3A_132 : i32 to vector<16xi32>
    %add3A_134 = arith.addi %iota3A_130, %add3A_133 : vector<16xi32>
    %get3A_135 = arith.constant 0 : i32
    %get3A_136 = arith.index_cast %get3A_135 : i32 to index
    %get3A_137 = arith.constant 112 : index
    %get3A_138 = tpu.vector_load %arg7[%get3A_136, %get3A_137] {strides = array<i32>} : memref<4x128xi32, #tpu.memory_space<vmem>>, vector<16xi32>,
    %mul3A_139 = arith.constant 4096 : i32
    %mul3A_140 = vector.broadcast %mul3A_139 : i32 to vector<16xi32>
    %mul3A_141 = arith.muli %get3A_138, %mul3A_140 : vector<16xi32>
    %add3A_142 = arith.addi %mul3A_141, %add3A_134 : vector<16xi32>
    %swap3A_143 = arith.constant 0 : i32
    %swap3A_144 = arith.index_cast %swap3A_143 : i32 to index
    %swap3A_145 = arith.constant 112 : index
    %swap3A_146 = tpu.vector_load %arg7[%swap3A_144, %swap3A_145] {strides = array<i32>} : memref<4x128xi32, #tpu.memory_space<vmem>>, vector<16xi32>,
    tpu.vector_store %arg7[%swap3A_144, %swap3A_145], %add3A_142 {strides = array<i32>} : memref<4x128xi32, #tpu.memory_space<vmem>>, vector<16xi32>,
    %iota3A_147 = tpu.iota {dimensions = array<i32: 0>} : vector<16xi32>
    %add3A_148 = arith.constant 0 : i32
    %add3A_149 = arith.addi %mul3A_2, %add3A_148 : i32
    %add3A_150 = vector.broadcast %add3A_149 : i32 to vector<16xi32>
    %add3A_151 = arith.addi %iota3A_147, %add3A_150 : vector<16xi32>
    %get3A_152 = arith.constant 1 : i32
    %get3A_153 = arith.index_cast %get3A_152 : i32 to index
    %get3A_154 = arith.constant 0 : index
    %get3A_155 = tpu.vector_load %arg7[%get3A_153, %get3A_154] {strides = array<i32>} : memref<4x128xi32, #tpu.memory_space<vmem>>, vector<16xi32>,
    %mul3A_156 = arith.constant 4096 : i32
    %mul3A_157 = vector.broadcast %mul3A_156 : i32 to vector<16xi32>
    %mul3A_158 = arith.muli %get3A_155, %mul3A_157 : vector<16xi32>
    %add3A_159 = arith.addi %mul3A_158, %add3A_151 : vector<16xi32>
    %swap3A_160 = arith.constant 1 : i32
    %swap3A_161 = arith.index_cast %swap3A_160 : i32 to index
    %swap3A_162 = arith.constant 0 : index
    %swap3A_163 = tpu.vector_load %arg7[%swap3A_161, %swap3A_162] {strides = array<i32>} : memref<4x128xi32, #tpu.memory_space<vmem>>, vector<16xi32>,
    tpu.vector_store %arg7[%swap3A_161, %swap3A_162], %add3A_159 {strides = array<i32>} : memref<4x128xi32, #tpu.memory_space<vmem>>, vector<16xi32>,
    %iota3A_164 = tpu.iota {dimensions = array<i32: 0>} : vector<16xi32>
    %add3A_165 = arith.constant 16 : i32
    %add3A_166 = arith.addi %mul3A_2, %add3A_165 : i32
    %add3A_167 = vector.broadcast %add3A_166 : i32 to vector<16xi32>
    %add3A_168 = arith.addi %iota3A_164, %add3A_167 : vector<16xi32>
    %get3A_169 = arith.constant 1 : i32
    %get3A_170 = arith.index_cast %get3A_169 : i32 to index
    %get3A_171 = arith.constant 16 : index
    %get3A_172 = tpu.vector_load %arg7[%get3A_170, %get3A_171] {strides = array<i32>} : memref<4x128xi32, #tpu.memory_space<vmem>>, vector<16xi32>,
    %mul3A_173 = arith.constant 4096 : i32
    %mul3A_174 = vector.broadcast %mul3A_173 : i32 to vector<16xi32>
    %mul3A_175 = arith.muli %get3A_172, %mul3A_174 : vector<16xi32>
    %add3A_176 = arith.addi %mul3A_175, %add3A_168 : vector<16xi32>
    %swap3A_177 = arith.constant 1 : i32
    %swap3A_178 = arith.index_cast %swap3A_177 : i32 to index
    %swap3A_179 = arith.constant 16 : index
    %swap3A_180 = tpu.vector_load %arg7[%swap3A_178, %swap3A_179] {strides = array<i32>} : memref<4x128xi32, #tpu.memory_space<vmem>>, vector<16xi32>,
    tpu.vector_store %arg7[%swap3A_178, %swap3A_179], %add3A_176 {strides = array<i32>} : memref<4x128xi32, #tpu.memory_space<vmem>>, vector<16xi32>,
    %iota3A_181 = tpu.iota {dimensions = array<i32: 0>} : vector<16xi32>
    %add3A_182 = arith.constant 32 : i32
    %add3A_183 = arith.addi %mul3A_2, %add3A_182 : i32
    %add3A_184 = vector.broadcast %add3A_183 : i32 to vector<16xi32>
    %add3A_185 = arith.addi %iota3A_181, %add3A_184 : vector<16xi32>
    %get3A_186 = arith.constant 1 : i32
    %get3A_187 = arith.index_cast %get3A_186 : i32 to index
    %get3A_188 = arith.constant 32 : index
    %get3A_189 = tpu.vector_load %arg7[%get3A_187, %get3A_188] {strides = array<i32>} : memref<4x128xi32, #tpu.memory_space<vmem>>, vector<16xi32>,
    %mul3A_190 = arith.constant 4096 : i32
    %mul3A_191 = vector.broadcast %mul3A_190 : i32 to vector<16xi32>
    %mul3A_192 = arith.muli %get3A_189, %mul3A_191 : vector<16xi32>
    %add3A_193 = arith.addi %mul3A_192, %add3A_185 : vector<16xi32>
    %swap3A_194 = arith.constant 1 : i32
    %swap3A_195 = arith.index_cast %swap3A_194 : i32 to index
    %swap3A_196 = arith.constant 32 : index
    %swap3A_197 = tpu.vector_load %arg7[%swap3A_195, %swap3A_196] {strides = array<i32>} : memref<4x128xi32, #tpu.memory_space<vmem>>, vector<16xi32>,
    tpu.vector_store %arg7[%swap3A_195, %swap3A_196], %add3A_193 {strides = array<i32>} : memref<4x128xi32, #tpu.memory_space<vmem>>, vector<16xi32>,
    %iota3A_198 = tpu.iota {dimensions = array<i32: 0>} : vector<16xi32>
    %add3A_199 = arith.constant 48 : i32
    %add3A_200 = arith.addi %mul3A_2, %add3A_199 : i32
    %add3A_201 = vector.broadcast %add3A_200 : i32 to vector<16xi32>
    %add3A_202 = arith.addi %iota3A_198, %add3A_201 : vector<16xi32>
    %get3A_203 = arith.constant 1 : i32
    %get3A_204 = arith.index_cast %get3A_203 : i32 to index
    %get3A_205 = arith.constant 48 : index
    %get3A_206 = tpu.vector_load %arg7[%get3A_204, %get3A_205] {strides = array<i32>} : memref<4x128xi32, #tpu.memory_space<vmem>>, vector<16xi32>,
    %mul3A_207 = arith.constant 4096 : i32
    %mul3A_208 = vector.broadcast %mul3A_207 : i32 to vector<16xi32>
    %mul3A_209 = arith.muli %get3A_206, %mul3A_208 : vector<16xi32>
    %add3A_210 = arith.addi %mul3A_209, %add3A_202 : vector<16xi32>
    %swap3A_211 = arith.constant 1 : i32
    %swap3A_212 = arith.index_cast %swap3A_211 : i32 to index
    %swap3A_213 = arith.constant 48 : index
    %swap3A_214 = tpu.vector_load %arg7[%swap3A_212, %swap3A_213] {strides = array<i32>} : memref<4x128xi32, #tpu.memory_space<vmem>>, vector<16xi32>,
    tpu.vector_store %arg7[%swap3A_212, %swap3A_213], %add3A_210 {strides = array<i32>} : memref<4x128xi32, #tpu.memory_space<vmem>>, vector<16xi32>,
    %iota3A_215 = tpu.iota {dimensions = array<i32: 0>} : vector<16xi32>
    %add3A_216 = arith.constant 64 : i32
    %add3A_217 = arith.addi %mul3A_2, %add3A_216 : i32
    %add3A_218 = vector.broadcast %add3A_217 : i32 to vector<16xi32>
    %add3A_219 = arith.addi %iota3A_215, %add3A_218 : vector<16xi32>
    %get3A_220 = arith.constant 1 : i32
    %get3A_221 = arith.index_cast %get3A_220 : i32 to index
    %get3A_222 = arith.constant 64 : index
    %get3A_223 = tpu.vector_load %arg7[%get3A_221, %get3A_222] {strides = array<i32>} : memref<4x128xi32, #tpu.memory_space<vmem>>, vector<16xi32>,
    %mul3A_224 = arith.constant 4096 : i32
    %mul3A_225 = vector.broadcast %mul3A_224 : i32 to vector<16xi32>
    %mul3A_226 = arith.muli %get3A_223, %mul3A_225 : vector<16xi32>
    %add3A_227 = arith.addi %mul3A_226, %add3A_219 : vector<16xi32>
    %swap3A_228 = arith.constant 1 : i32
    %swap3A_229 = arith.index_cast %swap3A_228 : i32 to index
    %swap3A_230 = arith.constant 64 : index
    %swap3A_231 = tpu.vector_load %arg7[%swap3A_229, %swap3A_230] {strides = array<i32>} : memref<4x128xi32, #tpu.memory_space<vmem>>, vector<16xi32>,
    tpu.vector_store %arg7[%swap3A_229, %swap3A_230], %add3A_227 {strides = array<i32>} : memref<4x128xi32, #tpu.memory_space<vmem>>, vector<16xi32>,
    %iota3A_232 = tpu.iota {dimensions = array<i32: 0>} : vector<16xi32>
    %add3A_233 = arith.constant 80 : i32
    %add3A_234 = arith.addi %mul3A_2, %add3A_233 : i32
    %add3A_235 = vector.broadcast %add3A_234 : i32 to vector<16xi32>
    %add3A_236 = arith.addi %iota3A_232, %add3A_235 : vector<16xi32>
    %get3A_237 = arith.constant 1 : i32
    %get3A_238 = arith.index_cast %get3A_237 : i32 to index
    %get3A_239 = arith.constant 80 : index
    %get3A_240 = tpu.vector_load %arg7[%get3A_238, %get3A_239] {strides = array<i32>} : memref<4x128xi32, #tpu.memory_space<vmem>>, vector<16xi32>,
    %mul3A_241 = arith.constant 4096 : i32
    %mul3A_242 = vector.broadcast %mul3A_241 : i32 to vector<16xi32>
    %mul3A_243 = arith.muli %get3A_240, %mul3A_242 : vector<16xi32>
    %add3A_244 = arith.addi %mul3A_243, %add3A_236 : vector<16xi32>
    %swap3A_245 = arith.constant 1 : i32
    %swap3A_246 = arith.index_cast %swap3A_245 : i32 to index
    %swap3A_247 = arith.constant 80 : index
    %swap3A_248 = tpu.vector_load %arg7[%swap3A_246, %swap3A_247] {strides = array<i32>} : memref<4x128xi32, #tpu.memory_space<vmem>>, vector<16xi32>,
    tpu.vector_store %arg7[%swap3A_246, %swap3A_247], %add3A_244 {strides = array<i32>} : memref<4x128xi32, #tpu.memory_space<vmem>>, vector<16xi32>,
    %iota3A_249 = tpu.iota {dimensions = array<i32: 0>} : vector<16xi32>
    %add3A_250 = arith.constant 96 : i32
    %add3A_251 = arith.addi %mul3A_2, %add3A_250 : i32
    %add3A_252 = vector.broadcast %add3A_251 : i32 to vector<16xi32>
    %add3A_253 = arith.addi %iota3A_249, %add3A_252 : vector<16xi32>
    %get3A_254 = arith.constant 1 : i32
    %get3A_255 = arith.index_cast %get3A_254 : i32 to index
    %get3A_256 = arith.constant 96 : index
    %get3A_257 = tpu.vector_load %arg7[%get3A_255, %get3A_256] {strides = array<i32>} : memref<4x128xi32, #tpu.memory_space<vmem>>, vector<16xi32>,
    %mul3A_258 = arith.constant 4096 : i32
    %mul3A_259 = vector.broadcast %mul3A_258 : i32 to vector<16xi32>
    %mul3A_260 = arith.muli %get3A_257, %mul3A_259 : vector<16xi32>
    %add3A_261 = arith.addi %mul3A_260, %add3A_253 : vector<16xi32>
    %swap3A_262 = arith.constant 1 : i32
    %swap3A_263 = arith.index_cast %swap3A_262 : i32 to index
    %swap3A_264 = arith.constant 96 : index
    %swap3A_265 = tpu.vector_load %arg7[%swap3A_263, %swap3A_264] {strides = array<i32>} : memref<4x128xi32, #tpu.memory_space<vmem>>, vector<16xi32>,
    tpu.vector_store %arg7[%swap3A_263, %swap3A_264], %add3A_261 {strides = array<i32>} : memref<4x128xi32, #tpu.memory_space<vmem>>, vector<16xi32>,
    %iota3A_266 = tpu.iota {dimensions = array<i32: 0>} : vector<16xi32>
    %add3A_267 = arith.constant 112 : i32
    %add3A_268 = arith.addi %mul3A_2, %add3A_267 : i32
    %add3A_269 = vector.broadcast %add3A_268 : i32 to vector<16xi32>
    %add3A_270 = arith.addi %iota3A_266, %add3A_269 : vector<16xi32>
    %get3A_271 = arith.constant 1 : i32
    %get3A_272 = arith.index_cast %get3A_271 : i32 to index
    %get3A_273 = arith.constant 112 : index
    %get3A_274 = tpu.vector_load %arg7[%get3A_272, %get3A_273] {strides = array<i32>} : memref<4x128xi32, #tpu.memory_space<vmem>>, vector<16xi32>,
    %mul3A_275 = arith.constant 4096 : i32
    %mul3A_276 = vector.broadcast %mul3A_275 : i32 to vector<16xi32>
    %mul3A_277 = arith.muli %get3A_274, %mul3A_276 : vector<16xi32>
    %add3A_278 = arith.addi %mul3A_277, %add3A_270 : vector<16xi32>
    %swap3A_279 = arith.constant 1 : i32
    %swap3A_280 = arith.index_cast %swap3A_279 : i32 to index
    %swap3A_281 = arith.constant 112 : index
    %swap3A_282 = tpu.vector_load %arg7[%swap3A_280, %swap3A_281] {strides = array<i32>} : memref<4x128xi32, #tpu.memory_space<vmem>>, vector<16xi32>,
    tpu.vector_store %arg7[%swap3A_280, %swap3A_281], %add3A_278 {strides = array<i32>} : memref<4x128xi32, #tpu.memory_space<vmem>>, vector<16xi32>,
    %iota3A_283 = tpu.iota {dimensions = array<i32: 0>} : vector<16xi32>
    %add3A_284 = arith.constant 0 : i32
    %add3A_285 = arith.addi %mul3A_2, %add3A_284 : i32
    %add3A_286 = vector.broadcast %add3A_285 : i32 to vector<16xi32>
    %add3A_287 = arith.addi %iota3A_283, %add3A_286 : vector<16xi32>
    %get3A_288 = arith.constant 2 : i32
    %get3A_289 = arith.index_cast %get3A_288 : i32 to index
    %get3A_290 = arith.constant 0 : index
    %get3A_291 = tpu.vector_load %arg7[%get3A_289, %get3A_290] {strides = array<i32>} : memref<4x128xi32, #tpu.memory_space<vmem>>, vector<16xi32>,
    %mul3A_292 = arith.constant 4096 : i32
    %mul3A_293 = vector.broadcast %mul3A_292 : i32 to vector<16xi32>
    %mul3A_294 = arith.muli %get3A_291, %mul3A_293 : vector<16xi32>
    %add3A_295 = arith.addi %mul3A_294, %add3A_287 : vector<16xi32>
    %swap3A_296 = arith.constant 2 : i32
    %swap3A_297 = arith.index_cast %swap3A_296 : i32 to index
    %swap3A_298 = arith.constant 0 : index
    %swap3A_299 = tpu.vector_load %arg7[%swap3A_297, %swap3A_298] {strides = array<i32>} : memref<4x128xi32, #tpu.memory_space<vmem>>, vector<16xi32>,
    tpu.vector_store %arg7[%swap3A_297, %swap3A_298], %add3A_295 {strides = array<i32>} : memref<4x128xi32, #tpu.memory_space<vmem>>, vector<16xi32>,
    %iota3A_300 = tpu.iota {dimensions = array<i32: 0>} : vector<16xi32>
    %add3A_301 = arith.constant 16 : i32
    %add3A_302 = arith.addi %mul3A_2, %add3A_301 : i32
    %add3A_303 = vector.broadcast %add3A_302 : i32 to vector<16xi32>
    %add3A_304 = arith.addi %iota3A_300, %add3A_303 : vector<16xi32>
    %get3A_305 = arith.constant 2 : i32
    %get3A_306 = arith.index_cast %get3A_305 : i32 to index
    %get3A_307 = arith.constant 16 : index
    %get3A_308 = tpu.vector_load %arg7[%get3A_306, %get3A_307] {strides = array<i32>} : memref<4x128xi32, #tpu.memory_space<vmem>>, vector<16xi32>,
    %mul3A_309 = arith.constant 4096 : i32
    %mul3A_310 = vector.broadcast %mul3A_309 : i32 to vector<16xi32>
    %mul3A_311 = arith.muli %get3A_308, %mul3A_310 : vector<16xi32>
    %add3A_312 = arith.addi %mul3A_311, %add3A_304 : vector<16xi32>
    %swap3A_313 = arith.constant 2 : i32
    %swap3A_314 = arith.index_cast %swap3A_313 : i32 to index
    %swap3A_315 = arith.constant 16 : index
    %swap3A_316 = tpu.vector_load %arg7[%swap3A_314, %swap3A_315] {strides = array<i32>} : memref<4x128xi32, #tpu.memory_space<vmem>>, vector<16xi32>,
    tpu.vector_store %arg7[%swap3A_314, %swap3A_315], %add3A_312 {strides = array<i32>} : memref<4x128xi32, #tpu.memory_space<vmem>>, vector<16xi32>,
    %iota3A_317 = tpu.iota {dimensions = array<i32: 0>} : vector<16xi32>
    %add3A_318 = arith.constant 32 : i32
    %add3A_319 = arith.addi %mul3A_2, %add3A_318 : i32
    %add3A_320 = vector.broadcast %add3A_319 : i32 to vector<16xi32>
    %add3A_321 = arith.addi %iota3A_317, %add3A_320 : vector<16xi32>
    %get3A_322 = arith.constant 2 : i32
    %get3A_323 = arith.index_cast %get3A_322 : i32 to index
    %get3A_324 = arith.constant 32 : index
    %get3A_325 = tpu.vector_load %arg7[%get3A_323, %get3A_324] {strides = array<i32>} : memref<4x128xi32, #tpu.memory_space<vmem>>, vector<16xi32>,
    %mul3A_326 = arith.constant 4096 : i32
    %mul3A_327 = vector.broadcast %mul3A_326 : i32 to vector<16xi32>
    %mul3A_328 = arith.muli %get3A_325, %mul3A_327 : vector<16xi32>
    %add3A_329 = arith.addi %mul3A_328, %add3A_321 : vector<16xi32>
    %swap3A_330 = arith.constant 2 : i32
    %swap3A_331 = arith.index_cast %swap3A_330 : i32 to index
    %swap3A_332 = arith.constant 32 : index
    %swap3A_333 = tpu.vector_load %arg7[%swap3A_331, %swap3A_332] {strides = array<i32>} : memref<4x128xi32, #tpu.memory_space<vmem>>, vector<16xi32>,
    tpu.vector_store %arg7[%swap3A_331, %swap3A_332], %add3A_329 {strides = array<i32>} : memref<4x128xi32, #tpu.memory_space<vmem>>, vector<16xi32>,
    %iota3A_334 = tpu.iota {dimensions = array<i32: 0>} : vector<16xi32>
    %add3A_335 = arith.constant 48 : i32
    %add3A_336 = arith.addi %mul3A_2, %add3A_335 : i32
    %add3A_337 = vector.broadcast %add3A_336 : i32 to vector<16xi32>
    %add3A_338 = arith.addi %iota3A_334, %add3A_337 : vector<16xi32>
    %get3A_339 = arith.constant 2 : i32
    %get3A_340 = arith.index_cast %get3A_339 : i32 to index
    %get3A_341 = arith.constant 48 : index
    %get3A_342 = tpu.vector_load %arg7[%get3A_340, %get3A_341] {strides = array<i32>} : memref<4x128xi32, #tpu.memory_space<vmem>>, vector<16xi32>,
    %mul3A_343 = arith.constant 4096 : i32
    %mul3A_344 = vector.broadcast %mul3A_343 : i32 to vector<16xi32>
    %mul3A_345 = arith.muli %get3A_342, %mul3A_344 : vector<16xi32>
    %add3A_346 = arith.addi %mul3A_345, %add3A_338 : vector<16xi32>
    %swap3A_347 = arith.constant 2 : i32
    %swap3A_348 = arith.index_cast %swap3A_347 : i32 to index
    %swap3A_349 = arith.constant 48 : index
    %swap3A_350 = tpu.vector_load %arg7[%swap3A_348, %swap3A_349] {strides = array<i32>} : memref<4x128xi32, #tpu.memory_space<vmem>>, vector<16xi32>,
    tpu.vector_store %arg7[%swap3A_348, %swap3A_349], %add3A_346 {strides = array<i32>} : memref<4x128xi32, #tpu.memory_space<vmem>>, vector<16xi32>,
    %iota3A_351 = tpu.iota {dimensions = array<i32: 0>} : vector<16xi32>
    %add3A_352 = arith.constant 64 : i32
    %add3A_353 = arith.addi %mul3A_2, %add3A_352 : i32
    %add3A_354 = vector.broadcast %add3A_353 : i32 to vector<16xi32>
    %add3A_355 = arith.addi %iota3A_351, %add3A_354 : vector<16xi32>
    %get3A_356 = arith.constant 2 : i32
    %get3A_357 = arith.index_cast %get3A_356 : i32 to index
    %get3A_358 = arith.constant 64 : index
    %get3A_359 = tpu.vector_load %arg7[%get3A_357, %get3A_358] {strides = array<i32>} : memref<4x128xi32, #tpu.memory_space<vmem>>, vector<16xi32>,
    %mul3A_360 = arith.constant 4096 : i32
    %mul3A_361 = vector.broadcast %mul3A_360 : i32 to vector<16xi32>
    %mul3A_362 = arith.muli %get3A_359, %mul3A_361 : vector<16xi32>
    %add3A_363 = arith.addi %mul3A_362, %add3A_355 : vector<16xi32>
    %swap3A_364 = arith.constant 2 : i32
    %swap3A_365 = arith.index_cast %swap3A_364 : i32 to index
    %swap3A_366 = arith.constant 64 : index
    %swap3A_367 = tpu.vector_load %arg7[%swap3A_365, %swap3A_366] {strides = array<i32>} : memref<4x128xi32, #tpu.memory_space<vmem>>, vector<16xi32>,
    tpu.vector_store %arg7[%swap3A_365, %swap3A_366], %add3A_363 {strides = array<i32>} : memref<4x128xi32, #tpu.memory_space<vmem>>, vector<16xi32>,
    %iota3A_368 = tpu.iota {dimensions = array<i32: 0>} : vector<16xi32>
    %add3A_369 = arith.constant 80 : i32
    %add3A_370 = arith.addi %mul3A_2, %add3A_369 : i32
    %add3A_371 = vector.broadcast %add3A_370 : i32 to vector<16xi32>
    %add3A_372 = arith.addi %iota3A_368, %add3A_371 : vector<16xi32>
    %get3A_373 = arith.constant 2 : i32
    %get3A_374 = arith.index_cast %get3A_373 : i32 to index
    %get3A_375 = arith.constant 80 : index
    %get3A_376 = tpu.vector_load %arg7[%get3A_374, %get3A_375] {strides = array<i32>} : memref<4x128xi32, #tpu.memory_space<vmem>>, vector<16xi32>,
    %mul3A_377 = arith.constant 4096 : i32
    %mul3A_378 = vector.broadcast %mul3A_377 : i32 to vector<16xi32>
    %mul3A_379 = arith.muli %get3A_376, %mul3A_378 : vector<16xi32>
    %add3A_380 = arith.addi %mul3A_379, %add3A_372 : vector<16xi32>
    %swap3A_381 = arith.constant 2 : i32
    %swap3A_382 = arith.index_cast %swap3A_381 : i32 to index
    %swap3A_383 = arith.constant 80 : index
    %swap3A_384 = tpu.vector_load %arg7[%swap3A_382, %swap3A_383] {strides = array<i32>} : memref<4x128xi32, #tpu.memory_space<vmem>>, vector<16xi32>,
    tpu.vector_store %arg7[%swap3A_382, %swap3A_383], %add3A_380 {strides = array<i32>} : memref<4x128xi32, #tpu.memory_space<vmem>>, vector<16xi32>,
    %iota3A_385 = tpu.iota {dimensions = array<i32: 0>} : vector<16xi32>
    %add3A_386 = arith.constant 96 : i32
    %add3A_387 = arith.addi %mul3A_2, %add3A_386 : i32
    %add3A_388 = vector.broadcast %add3A_387 : i32 to vector<16xi32>
    %add3A_389 = arith.addi %iota3A_385, %add3A_388 : vector<16xi32>
    %get3A_390 = arith.constant 2 : i32
    %get3A_391 = arith.index_cast %get3A_390 : i32 to index
    %get3A_392 = arith.constant 96 : index
    %get3A_393 = tpu.vector_load %arg7[%get3A_391, %get3A_392] {strides = array<i32>} : memref<4x128xi32, #tpu.memory_space<vmem>>, vector<16xi32>,
    %mul3A_394 = arith.constant 4096 : i32
    %mul3A_395 = vector.broadcast %mul3A_394 : i32 to vector<16xi32>
    %mul3A_396 = arith.muli %get3A_393, %mul3A_395 : vector<16xi32>
    %add3A_397 = arith.addi %mul3A_396, %add3A_389 : vector<16xi32>
    %swap3A_398 = arith.constant 2 : i32
    %swap3A_399 = arith.index_cast %swap3A_398 : i32 to index
    %swap3A_400 = arith.constant 96 : index
    %swap3A_401 = tpu.vector_load %arg7[%swap3A_399, %swap3A_400] {strides = array<i32>} : memref<4x128xi32, #tpu.memory_space<vmem>>, vector<16xi32>,
    tpu.vector_store %arg7[%swap3A_399, %swap3A_400], %add3A_397 {strides = array<i32>} : memref<4x128xi32, #tpu.memory_space<vmem>>, vector<16xi32>,
    %iota3A_402 = tpu.iota {dimensions = array<i32: 0>} : vector<16xi32>
    %add3A_403 = arith.constant 112 : i32
    %add3A_404 = arith.addi %mul3A_2, %add3A_403 : i32
    %add3A_405 = vector.broadcast %add3A_404 : i32 to vector<16xi32>
    %add3A_406 = arith.addi %iota3A_402, %add3A_405 : vector<16xi32>
    %get3A_407 = arith.constant 2 : i32
    %get3A_408 = arith.index_cast %get3A_407 : i32 to index
    %get3A_409 = arith.constant 112 : index
    %get3A_410 = tpu.vector_load %arg7[%get3A_408, %get3A_409] {strides = array<i32>} : memref<4x128xi32, #tpu.memory_space<vmem>>, vector<16xi32>,
    %mul3A_411 = arith.constant 4096 : i32
    %mul3A_412 = vector.broadcast %mul3A_411 : i32 to vector<16xi32>
    %mul3A_413 = arith.muli %get3A_410, %mul3A_412 : vector<16xi32>
    %add3A_414 = arith.addi %mul3A_413, %add3A_406 : vector<16xi32>
    %swap3A_415 = arith.constant 2 : i32
    %swap3A_416 = arith.index_cast %swap3A_415 : i32 to index
    %swap3A_417 = arith.constant 112 : index
    %swap3A_418 = tpu.vector_load %arg7[%swap3A_416, %swap3A_417] {strides = array<i32>} : memref<4x128xi32, #tpu.memory_space<vmem>>, vector<16xi32>,
    tpu.vector_store %arg7[%swap3A_416, %swap3A_417], %add3A_414 {strides = array<i32>} : memref<4x128xi32, #tpu.memory_space<vmem>>, vector<16xi32>,
    %iota3A_419 = tpu.iota {dimensions = array<i32: 0>} : vector<16xi32>
    %add3A_420 = arith.constant 0 : i32
    %add3A_421 = arith.addi %mul3A_2, %add3A_420 : i32
    %add3A_422 = vector.broadcast %add3A_421 : i32 to vector<16xi32>
    %add3A_423 = arith.addi %iota3A_419, %add3A_422 : vector<16xi32>
    %get3A_424 = arith.constant 3 : i32
    %get3A_425 = arith.index_cast %get3A_424 : i32 to index
    %get3A_426 = arith.constant 0 : index
    %get3A_427 = tpu.vector_load %arg7[%get3A_425, %get3A_426] {strides = array<i32>} : memref<4x128xi32, #tpu.memory_space<vmem>>, vector<16xi32>,
    %mul3A_428 = arith.constant 4096 : i32
    %mul3A_429 = vector.broadcast %mul3A_428 : i32 to vector<16xi32>
    %mul3A_430 = arith.muli %get3A_427, %mul3A_429 : vector<16xi32>
    %add3A_431 = arith.addi %mul3A_430, %add3A_423 : vector<16xi32>
    %swap3A_432 = arith.constant 3 : i32
    %swap3A_433 = arith.index_cast %swap3A_432 : i32 to index
    %swap3A_434 = arith.constant 0 : index
    %swap3A_435 = tpu.vector_load %arg7[%swap3A_433, %swap3A_434] {strides = array<i32>} : memref<4x128xi32, #tpu.memory_space<vmem>>, vector<16xi32>,
    tpu.vector_store %arg7[%swap3A_433, %swap3A_434], %add3A_431 {strides = array<i32>} : memref<4x128xi32, #tpu.memory_space<vmem>>, vector<16xi32>,
    %iota3A_436 = tpu.iota {dimensions = array<i32: 0>} : vector<16xi32>
    %add3A_437 = arith.constant 16 : i32
    %add3A_438 = arith.addi %mul3A_2, %add3A_437 : i32
    %add3A_439 = vector.broadcast %add3A_438 : i32 to vector<16xi32>
    %add3A_440 = arith.addi %iota3A_436, %add3A_439 : vector<16xi32>
    %get3A_441 = arith.constant 3 : i32
    %get3A_442 = arith.index_cast %get3A_441 : i32 to index
    %get3A_443 = arith.constant 16 : index
    %get3A_444 = tpu.vector_load %arg7[%get3A_442, %get3A_443] {strides = array<i32>} : memref<4x128xi32, #tpu.memory_space<vmem>>, vector<16xi32>,
    %mul3A_445 = arith.constant 4096 : i32
    %mul3A_446 = vector.broadcast %mul3A_445 : i32 to vector<16xi32>
    %mul3A_447 = arith.muli %get3A_444, %mul3A_446 : vector<16xi32>
    %add3A_448 = arith.addi %mul3A_447, %add3A_440 : vector<16xi32>
    %swap3A_449 = arith.constant 3 : i32
    %swap3A_450 = arith.index_cast %swap3A_449 : i32 to index
    %swap3A_451 = arith.constant 16 : index
    %swap3A_452 = tpu.vector_load %arg7[%swap3A_450, %swap3A_451] {strides = array<i32>} : memref<4x128xi32, #tpu.memory_space<vmem>>, vector<16xi32>,
    tpu.vector_store %arg7[%swap3A_450, %swap3A_451], %add3A_448 {strides = array<i32>} : memref<4x128xi32, #tpu.memory_space<vmem>>, vector<16xi32>,
    %iota3A_453 = tpu.iota {dimensions = array<i32: 0>} : vector<16xi32>
    %add3A_454 = arith.constant 32 : i32
    %add3A_455 = arith.addi %mul3A_2, %add3A_454 : i32
    %add3A_456 = vector.broadcast %add3A_455 : i32 to vector<16xi32>
    %add3A_457 = arith.addi %iota3A_453, %add3A_456 : vector<16xi32>
    %get3A_458 = arith.constant 3 : i32
    %get3A_459 = arith.index_cast %get3A_458 : i32 to index
    %get3A_460 = arith.constant 32 : index
    %get3A_461 = tpu.vector_load %arg7[%get3A_459, %get3A_460] {strides = array<i32>} : memref<4x128xi32, #tpu.memory_space<vmem>>, vector<16xi32>,
    %mul3A_462 = arith.constant 4096 : i32
    %mul3A_463 = vector.broadcast %mul3A_462 : i32 to vector<16xi32>
    %mul3A_464 = arith.muli %get3A_461, %mul3A_463 : vector<16xi32>
    %add3A_465 = arith.addi %mul3A_464, %add3A_457 : vector<16xi32>
    %swap3A_466 = arith.constant 3 : i32
    %swap3A_467 = arith.index_cast %swap3A_466 : i32 to index
    %swap3A_468 = arith.constant 32 : index
    %swap3A_469 = tpu.vector_load %arg7[%swap3A_467, %swap3A_468] {strides = array<i32>} : memref<4x128xi32, #tpu.memory_space<vmem>>, vector<16xi32>,
    tpu.vector_store %arg7[%swap3A_467, %swap3A_468], %add3A_465 {strides = array<i32>} : memref<4x128xi32, #tpu.memory_space<vmem>>, vector<16xi32>,
    %iota3A_470 = tpu.iota {dimensions = array<i32: 0>} : vector<16xi32>
    %add3A_471 = arith.constant 48 : i32
    %add3A_472 = arith.addi %mul3A_2, %add3A_471 : i32
    %add3A_473 = vector.broadcast %add3A_472 : i32 to vector<16xi32>
    %add3A_474 = arith.addi %iota3A_470, %add3A_473 : vector<16xi32>
    %get3A_475 = arith.constant 3 : i32
    %get3A_476 = arith.index_cast %get3A_475 : i32 to index
    %get3A_477 = arith.constant 48 : index
    %get3A_478 = tpu.vector_load %arg7[%get3A_476, %get3A_477] {strides = array<i32>} : memref<4x128xi32, #tpu.memory_space<vmem>>, vector<16xi32>,
    %mul3A_479 = arith.constant 4096 : i32
    %mul3A_480 = vector.broadcast %mul3A_479 : i32 to vector<16xi32>
    %mul3A_481 = arith.muli %get3A_478, %mul3A_480 : vector<16xi32>
    %add3A_482 = arith.addi %mul3A_481, %add3A_474 : vector<16xi32>
    %swap3A_483 = arith.constant 3 : i32
    %swap3A_484 = arith.index_cast %swap3A_483 : i32 to index
    %swap3A_485 = arith.constant 48 : index
    %swap3A_486 = tpu.vector_load %arg7[%swap3A_484, %swap3A_485] {strides = array<i32>} : memref<4x128xi32, #tpu.memory_space<vmem>>, vector<16xi32>,
    tpu.vector_store %arg7[%swap3A_484, %swap3A_485], %add3A_482 {strides = array<i32>} : memref<4x128xi32, #tpu.memory_space<vmem>>, vector<16xi32>,
    %iota3A_487 = tpu.iota {dimensions = array<i32: 0>} : vector<16xi32>
    %add3A_488 = arith.constant 64 : i32
    %add3A_489 = arith.addi %mul3A_2, %add3A_488 : i32
    %add3A_490 = vector.broadcast %add3A_489 : i32 to vector<16xi32>
    %add3A_491 = arith.addi %iota3A_487, %add3A_490 : vector<16xi32>
    %get3A_492 = arith.constant 3 : i32
    %get3A_493 = arith.index_cast %get3A_492 : i32 to index
    %get3A_494 = arith.constant 64 : index
    %get3A_495 = tpu.vector_load %arg7[%get3A_493, %get3A_494] {strides = array<i32>} : memref<4x128xi32, #tpu.memory_space<vmem>>, vector<16xi32>,
    %mul3A_496 = arith.constant 4096 : i32
    %mul3A_497 = vector.broadcast %mul3A_496 : i32 to vector<16xi32>
    %mul3A_498 = arith.muli %get3A_495, %mul3A_497 : vector<16xi32>
    %add3A_499 = arith.addi %mul3A_498, %add3A_491 : vector<16xi32>
    %swap3A_500 = arith.constant 3 : i32
    %swap3A_501 = arith.index_cast %swap3A_500 : i32 to index
    %swap3A_502 = arith.constant 64 : index
    %swap3A_503 = tpu.vector_load %arg7[%swap3A_501, %swap3A_502] {strides = array<i32>} : memref<4x128xi32, #tpu.memory_space<vmem>>, vector<16xi32>,
    tpu.vector_store %arg7[%swap3A_501, %swap3A_502], %add3A_499 {strides = array<i32>} : memref<4x128xi32, #tpu.memory_space<vmem>>, vector<16xi32>,
    %iota3A_504 = tpu.iota {dimensions = array<i32: 0>} : vector<16xi32>
    %add3A_505 = arith.constant 80 : i32
    %add3A_506 = arith.addi %mul3A_2, %add3A_505 : i32
    %add3A_507 = vector.broadcast %add3A_506 : i32 to vector<16xi32>
    %add3A_508 = arith.addi %iota3A_504, %add3A_507 : vector<16xi32>
    %get3A_509 = arith.constant 3 : i32
    %get3A_510 = arith.index_cast %get3A_509 : i32 to index
    %get3A_511 = arith.constant 80 : index
    %get3A_512 = tpu.vector_load %arg7[%get3A_510, %get3A_511] {strides = array<i32>} : memref<4x128xi32, #tpu.memory_space<vmem>>, vector<16xi32>,
    %mul3A_513 = arith.constant 4096 : i32
    %mul3A_514 = vector.broadcast %mul3A_513 : i32 to vector<16xi32>
    %mul3A_515 = arith.muli %get3A_512, %mul3A_514 : vector<16xi32>
    %add3A_516 = arith.addi %mul3A_515, %add3A_508 : vector<16xi32>
    %swap3A_517 = arith.constant 3 : i32
    %swap3A_518 = arith.index_cast %swap3A_517 : i32 to index
    %swap3A_519 = arith.constant 80 : index
    %swap3A_520 = tpu.vector_load %arg7[%swap3A_518, %swap3A_519] {strides = array<i32>} : memref<4x128xi32, #tpu.memory_space<vmem>>, vector<16xi32>,
    tpu.vector_store %arg7[%swap3A_518, %swap3A_519], %add3A_516 {strides = array<i32>} : memref<4x128xi32, #tpu.memory_space<vmem>>, vector<16xi32>,
    %iota3A_521 = tpu.iota {dimensions = array<i32: 0>} : vector<16xi32>
    %add3A_522 = arith.constant 96 : i32
    %add3A_523 = arith.addi %mul3A_2, %add3A_522 : i32
    %add3A_524 = vector.broadcast %add3A_523 : i32 to vector<16xi32>
    %add3A_525 = arith.addi %iota3A_521, %add3A_524 : vector<16xi32>
    %get3A_526 = arith.constant 3 : i32
    %get3A_527 = arith.index_cast %get3A_526 : i32 to index
    %get3A_528 = arith.constant 96 : index
    %get3A_529 = tpu.vector_load %arg7[%get3A_527, %get3A_528] {strides = array<i32>} : memref<4x128xi32, #tpu.memory_space<vmem>>, vector<16xi32>,
    %mul3A_530 = arith.constant 4096 : i32
    %mul3A_531 = vector.broadcast %mul3A_530 : i32 to vector<16xi32>
    %mul3A_532 = arith.muli %get3A_529, %mul3A_531 : vector<16xi32>
    %add3A_533 = arith.addi %mul3A_532, %add3A_525 : vector<16xi32>
    %swap3A_534 = arith.constant 3 : i32
    %swap3A_535 = arith.index_cast %swap3A_534 : i32 to index
    %swap3A_536 = arith.constant 96 : index
    %swap3A_537 = tpu.vector_load %arg7[%swap3A_535, %swap3A_536] {strides = array<i32>} : memref<4x128xi32, #tpu.memory_space<vmem>>, vector<16xi32>,
    tpu.vector_store %arg7[%swap3A_535, %swap3A_536], %add3A_533 {strides = array<i32>} : memref<4x128xi32, #tpu.memory_space<vmem>>, vector<16xi32>,
    %iota3A_538 = tpu.iota {dimensions = array<i32: 0>} : vector<16xi32>
    %add3A_539 = arith.constant 112 : i32
    %add3A_540 = arith.addi %mul3A_2, %add3A_539 : i32
    %add3A_541 = vector.broadcast %add3A_540 : i32 to vector<16xi32>
    %add3A_542 = arith.addi %iota3A_538, %add3A_541 : vector<16xi32>
    %get3A_543 = arith.constant 3 : i32
    %get3A_544 = arith.index_cast %get3A_543 : i32 to index
    %get3A_545 = arith.constant 112 : index
    %get3A_546 = tpu.vector_load %arg7[%get3A_544, %get3A_545] {strides = array<i32>} : memref<4x128xi32, #tpu.memory_space<vmem>>, vector<16xi32>,
    %mul3A_547 = arith.constant 4096 : i32
    %mul3A_548 = vector.broadcast %mul3A_547 : i32 to vector<16xi32>
    %mul3A_549 = arith.muli %get3A_546, %mul3A_548 : vector<16xi32>
    %add3A_550 = arith.addi %mul3A_549, %add3A_542 : vector<16xi32>
    %swap3A_551 = arith.constant 3 : i32
    %swap3A_552 = arith.index_cast %swap3A_551 : i32 to index
    %swap3A_553 = arith.constant 112 : index
    %swap3A_554 = tpu.vector_load %arg7[%swap3A_552, %swap3A_553] {strides = array<i32>} : memref<4x128xi32, #tpu.memory_space<vmem>>, vector<16xi32>,
    tpu.vector_store %arg7[%swap3A_552, %swap3A_553], %add3A_550 {strides = array<i32>} : memref<4x128xi32, #tpu.memory_space<vmem>>, vector<16xi32>,
    %dma_start3A = arith.constant 0 : i32
    %dma_start3A_555 = arith.constant 0 : i32
    %dma_start3A_556 = arith.constant 0 : i32
    %dma_start3A_557 = tpu.memref_slice %arg8[%dma_start3A_555, %dma_start3A_556] : memref<4x128xi32, #tpu.memory_space<vmem>> -> memref<1x128xi32, #tpu.memory_space<vmem>>
    %dma_start3A_558 = tpu.memref_squeeze %dma_start3A_557 : memref<1x128xi32, #tpu.memory_space<vmem>> -> memref<128xi32, #tpu.memory_space<vmem>>
    %dma_start3A_559 = arith.constant 0 : i32
    %dma_start3A_560 = tpu.memref_slice %arg7[%dma_start3A, %dma_start3A_559] : memref<4x128xi32, #tpu.memory_space<vmem>> -> memref<1x128xi32, #tpu.memory_space<vmem>>
    %dma_start3A_561 = tpu.memref_squeeze %dma_start3A_560 : memref<1x128xi32, #tpu.memory_space<vmem>> -> memref<128xi32, #tpu.memory_space<vmem>>
    %dma_start3A_562 = arith.constant 0 : i32
    %dma_start3A_563 = tpu.memref_slice %arg2[%dma_start3A_562] : memref<819200xi32, #tpu.memory_space<hbm>> -> memref<819200xi32, #tpu.memory_space<hbm>>
    tpu.enqueue_indirect_dma source(%dma_start3A_563 : memref<819200xi32, #tpu.memory_space<hbm>>) target(%dma_start3A_558 : memref<128xi32, #tpu.memory_space<vmem>>) offsets(%dma_start3A_561 : memref<128xi32, #tpu.memory_space<vmem>>) semaphore(%arg13 : memref<!tpu.dma_semaphore, #tpu.memory_space<semaphore_mem>>)
    %dma_start3A_564 = arith.constant 1 : i32
    %dma_start3A_565 = arith.constant 1 : i32
    %dma_start3A_566 = arith.constant 0 : i32
    %dma_start3A_567 = tpu.memref_slice %arg8[%dma_start3A_565, %dma_start3A_566] : memref<4x128xi32, #tpu.memory_space<vmem>> -> memref<1x128xi32, #tpu.memory_space<vmem>>
    %dma_start3A_568 = tpu.memref_squeeze %dma_start3A_567 : memref<1x128xi32, #tpu.memory_space<vmem>> -> memref<128xi32, #tpu.memory_space<vmem>>
    %dma_start3A_569 = arith.constant 0 : i32
    %dma_start3A_570 = tpu.memref_slice %arg7[%dma_start3A_564, %dma_start3A_569] : memref<4x128xi32, #tpu.memory_space<vmem>> -> memref<1x128xi32, #tpu.memory_space<vmem>>
    %dma_start3A_571 = tpu.memref_squeeze %dma_start3A_570 : memref<1x128xi32, #tpu.memory_space<vmem>> -> memref<128xi32, #tpu.memory_space<vmem>>
    %dma_start3A_572 = arith.constant 0 : i32
    %dma_start3A_573 = tpu.memref_slice %arg2[%dma_start3A_572] : memref<819200xi32, #tpu.memory_space<hbm>> -> memref<819200xi32, #tpu.memory_space<hbm>>
    tpu.enqueue_indirect_dma source(%dma_start3A_573 : memref<819200xi32, #tpu.memory_space<hbm>>) target(%dma_start3A_568 : memref<128xi32, #tpu.memory_space<vmem>>) offsets(%dma_start3A_571 : memref<128xi32, #tpu.memory_space<vmem>>) semaphore(%arg13 : memref<!tpu.dma_semaphore, #tpu.memory_space<semaphore_mem>>)
    %dma_start3A_574 = arith.constant 2 : i32
    %dma_start3A_575 = arith.constant 2 : i32
    %dma_start3A_576 = arith.constant 0 : i32
    %dma_start3A_577 = tpu.memref_slice %arg8[%dma_start3A_575, %dma_start3A_576] : memref<4x128xi32, #tpu.memory_space<vmem>> -> memref<1x128xi32, #tpu.memory_space<vmem>>
    %dma_start3A_578 = tpu.memref_squeeze %dma_start3A_577 : memref<1x128xi32, #tpu.memory_space<vmem>> -> memref<128xi32, #tpu.memory_space<vmem>>
    %dma_start3A_579 = arith.constant 0 : i32
    %dma_start3A_580 = tpu.memref_slice %arg7[%dma_start3A_574, %dma_start3A_579] : memref<4x128xi32, #tpu.memory_space<vmem>> -> memref<1x128xi32, #tpu.memory_space<vmem>>
    %dma_start3A_581 = tpu.memref_squeeze %dma_start3A_580 : memref<1x128xi32, #tpu.memory_space<vmem>> -> memref<128xi32, #tpu.memory_space<vmem>>
    %dma_start3A_582 = arith.constant 0 : i32
    %dma_start3A_583 = tpu.memref_slice %arg2[%dma_start3A_582] : memref<819200xi32, #tpu.memory_space<hbm>> -> memref<819200xi32, #tpu.memory_space<hbm>>
    tpu.enqueue_indirect_dma source(%dma_start3A_583 : memref<819200xi32, #tpu.memory_space<hbm>>) target(%dma_start3A_578 : memref<128xi32, #tpu.memory_space<vmem>>) offsets(%dma_start3A_581 : memref<128xi32, #tpu.memory_space<vmem>>) semaphore(%arg13 : memref<!tpu.dma_semaphore, #tpu.memory_space<semaphore_mem>>)
    %dma_start3A_584 = arith.constant 3 : i32
    %dma_start3A_585 = arith.constant 3 : i32
    %dma_start3A_586 = arith.constant 0 : i32
    %dma_start3A_587 = tpu.memref_slice %arg8[%dma_start3A_585, %dma_start3A_586] : memref<4x128xi32, #tpu.memory_space<vmem>> -> memref<1x128xi32, #tpu.memory_space<vmem>>
    %dma_start3A_588 = tpu.memref_squeeze %dma_start3A_587 : memref<1x128xi32, #tpu.memory_space<vmem>> -> memref<128xi32, #tpu.memory_space<vmem>>
    %dma_start3A_589 = arith.constant 0 : i32
    %dma_start3A_590 = tpu.memref_slice %arg7[%dma_start3A_584, %dma_start3A_589] : memref<4x128xi32, #tpu.memory_space<vmem>> -> memref<1x128xi32, #tpu.memory_space<vmem>>
    %dma_start3A_591 = tpu.memref_squeeze %dma_start3A_590 : memref<1x128xi32, #tpu.memory_space<vmem>> -> memref<128xi32, #tpu.memory_space<vmem>>
    %dma_start3A_592 = arith.constant 0 : i32
    %dma_start3A_593 = tpu.memref_slice %arg2[%dma_start3A_592] : memref<819200xi32, #tpu.memory_space<hbm>> -> memref<819200xi32, #tpu.memory_space<hbm>>
    tpu.enqueue_indirect_dma source(%dma_start3A_593 : memref<819200xi32, #tpu.memory_space<hbm>>) target(%dma_start3A_588 : memref<128xi32, #tpu.memory_space<vmem>>) offsets(%dma_start3A_591 : memref<128xi32, #tpu.memory_space<vmem>>) semaphore(%arg13 : memref<!tpu.dma_semaphore, #tpu.memory_space<semaphore_mem>>)
    %dma_wait3A = arith.constant 0 : i32
    %dma_wait3A_594 = arith.constant 0 : i32
    %dma_wait3A_595 = arith.constant 0 : i32
    %dma_wait3A_596 = tpu.memref_slice %arg8[%dma_wait3A_594, %dma_wait3A_595] : memref<4x128xi32, #tpu.memory_space<vmem>> -> memref<1x128xi32, #tpu.memory_space<vmem>>
    %dma_wait3A_597 = tpu.memref_squeeze %dma_wait3A_596 : memref<1x128xi32, #tpu.memory_space<vmem>> -> memref<128xi32, #tpu.memory_space<vmem>>
    %dma_wait3A_598 = arith.constant 0 : i32
    %dma_wait3A_599 = tpu.memref_slice %arg7[%dma_wait3A, %dma_wait3A_598] : memref<4x128xi32, #tpu.memory_space<vmem>> -> memref<1x128xi32, #tpu.memory_space<vmem>>
    %dma_wait3A_600 = tpu.memref_squeeze %dma_wait3A_599 : memref<1x128xi32, #tpu.memory_space<vmem>> -> memref<128xi32, #tpu.memory_space<vmem>>
    %dma_wait3A_601 = arith.constant 0 : i32
    %dma_wait3A_602 = tpu.memref_slice %arg2[%dma_wait3A_601] : memref<819200xi32, #tpu.memory_space<hbm>> -> memref<819200xi32, #tpu.memory_space<hbm>>
    tpu.wait_indirect_dma semaphore(%arg13 : memref<!tpu.dma_semaphore, #tpu.memory_space<semaphore_mem>>) src(%dma_wait3A_602 : memref<819200xi32, #tpu.memory_space<hbm>>) dst(%dma_wait3A_597 : memref<128xi32, #tpu.memory_space<vmem>>)
    %dma_wait3A_603 = arith.constant 1 : i32
    %dma_wait3A_604 = arith.constant 1 : i32
    %dma_wait3A_605 = arith.constant 0 : i32
    %dma_wait3A_606 = tpu.memref_slice %arg8[%dma_wait3A_604, %dma_wait3A_605] : memref<4x128xi32, #tpu.memory_space<vmem>> -> memref<1x128xi32, #tpu.memory_space<vmem>>
    %dma_wait3A_607 = tpu.memref_squeeze %dma_wait3A_606 : memref<1x128xi32, #tpu.memory_space<vmem>> -> memref<128xi32, #tpu.memory_space<vmem>>
    %dma_wait3A_608 = arith.constant 0 : i32
    %dma_wait3A_609 = tpu.memref_slice %arg7[%dma_wait3A_603, %dma_wait3A_608] : memref<4x128xi32, #tpu.memory_space<vmem>> -> memref<1x128xi32, #tpu.memory_space<vmem>>
    %dma_wait3A_610 = tpu.memref_squeeze %dma_wait3A_609 : memref<1x128xi32, #tpu.memory_space<vmem>> -> memref<128xi32, #tpu.memory_space<vmem>>
    %dma_wait3A_611 = arith.constant 0 : i32
    %dma_wait3A_612 = tpu.memref_slice %arg2[%dma_wait3A_611] : memref<819200xi32, #tpu.memory_space<hbm>> -> memref<819200xi32, #tpu.memory_space<hbm>>
    tpu.wait_indirect_dma semaphore(%arg13 : memref<!tpu.dma_semaphore, #tpu.memory_space<semaphore_mem>>) src(%dma_wait3A_612 : memref<819200xi32, #tpu.memory_space<hbm>>) dst(%dma_wait3A_607 : memref<128xi32, #tpu.memory_space<vmem>>)
    %dma_wait3A_613 = arith.constant 2 : i32
    %dma_wait3A_614 = arith.constant 2 : i32
    %dma_wait3A_615 = arith.constant 0 : i32
    %dma_wait3A_616 = tpu.memref_slice %arg8[%dma_wait3A_614, %dma_wait3A_615] : memref<4x128xi32, #tpu.memory_space<vmem>> -> memref<1x128xi32, #tpu.memory_space<vmem>>
    %dma_wait3A_617 = tpu.memref_squeeze %dma_wait3A_616 : memref<1x128xi32, #tpu.memory_space<vmem>> -> memref<128xi32, #tpu.memory_space<vmem>>
    %dma_wait3A_618 = arith.constant 0 : i32
    %dma_wait3A_619 = tpu.memref_slice %arg7[%dma_wait3A_613, %dma_wait3A_618] : memref<4x128xi32, #tpu.memory_space<vmem>> -> memref<1x128xi32, #tpu.memory_space<vmem>>
    %dma_wait3A_620 = tpu.memref_squeeze %dma_wait3A_619 : memref<1x128xi32, #tpu.memory_space<vmem>> -> memref<128xi32, #tpu.memory_space<vmem>>
    %dma_wait3A_621 = arith.constant 0 : i32
    %dma_wait3A_622 = tpu.memref_slice %arg2[%dma_wait3A_621] : memref<819200xi32, #tpu.memory_space<hbm>> -> memref<819200xi32, #tpu.memory_space<hbm>>
    tpu.wait_indirect_dma semaphore(%arg13 : memref<!tpu.dma_semaphore, #tpu.memory_space<semaphore_mem>>) src(%dma_wait3A_622 : memref<819200xi32, #tpu.memory_space<hbm>>) dst(%dma_wait3A_617 : memref<128xi32, #tpu.memory_space<vmem>>)
    %dma_wait3A_623 = arith.constant 3 : i32
    %dma_wait3A_624 = arith.constant 3 : i32
    %dma_wait3A_625 = arith.constant 0 : i32
    %dma_wait3A_626 = tpu.memref_slice %arg8[%dma_wait3A_624, %dma_wait3A_625] : memref<4x128xi32, #tpu.memory_space<vmem>> -> memref<1x128xi32, #tpu.memory_space<vmem>>
    %dma_wait3A_627 = tpu.memref_squeeze %dma_wait3A_626 : memref<1x128xi32, #tpu.memory_space<vmem>> -> memref<128xi32, #tpu.memory_space<vmem>>
    %dma_wait3A_628 = arith.constant 0 : i32
    %dma_wait3A_629 = tpu.memref_slice %arg7[%dma_wait3A_623, %dma_wait3A_628] : memref<4x128xi32, #tpu.memory_space<vmem>> -> memref<1x128xi32, #tpu.memory_space<vmem>>
    %dma_wait3A_630 = tpu.memref_squeeze %dma_wait3A_629 : memref<1x128xi32, #tpu.memory_space<vmem>> -> memref<128xi32, #tpu.memory_space<vmem>>
    %dma_wait3A_631 = arith.constant 0 : i32
    %dma_wait3A_632 = tpu.memref_slice %arg2[%dma_wait3A_631] : memref<819200xi32, #tpu.memory_space<hbm>> -> memref<819200xi32, #tpu.memory_space<hbm>>
    tpu.wait_indirect_dma semaphore(%arg13 : memref<!tpu.dma_semaphore, #tpu.memory_space<semaphore_mem>>) src(%dma_wait3A_632 : memref<819200xi32, #tpu.memory_space<hbm>>) dst(%dma_wait3A_627 : memref<128xi32, #tpu.memory_space<vmem>>)
    %scan3A = arith.constant 0 : i32
    %scan3A_633 = arith.constant 0 : i32
    %scan3A_634 = arith.constant 256 : i32
    %scan3A_635 = arith.addi %scan3A_633, %scan3A_634 : i32
    %scan3A_636 = arith.constant 1 : i32
    scf.for %scan3A_1001 = %scan3A_633 to %scan3A_635 step %scan3A_636  : i32 {
      %broadcast_in_dim3A_1002 = vector.broadcast %scan3A_1001 : i32 to vector<16xi32>
      %gather3A = tpu.vector_load_idx %arg10[%broadcast_in_dim3A_1002] : memref<256xf32, #tpu.memory_space<vmem>>[vector<16xi32>], vector<16xf32>,
      %swap3A_1003 = arith.index_cast %scan3A_1001 : i32 to index
      %swap3A_1004 = arith.constant 0 : index
      %swap3A_1005 = tpu.vector_load %arg11[%swap3A_1003, %swap3A_1004] {strides = array<i32>} : memref<256x16xf32, #tpu.memory_space<vmem>>, vector<16xf32>,
      tpu.vector_store %arg11[%swap3A_1003, %swap3A_1004], %gather3A {strides = array<i32>} : memref<256x16xf32, #tpu.memory_space<vmem>>, vector<16xf32>,
    }
    %scan3A_637 = arith.constant 256 : i32
    %scan3A_638 = arith.constant 0 : i32
    %scan3A_639 = arith.constant 0 : i32
    %scan3A_640 = arith.constant 32 : i32
    %scan3A_641 = arith.addi %scan3A_639, %scan3A_640 : i32
    %scan3A_642 = arith.constant 1 : i32
    scf.for %scan3A_1001 = %scan3A_639 to %scan3A_641 step %scan3A_642  : i32 {
      %jit3A = arith.constant 8 : i32
      %div3A = arith.divsi %scan3A_1001, %jit3A : i32
      %sign3A = arith.constant 0 : i32
      %sign3A_1002 = arith.cmpi sgt, %scan3A_1001, %sign3A : i32
      %sign3A_1003 = arith.extui %sign3A_1002 : i1 to i32
      %sign3A_1004 = arith.constant 0 : i32
      %sign3A_1005 = arith.cmpi slt, %scan3A_1001, %sign3A_1004 : i32
      %sign3A_1006 = arith.extui %sign3A_1005 : i1 to i32
      %sign3A_1007 = arith.subi %sign3A_1003, %sign3A_1006 : i32
      %sign3A_1008 = arith.constant 0 : i32
      %sign3A_1009 = arith.cmpi sgt, %jit3A, %sign3A_1008 : i32
      %sign3A_1010 = arith.extui %sign3A_1009 : i1 to i32
      %sign3A_1011 = arith.constant 0 : i32
      %sign3A_1012 = arith.cmpi slt, %jit3A, %sign3A_1011 : i32
      %sign3A_1013 = arith.extui %sign3A_1012 : i1 to i32
      %sign3A_1014 = arith.subi %sign3A_1010, %sign3A_1013 : i32
      %ne3A = arith.cmpi ne, %sign3A_1007, %sign3A_1014 : i32
      %rem3A = arith.remsi %scan3A_1001, %jit3A : i32
      %ne3A_1015 = arith.constant 0 : i32
      %ne3A_1016 = arith.cmpi ne, %rem3A, %ne3A_1015 : i32
      %and3A = arith.andi %ne3A, %ne3A_1016 : i1
      %sub3A = arith.constant 1 : i32
      %sub3A_1017 = arith.subi %div3A, %sub3A : i32
      %select_n3A = arith.select %and3A, %sub3A_1017, %div3A : i32
      %jit3A_1018 = arith.constant 8 : i32
      %eq3A = arith.constant 0 : i32
      %eq3A_1019 = arith.cmpi eq, %jit3A_1018, %eq3A : i32
      %jit3A_1020 = arith.constant 1 : i32
      %select_n3A_1021 = arith.select %eq3A_1019, %jit3A_1020, %jit3A_1018 : i32
      %rem3A_1022 = arith.remsi %scan3A_1001, %select_n3A_1021 : i32
      %ne3A_1023 = arith.constant 0 : i32
      %ne3A_1024 = arith.cmpi ne, %rem3A_1022, %ne3A_1023 : i32
      %lt3A = arith.constant 0 : i32
      %lt3A_1025 = arith.cmpi slt, %rem3A_1022, %lt3A : i32
      %lt3A_1026 = arith.constant 0 : i32
      %lt3A_1027 = arith.cmpi slt, %select_n3A_1021, %lt3A_1026 : i32
      %ne3A_1028 = arith.xori %lt3A_1025, %lt3A_1027 : i1
      %and3A_1029 = arith.andi %ne3A_1028, %ne3A_1024 : i1
      %add3A_1030 = arith.addi %rem3A_1022, %select_n3A_1021 : i32
      %select_n3A_1031 = arith.select %and3A_1029, %add3A_1030, %rem3A_1022 : i32
      %mul3A_1032 = arith.constant 16 : i32
      %mul3A_1033 = arith.muli %select_n3A_1031, %mul3A_1032 : i32
      %get3A_1034 = arith.index_cast %select_n3A : i32 to index
      %get3A_1035 = arith.index_cast %mul3A_1033 : i32 to index
      %get3A_1036 = tpu.vector_load %arg8[%get3A_1034, %get3A_1035] {strides = array<i32>} : memref<4x128xi32, #tpu.memory_space<vmem>>, vector<16xi32>,
      %slice3A = vector.extract_strided_slice %get3A_1036 {offsets = [0], sizes = [1], strides = [1]} : vector<16xi32> to vector<1xi32>
      %squeeze3A = vector.extract %slice3A[0] : i32 from vector<1xi32>
      %mul3A_1037 = arith.constant 16 : i32
      %mul3A_1038 = arith.muli %scan3A_1001, %mul3A_1037 : i32
      %add3A_1039 = arith.constant 0 : i32
      %add3A_1040 = arith.addi %mul3A_1038, %add3A_1039 : i32
      %dma_start3A_1041 = arith.constant 0 : i32
      %dma_start3A_1042 = tpu.memref_slice %arg9[%add3A_1040, %dma_start3A_1041] : memref<512x64xf32, #tpu.memory_space<vmem>> -> memref<1x64xf32, #tpu.memory_space<vmem>>
      %dma_start3A_1043 = tpu.memref_squeeze %dma_start3A_1042 : memref<1x64xf32, #tpu.memory_space<vmem>> -> memref<64xf32, #tpu.memory_space<vmem>>
      %dma_start3A_1044 = arith.constant 0 : i32
      %dma_start3A_1045 = tpu.memref_slice %arg4[%squeeze3A, %dma_start3A_1044] : memref<1000000x64xf32, #tpu.memory_space<hbm>> -> memref<1x64xf32, #tpu.memory_space<hbm>>
      %dma_start3A_1046 = tpu.memref_squeeze %dma_start3A_1045 : memref<1x64xf32, #tpu.memory_space<hbm>> -> memref<64xf32, #tpu.memory_space<hbm>>
      %dma_start3A_1047 = arith.constant 0 : i32
      %dma_start3A_1048 = tpu.memref_slice %arg9[%add3A_1040, %dma_start3A_1047] : memref<512x64xf32, #tpu.memory_space<vmem>> -> memref<1x64xf32, #tpu.memory_space<vmem>>
      %dma_start3A_1049 = tpu.memref_squeeze %dma_start3A_1048 : memref<1x64xf32, #tpu.memory_space<vmem>> -> memref<64xf32, #tpu.memory_space<vmem>>
      %dma_start3A_1050 = arith.constant 0 : i32
      %dma_start3A_1051 = tpu.memref_slice %arg4[%squeeze3A, %dma_start3A_1050] : memref<1000000x64xf32, #tpu.memory_space<hbm>> -> memref<1x64xf32, #tpu.memory_space<hbm>>
      %dma_start3A_1052 = tpu.memref_squeeze %dma_start3A_1051 : memref<1x64xf32, #tpu.memory_space<hbm>> -> memref<64xf32, #tpu.memory_space<hbm>>
      tpu.enqueue_dma source(%dma_start3A_1052 : memref<64xf32, #tpu.memory_space<hbm>>) target(%dma_start3A_1049 : memref<64xf32, #tpu.memory_space<vmem>>) target_semaphore(%arg13 : memref<!tpu.dma_semaphore, #tpu.memory_space<semaphore_mem>>)
      %slice3A_1053 = vector.extract_strided_slice %get3A_1036 {offsets = [1], sizes = [1], strides = [1]} : vector<16xi32> to vector<1xi32>
      %squeeze3A_1054 = vector.extract %slice3A_1053[0] : i32 from vector<1xi32>
      %mul3A_1055 = arith.constant 16 : i32
      %mul3A_1056 = arith.muli %scan3A_1001, %mul3A_1055 : i32
      %add3A_1057 = arith.constant 1 : i32
      %add3A_1058 = arith.addi %mul3A_1056, %add3A_1057 : i32
      %dma_start3A_1059 = arith.constant 0 : i32
      %dma_start3A_1060 = tpu.memref_slice %arg9[%add3A_1058, %dma_start3A_1059] : memref<512x64xf32, #tpu.memory_space<vmem>> -> memref<1x64xf32, #tpu.memory_space<vmem>>
      %dma_start3A_1061 = tpu.memref_squeeze %dma_start3A_1060 : memref<1x64xf32, #tpu.memory_space<vmem>> -> memref<64xf32, #tpu.memory_space<vmem>>
      %dma_start3A_1062 = arith.constant 0 : i32
      %dma_start3A_1063 = tpu.memref_slice %arg4[%squeeze3A_1054, %dma_start3A_1062] : memref<1000000x64xf32, #tpu.memory_space<hbm>> -> memref<1x64xf32, #tpu.memory_space<hbm>>
      %dma_start3A_1064 = tpu.memref_squeeze %dma_start3A_1063 : memref<1x64xf32, #tpu.memory_space<hbm>> -> memref<64xf32, #tpu.memory_space<hbm>>
      %dma_start3A_1065 = arith.constant 0 : i32
      %dma_start3A_1066 = tpu.memref_slice %arg9[%add3A_1058, %dma_start3A_1065] : memref<512x64xf32, #tpu.memory_space<vmem>> -> memref<1x64xf32, #tpu.memory_space<vmem>>
      %dma_start3A_1067 = tpu.memref_squeeze %dma_start3A_1066 : memref<1x64xf32, #tpu.memory_space<vmem>> -> memref<64xf32, #tpu.memory_space<vmem>>
      %dma_start3A_1068 = arith.constant 0 : i32
      %dma_start3A_1069 = tpu.memref_slice %arg4[%squeeze3A_1054, %dma_start3A_1068] : memref<1000000x64xf32, #tpu.memory_space<hbm>> -> memref<1x64xf32, #tpu.memory_space<hbm>>
      %dma_start3A_1070 = tpu.memref_squeeze %dma_start3A_1069 : memref<1x64xf32, #tpu.memory_space<hbm>> -> memref<64xf32, #tpu.memory_space<hbm>>
      tpu.enqueue_dma source(%dma_start3A_1070 : memref<64xf32, #tpu.memory_space<hbm>>) target(%dma_start3A_1067 : memref<64xf32, #tpu.memory_space<vmem>>) target_semaphore(%arg13 : memref<!tpu.dma_semaphore, #tpu.memory_space<semaphore_mem>>)
      %slice3A_1071 = vector.extract_strided_slice %get3A_1036 {offsets = [2], sizes = [1], strides = [1]} : vector<16xi32> to vector<1xi32>
      %squeeze3A_1072 = vector.extract %slice3A_1071[0] : i32 from vector<1xi32>
      %mul3A_1073 = arith.constant 16 : i32
      %mul3A_1074 = arith.muli %scan3A_1001, %mul3A_1073 : i32
      %add3A_1075 = arith.constant 2 : i32
      %add3A_1076 = arith.addi %mul3A_1074, %add3A_1075 : i32
      %dma_start3A_1077 = arith.constant 0 : i32
      %dma_start3A_1078 = tpu.memref_slice %arg9[%add3A_1076, %dma_start3A_1077] : memref<512x64xf32, #tpu.memory_space<vmem>> -> memref<1x64xf32, #tpu.memory_space<vmem>>
      %dma_start3A_1079 = tpu.memref_squeeze %dma_start3A_1078 : memref<1x64xf32, #tpu.memory_space<vmem>> -> memref<64xf32, #tpu.memory_space<vmem>>
      %dma_start3A_1080 = arith.constant 0 : i32
      %dma_start3A_1081 = tpu.memref_slice %arg4[%squeeze3A_1072, %dma_start3A_1080] : memref<1000000x64xf32, #tpu.memory_space<hbm>> -> memref<1x64xf32, #tpu.memory_space<hbm>>
      %dma_start3A_1082 = tpu.memref_squeeze %dma_start3A_1081 : memref<1x64xf32, #tpu.memory_space<hbm>> -> memref<64xf32, #tpu.memory_space<hbm>>
      %dma_start3A_1083 = arith.constant 0 : i32
      %dma_start3A_1084 = tpu.memref_slice %arg9[%add3A_1076, %dma_start3A_1083] : memref<512x64xf32, #tpu.memory_space<vmem>> -> memref<1x64xf32, #tpu.memory_space<vmem>>
      %dma_start3A_1085 = tpu.memref_squeeze %dma_start3A_1084 : memref<1x64xf32, #tpu.memory_space<vmem>> -> memref<64xf32, #tpu.memory_space<vmem>>
      %dma_start3A_1086 = arith.constant 0 : i32
      %dma_start3A_1087 = tpu.memref_slice %arg4[%squeeze3A_1072, %dma_start3A_1086] : memref<1000000x64xf32, #tpu.memory_space<hbm>> -> memref<1x64xf32, #tpu.memory_space<hbm>>
      %dma_start3A_1088 = tpu.memref_squeeze %dma_start3A_1087 : memref<1x64xf32, #tpu.memory_space<hbm>> -> memref<64xf32, #tpu.memory_space<hbm>>
      tpu.enqueue_dma source(%dma_start3A_1088 : memref<64xf32, #tpu.memory_space<hbm>>) target(%dma_start3A_1085 : memref<64xf32, #tpu.memory_space<vmem>>) target_semaphore(%arg13 : memref<!tpu.dma_semaphore, #tpu.memory_space<semaphore_mem>>)
      %slice3A_1089 = vector.extract_strided_slice %get3A_1036 {offsets = [3], sizes = [1], strides = [1]} : vector<16xi32> to vector<1xi32>
      %squeeze3A_1090 = vector.extract %slice3A_1089[0] : i32 from vector<1xi32>
      %mul3A_1091 = arith.constant 16 : i32
      %mul3A_1092 = arith.muli %scan3A_1001, %mul3A_1091 : i32
      %add3A_1093 = arith.constant 3 : i32
      %add3A_1094 = arith.addi %mul3A_1092, %add3A_1093 : i32
      %dma_start3A_1095 = arith.constant 0 : i32
      %dma_start3A_1096 = tpu.memref_slice %arg9[%add3A_1094, %dma_start3A_1095] : memref<512x64xf32, #tpu.memory_space<vmem>> -> memref<1x64xf32, #tpu.memory_space<vmem>>
      %dma_start3A_1097 = tpu.memref_squeeze %dma_start3A_1096 : memref<1x64xf32, #tpu.memory_space<vmem>> -> memref<64xf32, #tpu.memory_space<vmem>>
      %dma_start3A_1098 = arith.constant 0 : i32
      %dma_start3A_1099 = tpu.memref_slice %arg4[%squeeze3A_1090, %dma_start3A_1098] : memref<1000000x64xf32, #tpu.memory_space<hbm>> -> memref<1x64xf32, #tpu.memory_space<hbm>>
      %dma_start3A_1100 = tpu.memref_squeeze %dma_start3A_1099 : memref<1x64xf32, #tpu.memory_space<hbm>> -> memref<64xf32, #tpu.memory_space<hbm>>
      %dma_start3A_1101 = arith.constant 0 : i32
      %dma_start3A_1102 = tpu.memref_slice %arg9[%add3A_1094, %dma_start3A_1101] : memref<512x64xf32, #tpu.memory_space<vmem>> -> memref<1x64xf32, #tpu.memory_space<vmem>>
      %dma_start3A_1103 = tpu.memref_squeeze %dma_start3A_1102 : memref<1x64xf32, #tpu.memory_space<vmem>> -> memref<64xf32, #tpu.memory_space<vmem>>
      %dma_start3A_1104 = arith.constant 0 : i32
      %dma_start3A_1105 = tpu.memref_slice %arg4[%squeeze3A_1090, %dma_start3A_1104] : memref<1000000x64xf32, #tpu.memory_space<hbm>> -> memref<1x64xf32, #tpu.memory_space<hbm>>
      %dma_start3A_1106 = tpu.memref_squeeze %dma_start3A_1105 : memref<1x64xf32, #tpu.memory_space<hbm>> -> memref<64xf32, #tpu.memory_space<hbm>>
      tpu.enqueue_dma source(%dma_start3A_1106 : memref<64xf32, #tpu.memory_space<hbm>>) target(%dma_start3A_1103 : memref<64xf32, #tpu.memory_space<vmem>>) target_semaphore(%arg13 : memref<!tpu.dma_semaphore, #tpu.memory_space<semaphore_mem>>)
      %slice3A_1107 = vector.extract_strided_slice %get3A_1036 {offsets = [4], sizes = [1], strides = [1]} : vector<16xi32> to vector<1xi32>
      %squeeze3A_1108 = vector.extract %slice3A_1107[0] : i32 from vector<1xi32>
      %mul3A_1109 = arith.constant 16 : i32
      %mul3A_1110 = arith.muli %scan3A_1001, %mul3A_1109 : i32
      %add3A_1111 = arith.constant 4 : i32
      %add3A_1112 = arith.addi %mul3A_1110, %add3A_1111 : i32
      %dma_start3A_1113 = arith.constant 0 : i32
      %dma_start3A_1114 = tpu.memref_slice %arg9[%add3A_1112, %dma_start3A_1113] : memref<512x64xf32, #tpu.memory_space<vmem>> -> memref<1x64xf32, #tpu.memory_space<vmem>>
      %dma_start3A_1115 = tpu.memref_squeeze %dma_start3A_1114 : memref<1x64xf32, #tpu.memory_space<vmem>> -> memref<64xf32, #tpu.memory_space<vmem>>
      %dma_start3A_1116 = arith.constant 0 : i32
      %dma_start3A_1117 = tpu.memref_slice %arg4[%squeeze3A_1108, %dma_start3A_1116] : memref<1000000x64xf32, #tpu.memory_space<hbm>> -> memref<1x64xf32, #tpu.memory_space<hbm>>
      %dma_start3A_1118 = tpu.memref_squeeze %dma_start3A_1117 : memref<1x64xf32, #tpu.memory_space<hbm>> -> memref<64xf32, #tpu.memory_space<hbm>>
      %dma_start3A_1119 = arith.constant 0 : i32
      %dma_start3A_1120 = tpu.memref_slice %arg9[%add3A_1112, %dma_start3A_1119] : memref<512x64xf32, #tpu.memory_space<vmem>> -> memref<1x64xf32, #tpu.memory_space<vmem>>
      %dma_start3A_1121 = tpu.memref_squeeze %dma_start3A_1120 : memref<1x64xf32, #tpu.memory_space<vmem>> -> memref<64xf32, #tpu.memory_space<vmem>>
      %dma_start3A_1122 = arith.constant 0 : i32
      %dma_start3A_1123 = tpu.memref_slice %arg4[%squeeze3A_1108, %dma_start3A_1122] : memref<1000000x64xf32, #tpu.memory_space<hbm>> -> memref<1x64xf32, #tpu.memory_space<hbm>>
      %dma_start3A_1124 = tpu.memref_squeeze %dma_start3A_1123 : memref<1x64xf32, #tpu.memory_space<hbm>> -> memref<64xf32, #tpu.memory_space<hbm>>
      tpu.enqueue_dma source(%dma_start3A_1124 : memref<64xf32, #tpu.memory_space<hbm>>) target(%dma_start3A_1121 : memref<64xf32, #tpu.memory_space<vmem>>) target_semaphore(%arg13 : memref<!tpu.dma_semaphore, #tpu.memory_space<semaphore_mem>>)
      %slice3A_1125 = vector.extract_strided_slice %get3A_1036 {offsets = [5], sizes = [1], strides = [1]} : vector<16xi32> to vector<1xi32>
      %squeeze3A_1126 = vector.extract %slice3A_1125[0] : i32 from vector<1xi32>
      %mul3A_1127 = arith.constant 16 : i32
      %mul3A_1128 = arith.muli %scan3A_1001, %mul3A_1127 : i32
      %add3A_1129 = arith.constant 5 : i32
      %add3A_1130 = arith.addi %mul3A_1128, %add3A_1129 : i32
      %dma_start3A_1131 = arith.constant 0 : i32
      %dma_start3A_1132 = tpu.memref_slice %arg9[%add3A_1130, %dma_start3A_1131] : memref<512x64xf32, #tpu.memory_space<vmem>> -> memref<1x64xf32, #tpu.memory_space<vmem>>
      %dma_start3A_1133 = tpu.memref_squeeze %dma_start3A_1132 : memref<1x64xf32, #tpu.memory_space<vmem>> -> memref<64xf32, #tpu.memory_space<vmem>>
      %dma_start3A_1134 = arith.constant 0 : i32
      %dma_start3A_1135 = tpu.memref_slice %arg4[%squeeze3A_1126, %dma_start3A_1134] : memref<1000000x64xf32, #tpu.memory_space<hbm>> -> memref<1x64xf32, #tpu.memory_space<hbm>>
      %dma_start3A_1136 = tpu.memref_squeeze %dma_start3A_1135 : memref<1x64xf32, #tpu.memory_space<hbm>> -> memref<64xf32, #tpu.memory_space<hbm>>
      %dma_start3A_1137 = arith.constant 0 : i32
      %dma_start3A_1138 = tpu.memref_slice %arg9[%add3A_1130, %dma_start3A_1137] : memref<512x64xf32, #tpu.memory_space<vmem>> -> memref<1x64xf32, #tpu.memory_space<vmem>>
      %dma_start3A_1139 = tpu.memref_squeeze %dma_start3A_1138 : memref<1x64xf32, #tpu.memory_space<vmem>> -> memref<64xf32, #tpu.memory_space<vmem>>
      %dma_start3A_1140 = arith.constant 0 : i32
      %dma_start3A_1141 = tpu.memref_slice %arg4[%squeeze3A_1126, %dma_start3A_1140] : memref<1000000x64xf32, #tpu.memory_space<hbm>> -> memref<1x64xf32, #tpu.memory_space<hbm>>
      %dma_start3A_1142 = tpu.memref_squeeze %dma_start3A_1141 : memref<1x64xf32, #tpu.memory_space<hbm>> -> memref<64xf32, #tpu.memory_space<hbm>>
      tpu.enqueue_dma source(%dma_start3A_1142 : memref<64xf32, #tpu.memory_space<hbm>>) target(%dma_start3A_1139 : memref<64xf32, #tpu.memory_space<vmem>>) target_semaphore(%arg13 : memref<!tpu.dma_semaphore, #tpu.memory_space<semaphore_mem>>)
      %slice3A_1143 = vector.extract_strided_slice %get3A_1036 {offsets = [6], sizes = [1], strides = [1]} : vector<16xi32> to vector<1xi32>
      %squeeze3A_1144 = vector.extract %slice3A_1143[0] : i32 from vector<1xi32>
      %mul3A_1145 = arith.constant 16 : i32
      %mul3A_1146 = arith.muli %scan3A_1001, %mul3A_1145 : i32
      %add3A_1147 = arith.constant 6 : i32
      %add3A_1148 = arith.addi %mul3A_1146, %add3A_1147 : i32
      %dma_start3A_1149 = arith.constant 0 : i32
      %dma_start3A_1150 = tpu.memref_slice %arg9[%add3A_1148, %dma_start3A_1149] : memref<512x64xf32, #tpu.memory_space<vmem>> -> memref<1x64xf32, #tpu.memory_space<vmem>>
      %dma_start3A_1151 = tpu.memref_squeeze %dma_start3A_1150 : memref<1x64xf32, #tpu.memory_space<vmem>> -> memref<64xf32, #tpu.memory_space<vmem>>
      %dma_start3A_1152 = arith.constant 0 : i32
      %dma_start3A_1153 = tpu.memref_slice %arg4[%squeeze3A_1144, %dma_start3A_1152] : memref<1000000x64xf32, #tpu.memory_space<hbm>> -> memref<1x64xf32, #tpu.memory_space<hbm>>
      %dma_start3A_1154 = tpu.memref_squeeze %dma_start3A_1153 : memref<1x64xf32, #tpu.memory_space<hbm>> -> memref<64xf32, #tpu.memory_space<hbm>>
      %dma_start3A_1155 = arith.constant 0 : i32
      %dma_start3A_1156 = tpu.memref_slice %arg9[%add3A_1148, %dma_start3A_1155] : memref<512x64xf32, #tpu.memory_space<vmem>> -> memref<1x64xf32, #tpu.memory_space<vmem>>
      %dma_start3A_1157 = tpu.memref_squeeze %dma_start3A_1156 : memref<1x64xf32, #tpu.memory_space<vmem>> -> memref<64xf32, #tpu.memory_space<vmem>>
      %dma_start3A_1158 = arith.constant 0 : i32
      %dma_start3A_1159 = tpu.memref_slice %arg4[%squeeze3A_1144, %dma_start3A_1158] : memref<1000000x64xf32, #tpu.memory_space<hbm>> -> memref<1x64xf32, #tpu.memory_space<hbm>>
      %dma_start3A_1160 = tpu.memref_squeeze %dma_start3A_1159 : memref<1x64xf32, #tpu.memory_space<hbm>> -> memref<64xf32, #tpu.memory_space<hbm>>
      tpu.enqueue_dma source(%dma_start3A_1160 : memref<64xf32, #tpu.memory_space<hbm>>) target(%dma_start3A_1157 : memref<64xf32, #tpu.memory_space<vmem>>) target_semaphore(%arg13 : memref<!tpu.dma_semaphore, #tpu.memory_space<semaphore_mem>>)
      %slice3A_1161 = vector.extract_strided_slice %get3A_1036 {offsets = [7], sizes = [1], strides = [1]} : vector<16xi32> to vector<1xi32>
      %squeeze3A_1162 = vector.extract %slice3A_1161[0] : i32 from vector<1xi32>
      %mul3A_1163 = arith.constant 16 : i32
      %mul3A_1164 = arith.muli %scan3A_1001, %mul3A_1163 : i32
      %add3A_1165 = arith.constant 7 : i32
      %add3A_1166 = arith.addi %mul3A_1164, %add3A_1165 : i32
      %dma_start3A_1167 = arith.constant 0 : i32
      %dma_start3A_1168 = tpu.memref_slice %arg9[%add3A_1166, %dma_start3A_1167] : memref<512x64xf32, #tpu.memory_space<vmem>> -> memref<1x64xf32, #tpu.memory_space<vmem>>
      %dma_start3A_1169 = tpu.memref_squeeze %dma_start3A_1168 : memref<1x64xf32, #tpu.memory_space<vmem>> -> memref<64xf32, #tpu.memory_space<vmem>>
      %dma_start3A_1170 = arith.constant 0 : i32
      %dma_start3A_1171 = tpu.memref_slice %arg4[%squeeze3A_1162, %dma_start3A_1170] : memref<1000000x64xf32, #tpu.memory_space<hbm>> -> memref<1x64xf32, #tpu.memory_space<hbm>>
      %dma_start3A_1172 = tpu.memref_squeeze %dma_start3A_1171 : memref<1x64xf32, #tpu.memory_space<hbm>> -> memref<64xf32, #tpu.memory_space<hbm>>
      %dma_start3A_1173 = arith.constant 0 : i32
      %dma_start3A_1174 = tpu.memref_slice %arg9[%add3A_1166, %dma_start3A_1173] : memref<512x64xf32, #tpu.memory_space<vmem>> -> memref<1x64xf32, #tpu.memory_space<vmem>>
      %dma_start3A_1175 = tpu.memref_squeeze %dma_start3A_1174 : memref<1x64xf32, #tpu.memory_space<vmem>> -> memref<64xf32, #tpu.memory_space<vmem>>
      %dma_start3A_1176 = arith.constant 0 : i32
      %dma_start3A_1177 = tpu.memref_slice %arg4[%squeeze3A_1162, %dma_start3A_1176] : memref<1000000x64xf32, #tpu.memory_space<hbm>> -> memref<1x64xf32, #tpu.memory_space<hbm>>
      %dma_start3A_1178 = tpu.memref_squeeze %dma_start3A_1177 : memref<1x64xf32, #tpu.memory_space<hbm>> -> memref<64xf32, #tpu.memory_space<hbm>>
      tpu.enqueue_dma source(%dma_start3A_1178 : memref<64xf32, #tpu.memory_space<hbm>>) target(%dma_start3A_1175 : memref<64xf32, #tpu.memory_space<vmem>>) target_semaphore(%arg13 : memref<!tpu.dma_semaphore, #tpu.memory_space<semaphore_mem>>)
      %slice3A_1179 = vector.extract_strided_slice %get3A_1036 {offsets = [8], sizes = [1], strides = [1]} : vector<16xi32> to vector<1xi32>
      %squeeze3A_1180 = vector.extract %slice3A_1179[0] : i32 from vector<1xi32>
      %mul3A_1181 = arith.constant 16 : i32
      %mul3A_1182 = arith.muli %scan3A_1001, %mul3A_1181 : i32
      %add3A_1183 = arith.constant 8 : i32
      %add3A_1184 = arith.addi %mul3A_1182, %add3A_1183 : i32
      %dma_start3A_1185 = arith.constant 0 : i32
      %dma_start3A_1186 = tpu.memref_slice %arg9[%add3A_1184, %dma_start3A_1185] : memref<512x64xf32, #tpu.memory_space<vmem>> -> memref<1x64xf32, #tpu.memory_space<vmem>>
      %dma_start3A_1187 = tpu.memref_squeeze %dma_start3A_1186 : memref<1x64xf32, #tpu.memory_space<vmem>> -> memref<64xf32, #tpu.memory_space<vmem>>
      %dma_start3A_1188 = arith.constant 0 : i32
      %dma_start3A_1189 = tpu.memref_slice %arg4[%squeeze3A_1180, %dma_start3A_1188] : memref<1000000x64xf32, #tpu.memory_space<hbm>> -> memref<1x64xf32, #tpu.memory_space<hbm>>
      %dma_start3A_1190 = tpu.memref_squeeze %dma_start3A_1189 : memref<1x64xf32, #tpu.memory_space<hbm>> -> memref<64xf32, #tpu.memory_space<hbm>>
      %dma_start3A_1191 = arith.constant 0 : i32
      %dma_start3A_1192 = tpu.memref_slice %arg9[%add3A_1184, %dma_start3A_1191] : memref<512x64xf32, #tpu.memory_space<vmem>> -> memref<1x64xf32, #tpu.memory_space<vmem>>
      %dma_start3A_1193 = tpu.memref_squeeze %dma_start3A_1192 : memref<1x64xf32, #tpu.memory_space<vmem>> -> memref<64xf32, #tpu.memory_space<vmem>>
      %dma_start3A_1194 = arith.constant 0 : i32
      %dma_start3A_1195 = tpu.memref_slice %arg4[%squeeze3A_1180, %dma_start3A_1194] : memref<1000000x64xf32, #tpu.memory_space<hbm>> -> memref<1x64xf32, #tpu.memory_space<hbm>>
      %dma_start3A_1196 = tpu.memref_squeeze %dma_start3A_1195 : memref<1x64xf32, #tpu.memory_space<hbm>> -> memref<64xf32, #tpu.memory_space<hbm>>
      tpu.enqueue_dma source(%dma_start3A_1196 : memref<64xf32, #tpu.memory_space<hbm>>) target(%dma_start3A_1193 : memref<64xf32, #tpu.memory_space<vmem>>) target_semaphore(%arg13 : memref<!tpu.dma_semaphore, #tpu.memory_space<semaphore_mem>>)
      %slice3A_1197 = vector.extract_strided_slice %get3A_1036 {offsets = [9], sizes = [1], strides = [1]} : vector<16xi32> to vector<1xi32>
      %squeeze3A_1198 = vector.extract %slice3A_1197[0] : i32 from vector<1xi32>
      %mul3A_1199 = arith.constant 16 : i32
      %mul3A_1200 = arith.muli %scan3A_1001, %mul3A_1199 : i32
      %add3A_1201 = arith.constant 9 : i32
      %add3A_1202 = arith.addi %mul3A_1200, %add3A_1201 : i32
      %dma_start3A_1203 = arith.constant 0 : i32
      %dma_start3A_1204 = tpu.memref_slice %arg9[%add3A_1202, %dma_start3A_1203] : memref<512x64xf32, #tpu.memory_space<vmem>> -> memref<1x64xf32, #tpu.memory_space<vmem>>
      %dma_start3A_1205 = tpu.memref_squeeze %dma_start3A_1204 : memref<1x64xf32, #tpu.memory_space<vmem>> -> memref<64xf32, #tpu.memory_space<vmem>>
      %dma_start3A_1206 = arith.constant 0 : i32
      %dma_start3A_1207 = tpu.memref_slice %arg4[%squeeze3A_1198, %dma_start3A_1206] : memref<1000000x64xf32, #tpu.memory_space<hbm>> -> memref<1x64xf32, #tpu.memory_space<hbm>>
      %dma_start3A_1208 = tpu.memref_squeeze %dma_start3A_1207 : memref<1x64xf32, #tpu.memory_space<hbm>> -> memref<64xf32, #tpu.memory_space<hbm>>
      %dma_start3A_1209 = arith.constant 0 : i32
      %dma_start3A_1210 = tpu.memref_slice %arg9[%add3A_1202, %dma_start3A_1209] : memref<512x64xf32, #tpu.memory_space<vmem>> -> memref<1x64xf32, #tpu.memory_space<vmem>>
      %dma_start3A_1211 = tpu.memref_squeeze %dma_start3A_1210 : memref<1x64xf32, #tpu.memory_space<vmem>> -> memref<64xf32, #tpu.memory_space<vmem>>
      %dma_start3A_1212 = arith.constant 0 : i32
      %dma_start3A_1213 = tpu.memref_slice %arg4[%squeeze3A_1198, %dma_start3A_1212] : memref<1000000x64xf32, #tpu.memory_space<hbm>> -> memref<1x64xf32, #tpu.memory_space<hbm>>
      %dma_start3A_1214 = tpu.memref_squeeze %dma_start3A_1213 : memref<1x64xf32, #tpu.memory_space<hbm>> -> memref<64xf32, #tpu.memory_space<hbm>>
      tpu.enqueue_dma source(%dma_start3A_1214 : memref<64xf32, #tpu.memory_space<hbm>>) target(%dma_start3A_1211 : memref<64xf32, #tpu.memory_space<vmem>>) target_semaphore(%arg13 : memref<!tpu.dma_semaphore, #tpu.memory_space<semaphore_mem>>)
      %slice3A_1215 = vector.extract_strided_slice %get3A_1036 {offsets = [10], sizes = [1], strides = [1]} : vector<16xi32> to vector<1xi32>
      %squeeze3A_1216 = vector.extract %slice3A_1215[0] : i32 from vector<1xi32>
      %mul3A_1217 = arith.constant 16 : i32
      %mul3A_1218 = arith.muli %scan3A_1001, %mul3A_1217 : i32
      %add3A_1219 = arith.constant 10 : i32
      %add3A_1220 = arith.addi %mul3A_1218, %add3A_1219 : i32
      %dma_start3A_1221 = arith.constant 0 : i32
      %dma_start3A_1222 = tpu.memref_slice %arg9[%add3A_1220, %dma_start3A_1221] : memref<512x64xf32, #tpu.memory_space<vmem>> -> memref<1x64xf32, #tpu.memory_space<vmem>>
      %dma_start3A_1223 = tpu.memref_squeeze %dma_start3A_1222 : memref<1x64xf32, #tpu.memory_space<vmem>> -> memref<64xf32, #tpu.memory_space<vmem>>
      %dma_start3A_1224 = arith.constant 0 : i32
      %dma_start3A_1225 = tpu.memref_slice %arg4[%squeeze3A_1216, %dma_start3A_1224] : memref<1000000x64xf32, #tpu.memory_space<hbm>> -> memref<1x64xf32, #tpu.memory_space<hbm>>
      %dma_start3A_1226 = tpu.memref_squeeze %dma_start3A_1225 : memref<1x64xf32, #tpu.memory_space<hbm>> -> memref<64xf32, #tpu.memory_space<hbm>>
      %dma_start3A_1227 = arith.constant 0 : i32
      %dma_start3A_1228 = tpu.memref_slice %arg9[%add3A_1220, %dma_start3A_1227] : memref<512x64xf32, #tpu.memory_space<vmem>> -> memref<1x64xf32, #tpu.memory_space<vmem>>
      %dma_start3A_1229 = tpu.memref_squeeze %dma_start3A_1228 : memref<1x64xf32, #tpu.memory_space<vmem>> -> memref<64xf32, #tpu.memory_space<vmem>>
      %dma_start3A_1230 = arith.constant 0 : i32
      %dma_start3A_1231 = tpu.memref_slice %arg4[%squeeze3A_1216, %dma_start3A_1230] : memref<1000000x64xf32, #tpu.memory_space<hbm>> -> memref<1x64xf32, #tpu.memory_space<hbm>>
      %dma_start3A_1232 = tpu.memref_squeeze %dma_start3A_1231 : memref<1x64xf32, #tpu.memory_space<hbm>> -> memref<64xf32, #tpu.memory_space<hbm>>
      tpu.enqueue_dma source(%dma_start3A_1232 : memref<64xf32, #tpu.memory_space<hbm>>) target(%dma_start3A_1229 : memref<64xf32, #tpu.memory_space<vmem>>) target_semaphore(%arg13 : memref<!tpu.dma_semaphore, #tpu.memory_space<semaphore_mem>>)
      %slice3A_1233 = vector.extract_strided_slice %get3A_1036 {offsets = [11], sizes = [1], strides = [1]} : vector<16xi32> to vector<1xi32>
      %squeeze3A_1234 = vector.extract %slice3A_1233[0] : i32 from vector<1xi32>
      %mul3A_1235 = arith.constant 16 : i32
      %mul3A_1236 = arith.muli %scan3A_1001, %mul3A_1235 : i32
      %add3A_1237 = arith.constant 11 : i32
      %add3A_1238 = arith.addi %mul3A_1236, %add3A_1237 : i32
      %dma_start3A_1239 = arith.constant 0 : i32
      %dma_start3A_1240 = tpu.memref_slice %arg9[%add3A_1238, %dma_start3A_1239] : memref<512x64xf32, #tpu.memory_space<vmem>> -> memref<1x64xf32, #tpu.memory_space<vmem>>
      %dma_start3A_1241 = tpu.memref_squeeze %dma_start3A_1240 : memref<1x64xf32, #tpu.memory_space<vmem>> -> memref<64xf32, #tpu.memory_space<vmem>>
      %dma_start3A_1242 = arith.constant 0 : i32
      %dma_start3A_1243 = tpu.memref_slice %arg4[%squeeze3A_1234, %dma_start3A_1242] : memref<1000000x64xf32, #tpu.memory_space<hbm>> -> memref<1x64xf32, #tpu.memory_space<hbm>>
      %dma_start3A_1244 = tpu.memref_squeeze %dma_start3A_1243 : memref<1x64xf32, #tpu.memory_space<hbm>> -> memref<64xf32, #tpu.memory_space<hbm>>
      %dma_start3A_1245 = arith.constant 0 : i32
      %dma_start3A_1246 = tpu.memref_slice %arg9[%add3A_1238, %dma_start3A_1245] : memref<512x64xf32, #tpu.memory_space<vmem>> -> memref<1x64xf32, #tpu.memory_space<vmem>>
      %dma_start3A_1247 = tpu.memref_squeeze %dma_start3A_1246 : memref<1x64xf32, #tpu.memory_space<vmem>> -> memref<64xf32, #tpu.memory_space<vmem>>
      %dma_start3A_1248 = arith.constant 0 : i32
      %dma_start3A_1249 = tpu.memref_slice %arg4[%squeeze3A_1234, %dma_start3A_1248] : memref<1000000x64xf32, #tpu.memory_space<hbm>> -> memref<1x64xf32, #tpu.memory_space<hbm>>
      %dma_start3A_1250 = tpu.memref_squeeze %dma_start3A_1249 : memref<1x64xf32, #tpu.memory_space<hbm>> -> memref<64xf32, #tpu.memory_space<hbm>>
      tpu.enqueue_dma source(%dma_start3A_1250 : memref<64xf32, #tpu.memory_space<hbm>>) target(%dma_start3A_1247 : memref<64xf32, #tpu.memory_space<vmem>>) target_semaphore(%arg13 : memref<!tpu.dma_semaphore, #tpu.memory_space<semaphore_mem>>)
      %slice3A_1251 = vector.extract_strided_slice %get3A_1036 {offsets = [12], sizes = [1], strides = [1]} : vector<16xi32> to vector<1xi32>
      %squeeze3A_1252 = vector.extract %slice3A_1251[0] : i32 from vector<1xi32>
      %mul3A_1253 = arith.constant 16 : i32
      %mul3A_1254 = arith.muli %scan3A_1001, %mul3A_1253 : i32
      %add3A_1255 = arith.constant 12 : i32
      %add3A_1256 = arith.addi %mul3A_1254, %add3A_1255 : i32
      %dma_start3A_1257 = arith.constant 0 : i32
      %dma_start3A_1258 = tpu.memref_slice %arg9[%add3A_1256, %dma_start3A_1257] : memref<512x64xf32, #tpu.memory_space<vmem>> -> memref<1x64xf32, #tpu.memory_space<vmem>>
      %dma_start3A_1259 = tpu.memref_squeeze %dma_start3A_1258 : memref<1x64xf32, #tpu.memory_space<vmem>> -> memref<64xf32, #tpu.memory_space<vmem>>
      %dma_start3A_1260 = arith.constant 0 : i32
      %dma_start3A_1261 = tpu.memref_slice %arg4[%squeeze3A_1252, %dma_start3A_1260] : memref<1000000x64xf32, #tpu.memory_space<hbm>> -> memref<1x64xf32, #tpu.memory_space<hbm>>
      %dma_start3A_1262 = tpu.memref_squeeze %dma_start3A_1261 : memref<1x64xf32, #tpu.memory_space<hbm>> -> memref<64xf32, #tpu.memory_space<hbm>>
      %dma_start3A_1263 = arith.constant 0 : i32
      %dma_start3A_1264 = tpu.memref_slice %arg9[%add3A_1256, %dma_start3A_1263] : memref<512x64xf32, #tpu.memory_space<vmem>> -> memref<1x64xf32, #tpu.memory_space<vmem>>
      %dma_start3A_1265 = tpu.memref_squeeze %dma_start3A_1264 : memref<1x64xf32, #tpu.memory_space<vmem>> -> memref<64xf32, #tpu.memory_space<vmem>>
      %dma_start3A_1266 = arith.constant 0 : i32
      %dma_start3A_1267 = tpu.memref_slice %arg4[%squeeze3A_1252, %dma_start3A_1266] : memref<1000000x64xf32, #tpu.memory_space<hbm>> -> memref<1x64xf32, #tpu.memory_space<hbm>>
      %dma_start3A_1268 = tpu.memref_squeeze %dma_start3A_1267 : memref<1x64xf32, #tpu.memory_space<hbm>> -> memref<64xf32, #tpu.memory_space<hbm>>
      tpu.enqueue_dma source(%dma_start3A_1268 : memref<64xf32, #tpu.memory_space<hbm>>) target(%dma_start3A_1265 : memref<64xf32, #tpu.memory_space<vmem>>) target_semaphore(%arg13 : memref<!tpu.dma_semaphore, #tpu.memory_space<semaphore_mem>>)
      %slice3A_1269 = vector.extract_strided_slice %get3A_1036 {offsets = [13], sizes = [1], strides = [1]} : vector<16xi32> to vector<1xi32>
      %squeeze3A_1270 = vector.extract %slice3A_1269[0] : i32 from vector<1xi32>
      %mul3A_1271 = arith.constant 16 : i32
      %mul3A_1272 = arith.muli %scan3A_1001, %mul3A_1271 : i32
      %add3A_1273 = arith.constant 13 : i32
      %add3A_1274 = arith.addi %mul3A_1272, %add3A_1273 : i32
      %dma_start3A_1275 = arith.constant 0 : i32
      %dma_start3A_1276 = tpu.memref_slice %arg9[%add3A_1274, %dma_start3A_1275] : memref<512x64xf32, #tpu.memory_space<vmem>> -> memref<1x64xf32, #tpu.memory_space<vmem>>
      %dma_start3A_1277 = tpu.memref_squeeze %dma_start3A_1276 : memref<1x64xf32, #tpu.memory_space<vmem>> -> memref<64xf32, #tpu.memory_space<vmem>>
      %dma_start3A_1278 = arith.constant 0 : i32
      %dma_start3A_1279 = tpu.memref_slice %arg4[%squeeze3A_1270, %dma_start3A_1278] : memref<1000000x64xf32, #tpu.memory_space<hbm>> -> memref<1x64xf32, #tpu.memory_space<hbm>>
      %dma_start3A_1280 = tpu.memref_squeeze %dma_start3A_1279 : memref<1x64xf32, #tpu.memory_space<hbm>> -> memref<64xf32, #tpu.memory_space<hbm>>
      %dma_start3A_1281 = arith.constant 0 : i32
      %dma_start3A_1282 = tpu.memref_slice %arg9[%add3A_1274, %dma_start3A_1281] : memref<512x64xf32, #tpu.memory_space<vmem>> -> memref<1x64xf32, #tpu.memory_space<vmem>>
      %dma_start3A_1283 = tpu.memref_squeeze %dma_start3A_1282 : memref<1x64xf32, #tpu.memory_space<vmem>> -> memref<64xf32, #tpu.memory_space<vmem>>
      %dma_start3A_1284 = arith.constant 0 : i32
      %dma_start3A_1285 = tpu.memref_slice %arg4[%squeeze3A_1270, %dma_start3A_1284] : memref<1000000x64xf32, #tpu.memory_space<hbm>> -> memref<1x64xf32, #tpu.memory_space<hbm>>
      %dma_start3A_1286 = tpu.memref_squeeze %dma_start3A_1285 : memref<1x64xf32, #tpu.memory_space<hbm>> -> memref<64xf32, #tpu.memory_space<hbm>>
      tpu.enqueue_dma source(%dma_start3A_1286 : memref<64xf32, #tpu.memory_space<hbm>>) target(%dma_start3A_1283 : memref<64xf32, #tpu.memory_space<vmem>>) target_semaphore(%arg13 : memref<!tpu.dma_semaphore, #tpu.memory_space<semaphore_mem>>)
      %slice3A_1287 = vector.extract_strided_slice %get3A_1036 {offsets = [14], sizes = [1], strides = [1]} : vector<16xi32> to vector<1xi32>
      %squeeze3A_1288 = vector.extract %slice3A_1287[0] : i32 from vector<1xi32>
      %mul3A_1289 = arith.constant 16 : i32
      %mul3A_1290 = arith.muli %scan3A_1001, %mul3A_1289 : i32
      %add3A_1291 = arith.constant 14 : i32
      %add3A_1292 = arith.addi %mul3A_1290, %add3A_1291 : i32
      %dma_start3A_1293 = arith.constant 0 : i32
      %dma_start3A_1294 = tpu.memref_slice %arg9[%add3A_1292, %dma_start3A_1293] : memref<512x64xf32, #tpu.memory_space<vmem>> -> memref<1x64xf32, #tpu.memory_space<vmem>>
      %dma_start3A_1295 = tpu.memref_squeeze %dma_start3A_1294 : memref<1x64xf32, #tpu.memory_space<vmem>> -> memref<64xf32, #tpu.memory_space<vmem>>
      %dma_start3A_1296 = arith.constant 0 : i32
      %dma_start3A_1297 = tpu.memref_slice %arg4[%squeeze3A_1288, %dma_start3A_1296] : memref<1000000x64xf32, #tpu.memory_space<hbm>> -> memref<1x64xf32, #tpu.memory_space<hbm>>
      %dma_start3A_1298 = tpu.memref_squeeze %dma_start3A_1297 : memref<1x64xf32, #tpu.memory_space<hbm>> -> memref<64xf32, #tpu.memory_space<hbm>>
      %dma_start3A_1299 = arith.constant 0 : i32
      %dma_start3A_1300 = tpu.memref_slice %arg9[%add3A_1292, %dma_start3A_1299] : memref<512x64xf32, #tpu.memory_space<vmem>> -> memref<1x64xf32, #tpu.memory_space<vmem>>
      %dma_start3A_1301 = tpu.memref_squeeze %dma_start3A_1300 : memref<1x64xf32, #tpu.memory_space<vmem>> -> memref<64xf32, #tpu.memory_space<vmem>>
      %dma_start3A_1302 = arith.constant 0 : i32
      %dma_start3A_1303 = tpu.memref_slice %arg4[%squeeze3A_1288, %dma_start3A_1302] : memref<1000000x64xf32, #tpu.memory_space<hbm>> -> memref<1x64xf32, #tpu.memory_space<hbm>>
      %dma_start3A_1304 = tpu.memref_squeeze %dma_start3A_1303 : memref<1x64xf32, #tpu.memory_space<hbm>> -> memref<64xf32, #tpu.memory_space<hbm>>
      tpu.enqueue_dma source(%dma_start3A_1304 : memref<64xf32, #tpu.memory_space<hbm>>) target(%dma_start3A_1301 : memref<64xf32, #tpu.memory_space<vmem>>) target_semaphore(%arg13 : memref<!tpu.dma_semaphore, #tpu.memory_space<semaphore_mem>>)
      %slice3A_1305 = vector.extract_strided_slice %get3A_1036 {offsets = [15], sizes = [1], strides = [1]} : vector<16xi32> to vector<1xi32>
      %squeeze3A_1306 = vector.extract %slice3A_1305[0] : i32 from vector<1xi32>
      %mul3A_1307 = arith.constant 16 : i32
      %mul3A_1308 = arith.muli %scan3A_1001, %mul3A_1307 : i32
      %add3A_1309 = arith.constant 15 : i32
      %add3A_1310 = arith.addi %mul3A_1308, %add3A_1309 : i32
      %dma_start3A_1311 = arith.constant 0 : i32
      %dma_start3A_1312 = tpu.memref_slice %arg9[%add3A_1310, %dma_start3A_1311] : memref<512x64xf32, #tpu.memory_space<vmem>> -> memref<1x64xf32, #tpu.memory_space<vmem>>
      %dma_start3A_1313 = tpu.memref_squeeze %dma_start3A_1312 : memref<1x64xf32, #tpu.memory_space<vmem>> -> memref<64xf32, #tpu.memory_space<vmem>>
      %dma_start3A_1314 = arith.constant 0 : i32
      %dma_start3A_1315 = tpu.memref_slice %arg4[%squeeze3A_1306, %dma_start3A_1314] : memref<1000000x64xf32, #tpu.memory_space<hbm>> -> memref<1x64xf32, #tpu.memory_space<hbm>>
      %dma_start3A_1316 = tpu.memref_squeeze %dma_start3A_1315 : memref<1x64xf32, #tpu.memory_space<hbm>> -> memref<64xf32, #tpu.memory_space<hbm>>
      %dma_start3A_1317 = arith.constant 0 : i32
      %dma_start3A_1318 = tpu.memref_slice %arg9[%add3A_1310, %dma_start3A_1317] : memref<512x64xf32, #tpu.memory_space<vmem>> -> memref<1x64xf32, #tpu.memory_space<vmem>>
      %dma_start3A_1319 = tpu.memref_squeeze %dma_start3A_1318 : memref<1x64xf32, #tpu.memory_space<vmem>> -> memref<64xf32, #tpu.memory_space<vmem>>
      %dma_start3A_1320 = arith.constant 0 : i32
      %dma_start3A_1321 = tpu.memref_slice %arg4[%squeeze3A_1306, %dma_start3A_1320] : memref<1000000x64xf32, #tpu.memory_space<hbm>> -> memref<1x64xf32, #tpu.memory_space<hbm>>
      %dma_start3A_1322 = tpu.memref_squeeze %dma_start3A_1321 : memref<1x64xf32, #tpu.memory_space<hbm>> -> memref<64xf32, #tpu.memory_space<hbm>>
      tpu.enqueue_dma source(%dma_start3A_1322 : memref<64xf32, #tpu.memory_space<hbm>>) target(%dma_start3A_1319 : memref<64xf32, #tpu.memory_space<vmem>>) target_semaphore(%arg13 : memref<!tpu.dma_semaphore, #tpu.memory_space<semaphore_mem>>)
    }
    %scan3A_643 = arith.constant 32 : i32
    %dma_wait3A_644 = arith.constant 0 : i32
    %dma_wait3A_645 = arith.constant 0 : i32
    %dma_wait3A_646 = tpu.memref_slice %arg4[%dma_wait3A_644, %dma_wait3A_645] : memref<1000000x64xf32, #tpu.memory_space<hbm>> -> memref<512x64xf32, #tpu.memory_space<hbm>>
    %dma_wait3A_647 = arith.constant 0 : i32
    %dma_wait3A_648 = arith.constant 0 : i32
    %dma_wait3A_649 = tpu.memref_slice %arg4[%dma_wait3A_647, %dma_wait3A_648] : memref<1000000x64xf32, #tpu.memory_space<hbm>> -> memref<512x64xf32, #tpu.memory_space<hbm>>
    tpu.wait_dma2 semaphore(%arg13 : memref<!tpu.dma_semaphore, #tpu.memory_space<semaphore_mem>>) src(%dma_wait3A_649 : memref<512x64xf32, #tpu.memory_space<hbm>>) dst(%arg9 : memref<512x64xf32, #tpu.memory_space<vmem>>)
    %iota3A_650 = tpu.iota {dimensions = array<i32: 0>} : vector<16xi32>
    %add3A_651 = arith.constant 0 : i32
    %add3A_652 = vector.broadcast %add3A_651 : i32 to vector<16xi32>
    %add3A_653 = arith.addi %iota3A_650, %add3A_652 : vector<16xi32>
    %iota3A_654 = tpu.iota {dimensions = array<i32: 0>} : vector<16xi32>
    %add3A_655 = arith.constant 16 : i32
    %add3A_656 = vector.broadcast %add3A_655 : i32 to vector<16xi32>
    %add3A_657 = arith.addi %iota3A_654, %add3A_656 : vector<16xi32>
    %iota3A_658 = tpu.iota {dimensions = array<i32: 0>} : vector<16xi32>
    %add3A_659 = arith.constant 32 : i32
    %add3A_660 = vector.broadcast %add3A_659 : i32 to vector<16xi32>
    %add3A_661 = arith.addi %iota3A_658, %add3A_660 : vector<16xi32>
    %iota3A_662 = tpu.iota {dimensions = array<i32: 0>} : vector<16xi32>
    %add3A_663 = arith.constant 48 : i32
    %add3A_664 = vector.broadcast %add3A_663 : i32 to vector<16xi32>
    %add3A_665 = arith.addi %iota3A_662, %add3A_664 : vector<16xi32>
    %iota3A_666 = tpu.iota {dimensions = array<i32: 0>} : vector<16xi32>
    %add3A_667 = arith.constant 64 : i32
    %add3A_668 = vector.broadcast %add3A_667 : i32 to vector<16xi32>
    %add3A_669 = arith.addi %iota3A_666, %add3A_668 : vector<16xi32>
    %iota3A_670 = tpu.iota {dimensions = array<i32: 0>} : vector<16xi32>
    %add3A_671 = arith.constant 80 : i32
    %add3A_672 = vector.broadcast %add3A_671 : i32 to vector<16xi32>
    %add3A_673 = arith.addi %iota3A_670, %add3A_672 : vector<16xi32>
    %iota3A_674 = tpu.iota {dimensions = array<i32: 0>} : vector<16xi32>
    %add3A_675 = arith.constant 96 : i32
    %add3A_676 = vector.broadcast %add3A_675 : i32 to vector<16xi32>
    %add3A_677 = arith.addi %iota3A_674, %add3A_676 : vector<16xi32>
    %iota3A_678 = tpu.iota {dimensions = array<i32: 0>} : vector<16xi32>
    %add3A_679 = arith.constant 112 : i32
    %add3A_680 = vector.broadcast %add3A_679 : i32 to vector<16xi32>
    %add3A_681 = arith.addi %iota3A_678, %add3A_680 : vector<16xi32>
    %broadcast_in_dim3A = arith.constant 0.000000e+00 : f32
    %broadcast_in_dim3A_682 = vector.broadcast %broadcast_in_dim3A : f32 to vector<16xf32>
    %broadcast_in_dim3A_683 = arith.constant 0.000000e+00 : f32
    %broadcast_in_dim3A_684 = vector.broadcast %broadcast_in_dim3A_683 : f32 to vector<16xf32>
    %broadcast_in_dim3A_685 = arith.constant 0.000000e+00 : f32
    %broadcast_in_dim3A_686 = vector.broadcast %broadcast_in_dim3A_685 : f32 to vector<16xf32>
    %broadcast_in_dim3A_687 = arith.constant 0.000000e+00 : f32
    %broadcast_in_dim3A_688 = vector.broadcast %broadcast_in_dim3A_687 : f32 to vector<16xf32>
    %broadcast_in_dim3A_689 = arith.constant 0.000000e+00 : f32
    %broadcast_in_dim3A_690 = vector.broadcast %broadcast_in_dim3A_689 : f32 to vector<16xf32>
    %broadcast_in_dim3A_691 = arith.constant 0.000000e+00 : f32
    %broadcast_in_dim3A_692 = vector.broadcast %broadcast_in_dim3A_691 : f32 to vector<16xf32>
    %broadcast_in_dim3A_693 = arith.constant 0.000000e+00 : f32
    %broadcast_in_dim3A_694 = vector.broadcast %broadcast_in_dim3A_693 : f32 to vector<16xf32>
    %broadcast_in_dim3A_695 = arith.constant 0.000000e+00 : f32
    %broadcast_in_dim3A_696 = vector.broadcast %broadcast_in_dim3A_695 : f32 to vector<16xf32>
    %scan3A_697 = arith.constant 0 : i32
    %scan3A_698 = arith.constant 64 : i32
    %scan3A_699 = arith.addi %scan3A_697, %scan3A_698 : i32
    %scan3A_700 = arith.constant 1 : i32
    %scan3A_701:8 = scf.for %scan3A_1001 = %scan3A_697 to %scan3A_699 step %scan3A_700 iter_args(%scan3A_1002 = %broadcast_in_dim3A_682, %scan3A_1003 = %broadcast_in_dim3A_684, %scan3A_1004 = %broadcast_in_dim3A_686, %scan3A_1005 = %broadcast_in_dim3A_688, %scan3A_1006 = %broadcast_in_dim3A_690, %scan3A_1007 = %broadcast_in_dim3A_692, %scan3A_1008 = %broadcast_in_dim3A_694, %scan3A_1009 = %broadcast_in_dim3A_696) -> (vector<16xf32>, vector<16xf32>, vector<16xf32>, vector<16xf32>, vector<16xf32>, vector<16xf32>, vector<16xf32>, vector<16xf32>)  : i32 {
      %add3A_1010 = arith.constant 0 : i32
      %add3A_1011 = arith.addi %add3A_1010, %scan3A_1001 : i32
      %get3A_1012 = arith.index_cast %add3A_1011 : i32 to index
      %get3A_1013 = arith.constant 0 : index
      %get3A_1014 = tpu.vector_load %arg11[%get3A_1012, %get3A_1013] {strides = array<i32>} : memref<256x16xf32, #tpu.memory_space<vmem>>, vector<16xf32>,
      %broadcast_in_dim3A_1015 = vector.broadcast %scan3A_1001 : i32 to vector<16xi32>
      %gather3A = tpu.vector_load_idx %arg9[%add3A_653, %broadcast_in_dim3A_1015] : memref<512x64xf32, #tpu.memory_space<vmem>>[vector<16xi32>, vector<16xi32>], vector<16xf32>,
      %mul3A_1016 = arith.mulf %gather3A, %get3A_1014 : vector<16xf32>
      %add3A_1017 = arith.addf %scan3A_1002, %mul3A_1016 : vector<16xf32>
      %gather3A_1018 = tpu.vector_load_idx %arg9[%add3A_657, %broadcast_in_dim3A_1015] : memref<512x64xf32, #tpu.memory_space<vmem>>[vector<16xi32>, vector<16xi32>], vector<16xf32>,
      %mul3A_1019 = arith.mulf %gather3A_1018, %get3A_1014 : vector<16xf32>
      %add3A_1020 = arith.addf %scan3A_1003, %mul3A_1019 : vector<16xf32>
      %gather3A_1021 = tpu.vector_load_idx %arg9[%add3A_661, %broadcast_in_dim3A_1015] : memref<512x64xf32, #tpu.memory_space<vmem>>[vector<16xi32>, vector<16xi32>], vector<16xf32>,
      %mul3A_1022 = arith.mulf %gather3A_1021, %get3A_1014 : vector<16xf32>
      %add3A_1023 = arith.addf %scan3A_1004, %mul3A_1022 : vector<16xf32>
      %gather3A_1024 = tpu.vector_load_idx %arg9[%add3A_665, %broadcast_in_dim3A_1015] : memref<512x64xf32, #tpu.memory_space<vmem>>[vector<16xi32>, vector<16xi32>], vector<16xf32>,
      %mul3A_1025 = arith.mulf %gather3A_1024, %get3A_1014 : vector<16xf32>
      %add3A_1026 = arith.addf %scan3A_1005, %mul3A_1025 : vector<16xf32>
      %gather3A_1027 = tpu.vector_load_idx %arg9[%add3A_669, %broadcast_in_dim3A_1015] : memref<512x64xf32, #tpu.memory_space<vmem>>[vector<16xi32>, vector<16xi32>], vector<16xf32>,
      %mul3A_1028 = arith.mulf %gather3A_1027, %get3A_1014 : vector<16xf32>
      %add3A_1029 = arith.addf %scan3A_1006, %mul3A_1028 : vector<16xf32>
      %gather3A_1030 = tpu.vector_load_idx %arg9[%add3A_673, %broadcast_in_dim3A_1015] : memref<512x64xf32, #tpu.memory_space<vmem>>[vector<16xi32>, vector<16xi32>], vector<16xf32>,
      %mul3A_1031 = arith.mulf %gather3A_1030, %get3A_1014 : vector<16xf32>
      %add3A_1032 = arith.addf %scan3A_1007, %mul3A_1031 : vector<16xf32>
      %gather3A_1033 = tpu.vector_load_idx %arg9[%add3A_677, %broadcast_in_dim3A_1015] : memref<512x64xf32, #tpu.memory_space<vmem>>[vector<16xi32>, vector<16xi32>], vector<16xf32>,
      %mul3A_1034 = arith.mulf %gather3A_1033, %get3A_1014 : vector<16xf32>
      %add3A_1035 = arith.addf %scan3A_1008, %mul3A_1034 : vector<16xf32>
      %gather3A_1036 = tpu.vector_load_idx %arg9[%add3A_681, %broadcast_in_dim3A_1015] : memref<512x64xf32, #tpu.memory_space<vmem>>[vector<16xi32>, vector<16xi32>], vector<16xf32>,
      %mul3A_1037 = arith.mulf %gather3A_1036, %get3A_1014 : vector<16xf32>
      %add3A_1038 = arith.addf %scan3A_1009, %mul3A_1037 : vector<16xf32>
      scf.yield %add3A_1017, %add3A_1020, %add3A_1023, %add3A_1026, %add3A_1029, %add3A_1032, %add3A_1035, %add3A_1038 : vector<16xf32>, vector<16xf32>, vector<16xf32>, vector<16xf32>, vector<16xf32>, vector<16xf32>, vector<16xf32>, vector<16xf32>
    }
    %scan3A_702 = arith.constant 64 : i32
    %swap3A_703 = arith.constant 0 : index
    %swap3A_704 = tpu.vector_load %arg12[%swap3A_703] {strides = array<i32>} : memref<128xf32, #tpu.memory_space<vmem>>, vector<16xf32>,
    tpu.vector_store %arg12[%swap3A_703], %scan3A_701#0 {strides = array<i32>} : memref<128xf32, #tpu.memory_space<vmem>>, vector<16xf32>,
    %swap3A_705 = arith.constant 16 : index
    %swap3A_706 = tpu.vector_load %arg12[%swap3A_705] {strides = array<i32>} : memref<128xf32, #tpu.memory_space<vmem>>, vector<16xf32>,
    tpu.vector_store %arg12[%swap3A_705], %scan3A_701#1 {strides = array<i32>} : memref<128xf32, #tpu.memory_space<vmem>>, vector<16xf32>,
    %swap3A_707 = arith.constant 32 : index
    %swap3A_708 = tpu.vector_load %arg12[%swap3A_707] {strides = array<i32>} : memref<128xf32, #tpu.memory_space<vmem>>, vector<16xf32>,
    tpu.vector_store %arg12[%swap3A_707], %scan3A_701#2 {strides = array<i32>} : memref<128xf32, #tpu.memory_space<vmem>>, vector<16xf32>,
    %swap3A_709 = arith.constant 48 : index
    %swap3A_710 = tpu.vector_load %arg12[%swap3A_709] {strides = array<i32>} : memref<128xf32, #tpu.memory_space<vmem>>, vector<16xf32>,
    tpu.vector_store %arg12[%swap3A_709], %scan3A_701#3 {strides = array<i32>} : memref<128xf32, #tpu.memory_space<vmem>>, vector<16xf32>,
    %swap3A_711 = arith.constant 64 : index
    %swap3A_712 = tpu.vector_load %arg12[%swap3A_711] {strides = array<i32>} : memref<128xf32, #tpu.memory_space<vmem>>, vector<16xf32>,
    tpu.vector_store %arg12[%swap3A_711], %scan3A_701#4 {strides = array<i32>} : memref<128xf32, #tpu.memory_space<vmem>>, vector<16xf32>,
    %swap3A_713 = arith.constant 80 : index
    %swap3A_714 = tpu.vector_load %arg12[%swap3A_713] {strides = array<i32>} : memref<128xf32, #tpu.memory_space<vmem>>, vector<16xf32>,
    tpu.vector_store %arg12[%swap3A_713], %scan3A_701#5 {strides = array<i32>} : memref<128xf32, #tpu.memory_space<vmem>>, vector<16xf32>,
    %swap3A_715 = arith.constant 96 : index
    %swap3A_716 = tpu.vector_load %arg12[%swap3A_715] {strides = array<i32>} : memref<128xf32, #tpu.memory_space<vmem>>, vector<16xf32>,
    tpu.vector_store %arg12[%swap3A_715], %scan3A_701#6 {strides = array<i32>} : memref<128xf32, #tpu.memory_space<vmem>>, vector<16xf32>,
    %swap3A_717 = arith.constant 112 : index
    %swap3A_718 = tpu.vector_load %arg12[%swap3A_717] {strides = array<i32>} : memref<128xf32, #tpu.memory_space<vmem>>, vector<16xf32>,
    tpu.vector_store %arg12[%swap3A_717], %scan3A_701#7 {strides = array<i32>} : memref<128xf32, #tpu.memory_space<vmem>>, vector<16xf32>,
    %iota3A_719 = tpu.iota {dimensions = array<i32: 0>} : vector<16xi32>
    %add3A_720 = arith.constant 128 : i32
    %add3A_721 = vector.broadcast %add3A_720 : i32 to vector<16xi32>
    %add3A_722 = arith.addi %iota3A_719, %add3A_721 : vector<16xi32>
    %iota3A_723 = tpu.iota {dimensions = array<i32: 0>} : vector<16xi32>
    %add3A_724 = arith.constant 144 : i32
    %add3A_725 = vector.broadcast %add3A_724 : i32 to vector<16xi32>
    %add3A_726 = arith.addi %iota3A_723, %add3A_725 : vector<16xi32>
    %iota3A_727 = tpu.iota {dimensions = array<i32: 0>} : vector<16xi32>
    %add3A_728 = arith.constant 160 : i32
    %add3A_729 = vector.broadcast %add3A_728 : i32 to vector<16xi32>
    %add3A_730 = arith.addi %iota3A_727, %add3A_729 : vector<16xi32>
    %iota3A_731 = tpu.iota {dimensions = array<i32: 0>} : vector<16xi32>
    %add3A_732 = arith.constant 176 : i32
    %add3A_733 = vector.broadcast %add3A_732 : i32 to vector<16xi32>
    %add3A_734 = arith.addi %iota3A_731, %add3A_733 : vector<16xi32>
    %iota3A_735 = tpu.iota {dimensions = array<i32: 0>} : vector<16xi32>
    %add3A_736 = arith.constant 192 : i32
    %add3A_737 = vector.broadcast %add3A_736 : i32 to vector<16xi32>
    %add3A_738 = arith.addi %iota3A_735, %add3A_737 : vector<16xi32>
    %iota3A_739 = tpu.iota {dimensions = array<i32: 0>} : vector<16xi32>
    %add3A_740 = arith.constant 208 : i32
    %add3A_741 = vector.broadcast %add3A_740 : i32 to vector<16xi32>
    %add3A_742 = arith.addi %iota3A_739, %add3A_741 : vector<16xi32>
    %iota3A_743 = tpu.iota {dimensions = array<i32: 0>} : vector<16xi32>
    %add3A_744 = arith.constant 224 : i32
    %add3A_745 = vector.broadcast %add3A_744 : i32 to vector<16xi32>
    %add3A_746 = arith.addi %iota3A_743, %add3A_745 : vector<16xi32>
    %iota3A_747 = tpu.iota {dimensions = array<i32: 0>} : vector<16xi32>
    %add3A_748 = arith.constant 240 : i32
    %add3A_749 = vector.broadcast %add3A_748 : i32 to vector<16xi32>
    %add3A_750 = arith.addi %iota3A_747, %add3A_749 : vector<16xi32>
    %broadcast_in_dim3A_751 = arith.constant 0.000000e+00 : f32
    %broadcast_in_dim3A_752 = vector.broadcast %broadcast_in_dim3A_751 : f32 to vector<16xf32>
    %broadcast_in_dim3A_753 = arith.constant 0.000000e+00 : f32
    %broadcast_in_dim3A_754 = vector.broadcast %broadcast_in_dim3A_753 : f32 to vector<16xf32>
    %broadcast_in_dim3A_755 = arith.constant 0.000000e+00 : f32
    %broadcast_in_dim3A_756 = vector.broadcast %broadcast_in_dim3A_755 : f32 to vector<16xf32>
    %broadcast_in_dim3A_757 = arith.constant 0.000000e+00 : f32
    %broadcast_in_dim3A_758 = vector.broadcast %broadcast_in_dim3A_757 : f32 to vector<16xf32>
    %broadcast_in_dim3A_759 = arith.constant 0.000000e+00 : f32
    %broadcast_in_dim3A_760 = vector.broadcast %broadcast_in_dim3A_759 : f32 to vector<16xf32>
    %broadcast_in_dim3A_761 = arith.constant 0.000000e+00 : f32
    %broadcast_in_dim3A_762 = vector.broadcast %broadcast_in_dim3A_761 : f32 to vector<16xf32>
    %broadcast_in_dim3A_763 = arith.constant 0.000000e+00 : f32
    %broadcast_in_dim3A_764 = vector.broadcast %broadcast_in_dim3A_763 : f32 to vector<16xf32>
    %broadcast_in_dim3A_765 = arith.constant 0.000000e+00 : f32
    %broadcast_in_dim3A_766 = vector.broadcast %broadcast_in_dim3A_765 : f32 to vector<16xf32>
    %scan3A_767 = arith.constant 0 : i32
    %scan3A_768 = arith.constant 64 : i32
    %scan3A_769 = arith.addi %scan3A_767, %scan3A_768 : i32
    %scan3A_770 = arith.constant 1 : i32
    %scan3A_771:8 = scf.for %scan3A_1001 = %scan3A_767 to %scan3A_769 step %scan3A_770 iter_args(%scan3A_1002 = %broadcast_in_dim3A_752, %scan3A_1003 = %broadcast_in_dim3A_754, %scan3A_1004 = %broadcast_in_dim3A_756, %scan3A_1005 = %broadcast_in_dim3A_758, %scan3A_1006 = %broadcast_in_dim3A_760, %scan3A_1007 = %broadcast_in_dim3A_762, %scan3A_1008 = %broadcast_in_dim3A_764, %scan3A_1009 = %broadcast_in_dim3A_766) -> (vector<16xf32>, vector<16xf32>, vector<16xf32>, vector<16xf32>, vector<16xf32>, vector<16xf32>, vector<16xf32>, vector<16xf32>)  : i32 {
      %add3A_1010 = arith.constant 64 : i32
      %add3A_1011 = arith.addi %add3A_1010, %scan3A_1001 : i32
      %get3A_1012 = arith.index_cast %add3A_1011 : i32 to index
      %get3A_1013 = arith.constant 0 : index
      %get3A_1014 = tpu.vector_load %arg11[%get3A_1012, %get3A_1013] {strides = array<i32>} : memref<256x16xf32, #tpu.memory_space<vmem>>, vector<16xf32>,
      %broadcast_in_dim3A_1015 = vector.broadcast %scan3A_1001 : i32 to vector<16xi32>
      %gather3A = tpu.vector_load_idx %arg9[%add3A_722, %broadcast_in_dim3A_1015] : memref<512x64xf32, #tpu.memory_space<vmem>>[vector<16xi32>, vector<16xi32>], vector<16xf32>,
      %mul3A_1016 = arith.mulf %gather3A, %get3A_1014 : vector<16xf32>
      %add3A_1017 = arith.addf %scan3A_1002, %mul3A_1016 : vector<16xf32>
      %gather3A_1018 = tpu.vector_load_idx %arg9[%add3A_726, %broadcast_in_dim3A_1015] : memref<512x64xf32, #tpu.memory_space<vmem>>[vector<16xi32>, vector<16xi32>], vector<16xf32>,
      %mul3A_1019 = arith.mulf %gather3A_1018, %get3A_1014 : vector<16xf32>
      %add3A_1020 = arith.addf %scan3A_1003, %mul3A_1019 : vector<16xf32>
      %gather3A_1021 = tpu.vector_load_idx %arg9[%add3A_730, %broadcast_in_dim3A_1015] : memref<512x64xf32, #tpu.memory_space<vmem>>[vector<16xi32>, vector<16xi32>], vector<16xf32>,
      %mul3A_1022 = arith.mulf %gather3A_1021, %get3A_1014 : vector<16xf32>
      %add3A_1023 = arith.addf %scan3A_1004, %mul3A_1022 : vector<16xf32>
      %gather3A_1024 = tpu.vector_load_idx %arg9[%add3A_734, %broadcast_in_dim3A_1015] : memref<512x64xf32, #tpu.memory_space<vmem>>[vector<16xi32>, vector<16xi32>], vector<16xf32>,
      %mul3A_1025 = arith.mulf %gather3A_1024, %get3A_1014 : vector<16xf32>
      %add3A_1026 = arith.addf %scan3A_1005, %mul3A_1025 : vector<16xf32>
      %gather3A_1027 = tpu.vector_load_idx %arg9[%add3A_738, %broadcast_in_dim3A_1015] : memref<512x64xf32, #tpu.memory_space<vmem>>[vector<16xi32>, vector<16xi32>], vector<16xf32>,
      %mul3A_1028 = arith.mulf %gather3A_1027, %get3A_1014 : vector<16xf32>
      %add3A_1029 = arith.addf %scan3A_1006, %mul3A_1028 : vector<16xf32>
      %gather3A_1030 = tpu.vector_load_idx %arg9[%add3A_742, %broadcast_in_dim3A_1015] : memref<512x64xf32, #tpu.memory_space<vmem>>[vector<16xi32>, vector<16xi32>], vector<16xf32>,
      %mul3A_1031 = arith.mulf %gather3A_1030, %get3A_1014 : vector<16xf32>
      %add3A_1032 = arith.addf %scan3A_1007, %mul3A_1031 : vector<16xf32>
      %gather3A_1033 = tpu.vector_load_idx %arg9[%add3A_746, %broadcast_in_dim3A_1015] : memref<512x64xf32, #tpu.memory_space<vmem>>[vector<16xi32>, vector<16xi32>], vector<16xf32>,
      %mul3A_1034 = arith.mulf %gather3A_1033, %get3A_1014 : vector<16xf32>
      %add3A_1035 = arith.addf %scan3A_1008, %mul3A_1034 : vector<16xf32>
      %gather3A_1036 = tpu.vector_load_idx %arg9[%add3A_750, %broadcast_in_dim3A_1015] : memref<512x64xf32, #tpu.memory_space<vmem>>[vector<16xi32>, vector<16xi32>], vector<16xf32>,
      %mul3A_1037 = arith.mulf %gather3A_1036, %get3A_1014 : vector<16xf32>
      %add3A_1038 = arith.addf %scan3A_1009, %mul3A_1037 : vector<16xf32>
      scf.yield %add3A_1017, %add3A_1020, %add3A_1023, %add3A_1026, %add3A_1029, %add3A_1032, %add3A_1035, %add3A_1038 : vector<16xf32>, vector<16xf32>, vector<16xf32>, vector<16xf32>, vector<16xf32>, vector<16xf32>, vector<16xf32>, vector<16xf32>
    }
    %scan3A_772 = arith.constant 64 : i32
    %get3A_773 = arith.constant 0 : index
    %get3A_774 = tpu.vector_load %arg12[%get3A_773] {strides = array<i32>} : memref<128xf32, #tpu.memory_space<vmem>>, vector<16xf32>,
    %add3A_775 = arith.addf %get3A_774, %scan3A_771#0 : vector<16xf32>
    %swap3A_776 = arith.constant 0 : index
    %swap3A_777 = tpu.vector_load %arg12[%swap3A_776] {strides = array<i32>} : memref<128xf32, #tpu.memory_space<vmem>>, vector<16xf32>,
    tpu.vector_store %arg12[%swap3A_776], %add3A_775 {strides = array<i32>} : memref<128xf32, #tpu.memory_space<vmem>>, vector<16xf32>,
    %get3A_778 = arith.constant 16 : index
    %get3A_779 = tpu.vector_load %arg12[%get3A_778] {strides = array<i32>} : memref<128xf32, #tpu.memory_space<vmem>>, vector<16xf32>,
    %add3A_780 = arith.addf %get3A_779, %scan3A_771#1 : vector<16xf32>
    %swap3A_781 = arith.constant 16 : index
    %swap3A_782 = tpu.vector_load %arg12[%swap3A_781] {strides = array<i32>} : memref<128xf32, #tpu.memory_space<vmem>>, vector<16xf32>,
    tpu.vector_store %arg12[%swap3A_781], %add3A_780 {strides = array<i32>} : memref<128xf32, #tpu.memory_space<vmem>>, vector<16xf32>,
    %get3A_783 = arith.constant 32 : index
    %get3A_784 = tpu.vector_load %arg12[%get3A_783] {strides = array<i32>} : memref<128xf32, #tpu.memory_space<vmem>>, vector<16xf32>,
    %add3A_785 = arith.addf %get3A_784, %scan3A_771#2 : vector<16xf32>
    %swap3A_786 = arith.constant 32 : index
    %swap3A_787 = tpu.vector_load %arg12[%swap3A_786] {strides = array<i32>} : memref<128xf32, #tpu.memory_space<vmem>>, vector<16xf32>,
    tpu.vector_store %arg12[%swap3A_786], %add3A_785 {strides = array<i32>} : memref<128xf32, #tpu.memory_space<vmem>>, vector<16xf32>,
    %get3A_788 = arith.constant 48 : index
    %get3A_789 = tpu.vector_load %arg12[%get3A_788] {strides = array<i32>} : memref<128xf32, #tpu.memory_space<vmem>>, vector<16xf32>,
    %add3A_790 = arith.addf %get3A_789, %scan3A_771#3 : vector<16xf32>
    %swap3A_791 = arith.constant 48 : index
    %swap3A_792 = tpu.vector_load %arg12[%swap3A_791] {strides = array<i32>} : memref<128xf32, #tpu.memory_space<vmem>>, vector<16xf32>,
    tpu.vector_store %arg12[%swap3A_791], %add3A_790 {strides = array<i32>} : memref<128xf32, #tpu.memory_space<vmem>>, vector<16xf32>,
    %get3A_793 = arith.constant 64 : index
    %get3A_794 = tpu.vector_load %arg12[%get3A_793] {strides = array<i32>} : memref<128xf32, #tpu.memory_space<vmem>>, vector<16xf32>,
    %add3A_795 = arith.addf %get3A_794, %scan3A_771#4 : vector<16xf32>
    %swap3A_796 = arith.constant 64 : index
    %swap3A_797 = tpu.vector_load %arg12[%swap3A_796] {strides = array<i32>} : memref<128xf32, #tpu.memory_space<vmem>>, vector<16xf32>,
    tpu.vector_store %arg12[%swap3A_796], %add3A_795 {strides = array<i32>} : memref<128xf32, #tpu.memory_space<vmem>>, vector<16xf32>,
    %get3A_798 = arith.constant 80 : index
    %get3A_799 = tpu.vector_load %arg12[%get3A_798] {strides = array<i32>} : memref<128xf32, #tpu.memory_space<vmem>>, vector<16xf32>,
    %add3A_800 = arith.addf %get3A_799, %scan3A_771#5 : vector<16xf32>
    %swap3A_801 = arith.constant 80 : index
    %swap3A_802 = tpu.vector_load %arg12[%swap3A_801] {strides = array<i32>} : memref<128xf32, #tpu.memory_space<vmem>>, vector<16xf32>,
    tpu.vector_store %arg12[%swap3A_801], %add3A_800 {strides = array<i32>} : memref<128xf32, #tpu.memory_space<vmem>>, vector<16xf32>,
    %get3A_803 = arith.constant 96 : index
    %get3A_804 = tpu.vector_load %arg12[%get3A_803] {strides = array<i32>} : memref<128xf32, #tpu.memory_space<vmem>>, vector<16xf32>,
    %add3A_805 = arith.addf %get3A_804, %scan3A_771#6 : vector<16xf32>
    %swap3A_806 = arith.constant 96 : index
    %swap3A_807 = tpu.vector_load %arg12[%swap3A_806] {strides = array<i32>} : memref<128xf32, #tpu.memory_space<vmem>>, vector<16xf32>,
    tpu.vector_store %arg12[%swap3A_806], %add3A_805 {strides = array<i32>} : memref<128xf32, #tpu.memory_space<vmem>>, vector<16xf32>,
    %get3A_808 = arith.constant 112 : index
    %get3A_809 = tpu.vector_load %arg12[%get3A_808] {strides = array<i32>} : memref<128xf32, #tpu.memory_space<vmem>>, vector<16xf32>,
    %add3A_810 = arith.addf %get3A_809, %scan3A_771#7 : vector<16xf32>
    %swap3A_811 = arith.constant 112 : index
    %swap3A_812 = tpu.vector_load %arg12[%swap3A_811] {strides = array<i32>} : memref<128xf32, #tpu.memory_space<vmem>>, vector<16xf32>,
    tpu.vector_store %arg12[%swap3A_811], %add3A_810 {strides = array<i32>} : memref<128xf32, #tpu.memory_space<vmem>>, vector<16xf32>,
    %iota3A_813 = tpu.iota {dimensions = array<i32: 0>} : vector<16xi32>
    %add3A_814 = arith.constant 256 : i32
    %add3A_815 = vector.broadcast %add3A_814 : i32 to vector<16xi32>
    %add3A_816 = arith.addi %iota3A_813, %add3A_815 : vector<16xi32>
    %iota3A_817 = tpu.iota {dimensions = array<i32: 0>} : vector<16xi32>
    %add3A_818 = arith.constant 272 : i32
    %add3A_819 = vector.broadcast %add3A_818 : i32 to vector<16xi32>
    %add3A_820 = arith.addi %iota3A_817, %add3A_819 : vector<16xi32>
    %iota3A_821 = tpu.iota {dimensions = array<i32: 0>} : vector<16xi32>
    %add3A_822 = arith.constant 288 : i32
    %add3A_823 = vector.broadcast %add3A_822 : i32 to vector<16xi32>
    %add3A_824 = arith.addi %iota3A_821, %add3A_823 : vector<16xi32>
    %iota3A_825 = tpu.iota {dimensions = array<i32: 0>} : vector<16xi32>
    %add3A_826 = arith.constant 304 : i32
    %add3A_827 = vector.broadcast %add3A_826 : i32 to vector<16xi32>
    %add3A_828 = arith.addi %iota3A_825, %add3A_827 : vector<16xi32>
    %iota3A_829 = tpu.iota {dimensions = array<i32: 0>} : vector<16xi32>
    %add3A_830 = arith.constant 320 : i32
    %add3A_831 = vector.broadcast %add3A_830 : i32 to vector<16xi32>
    %add3A_832 = arith.addi %iota3A_829, %add3A_831 : vector<16xi32>
    %iota3A_833 = tpu.iota {dimensions = array<i32: 0>} : vector<16xi32>
    %add3A_834 = arith.constant 336 : i32
    %add3A_835 = vector.broadcast %add3A_834 : i32 to vector<16xi32>
    %add3A_836 = arith.addi %iota3A_833, %add3A_835 : vector<16xi32>
    %iota3A_837 = tpu.iota {dimensions = array<i32: 0>} : vector<16xi32>
    %add3A_838 = arith.constant 352 : i32
    %add3A_839 = vector.broadcast %add3A_838 : i32 to vector<16xi32>
    %add3A_840 = arith.addi %iota3A_837, %add3A_839 : vector<16xi32>
    %iota3A_841 = tpu.iota {dimensions = array<i32: 0>} : vector<16xi32>
    %add3A_842 = arith.constant 368 : i32
    %add3A_843 = vector.broadcast %add3A_842 : i32 to vector<16xi32>
    %add3A_844 = arith.addi %iota3A_841, %add3A_843 : vector<16xi32>
    %broadcast_in_dim3A_845 = arith.constant 0.000000e+00 : f32
    %broadcast_in_dim3A_846 = vector.broadcast %broadcast_in_dim3A_845 : f32 to vector<16xf32>
    %broadcast_in_dim3A_847 = arith.constant 0.000000e+00 : f32
    %broadcast_in_dim3A_848 = vector.broadcast %broadcast_in_dim3A_847 : f32 to vector<16xf32>
    %broadcast_in_dim3A_849 = arith.constant 0.000000e+00 : f32
    %broadcast_in_dim3A_850 = vector.broadcast %broadcast_in_dim3A_849 : f32 to vector<16xf32>
    %broadcast_in_dim3A_851 = arith.constant 0.000000e+00 : f32
    %broadcast_in_dim3A_852 = vector.broadcast %broadcast_in_dim3A_851 : f32 to vector<16xf32>
    %broadcast_in_dim3A_853 = arith.constant 0.000000e+00 : f32
    %broadcast_in_dim3A_854 = vector.broadcast %broadcast_in_dim3A_853 : f32 to vector<16xf32>
    %broadcast_in_dim3A_855 = arith.constant 0.000000e+00 : f32
    %broadcast_in_dim3A_856 = vector.broadcast %broadcast_in_dim3A_855 : f32 to vector<16xf32>
    %broadcast_in_dim3A_857 = arith.constant 0.000000e+00 : f32
    %broadcast_in_dim3A_858 = vector.broadcast %broadcast_in_dim3A_857 : f32 to vector<16xf32>
    %broadcast_in_dim3A_859 = arith.constant 0.000000e+00 : f32
    %broadcast_in_dim3A_860 = vector.broadcast %broadcast_in_dim3A_859 : f32 to vector<16xf32>
    %scan3A_861 = arith.constant 0 : i32
    %scan3A_862 = arith.constant 64 : i32
    %scan3A_863 = arith.addi %scan3A_861, %scan3A_862 : i32
    %scan3A_864 = arith.constant 1 : i32
    %scan3A_865:8 = scf.for %scan3A_1001 = %scan3A_861 to %scan3A_863 step %scan3A_864 iter_args(%scan3A_1002 = %broadcast_in_dim3A_846, %scan3A_1003 = %broadcast_in_dim3A_848, %scan3A_1004 = %broadcast_in_dim3A_850, %scan3A_1005 = %broadcast_in_dim3A_852, %scan3A_1006 = %broadcast_in_dim3A_854, %scan3A_1007 = %broadcast_in_dim3A_856, %scan3A_1008 = %broadcast_in_dim3A_858, %scan3A_1009 = %broadcast_in_dim3A_860) -> (vector<16xf32>, vector<16xf32>, vector<16xf32>, vector<16xf32>, vector<16xf32>, vector<16xf32>, vector<16xf32>, vector<16xf32>)  : i32 {
      %add3A_1010 = arith.constant 128 : i32
      %add3A_1011 = arith.addi %add3A_1010, %scan3A_1001 : i32
      %get3A_1012 = arith.index_cast %add3A_1011 : i32 to index
      %get3A_1013 = arith.constant 0 : index
      %get3A_1014 = tpu.vector_load %arg11[%get3A_1012, %get3A_1013] {strides = array<i32>} : memref<256x16xf32, #tpu.memory_space<vmem>>, vector<16xf32>,
      %broadcast_in_dim3A_1015 = vector.broadcast %scan3A_1001 : i32 to vector<16xi32>
      %gather3A = tpu.vector_load_idx %arg9[%add3A_816, %broadcast_in_dim3A_1015] : memref<512x64xf32, #tpu.memory_space<vmem>>[vector<16xi32>, vector<16xi32>], vector<16xf32>,
      %mul3A_1016 = arith.mulf %gather3A, %get3A_1014 : vector<16xf32>
      %add3A_1017 = arith.addf %scan3A_1002, %mul3A_1016 : vector<16xf32>
      %gather3A_1018 = tpu.vector_load_idx %arg9[%add3A_820, %broadcast_in_dim3A_1015] : memref<512x64xf32, #tpu.memory_space<vmem>>[vector<16xi32>, vector<16xi32>], vector<16xf32>,
      %mul3A_1019 = arith.mulf %gather3A_1018, %get3A_1014 : vector<16xf32>
      %add3A_1020 = arith.addf %scan3A_1003, %mul3A_1019 : vector<16xf32>
      %gather3A_1021 = tpu.vector_load_idx %arg9[%add3A_824, %broadcast_in_dim3A_1015] : memref<512x64xf32, #tpu.memory_space<vmem>>[vector<16xi32>, vector<16xi32>], vector<16xf32>,
      %mul3A_1022 = arith.mulf %gather3A_1021, %get3A_1014 : vector<16xf32>
      %add3A_1023 = arith.addf %scan3A_1004, %mul3A_1022 : vector<16xf32>
      %gather3A_1024 = tpu.vector_load_idx %arg9[%add3A_828, %broadcast_in_dim3A_1015] : memref<512x64xf32, #tpu.memory_space<vmem>>[vector<16xi32>, vector<16xi32>], vector<16xf32>,
      %mul3A_1025 = arith.mulf %gather3A_1024, %get3A_1014 : vector<16xf32>
      %add3A_1026 = arith.addf %scan3A_1005, %mul3A_1025 : vector<16xf32>
      %gather3A_1027 = tpu.vector_load_idx %arg9[%add3A_832, %broadcast_in_dim3A_1015] : memref<512x64xf32, #tpu.memory_space<vmem>>[vector<16xi32>, vector<16xi32>], vector<16xf32>,
      %mul3A_1028 = arith.mulf %gather3A_1027, %get3A_1014 : vector<16xf32>
      %add3A_1029 = arith.addf %scan3A_1006, %mul3A_1028 : vector<16xf32>
      %gather3A_1030 = tpu.vector_load_idx %arg9[%add3A_836, %broadcast_in_dim3A_1015] : memref<512x64xf32, #tpu.memory_space<vmem>>[vector<16xi32>, vector<16xi32>], vector<16xf32>,
      %mul3A_1031 = arith.mulf %gather3A_1030, %get3A_1014 : vector<16xf32>
      %add3A_1032 = arith.addf %scan3A_1007, %mul3A_1031 : vector<16xf32>
      %gather3A_1033 = tpu.vector_load_idx %arg9[%add3A_840, %broadcast_in_dim3A_1015] : memref<512x64xf32, #tpu.memory_space<vmem>>[vector<16xi32>, vector<16xi32>], vector<16xf32>,
      %mul3A_1034 = arith.mulf %gather3A_1033, %get3A_1014 : vector<16xf32>
      %add3A_1035 = arith.addf %scan3A_1008, %mul3A_1034 : vector<16xf32>
      %gather3A_1036 = tpu.vector_load_idx %arg9[%add3A_844, %broadcast_in_dim3A_1015] : memref<512x64xf32, #tpu.memory_space<vmem>>[vector<16xi32>, vector<16xi32>], vector<16xf32>,
      %mul3A_1037 = arith.mulf %gather3A_1036, %get3A_1014 : vector<16xf32>
      %add3A_1038 = arith.addf %scan3A_1009, %mul3A_1037 : vector<16xf32>
      scf.yield %add3A_1017, %add3A_1020, %add3A_1023, %add3A_1026, %add3A_1029, %add3A_1032, %add3A_1035, %add3A_1038 : vector<16xf32>, vector<16xf32>, vector<16xf32>, vector<16xf32>, vector<16xf32>, vector<16xf32>, vector<16xf32>, vector<16xf32>
    }
    %scan3A_866 = arith.constant 64 : i32
    %get3A_867 = arith.constant 0 : index
    %get3A_868 = tpu.vector_load %arg12[%get3A_867] {strides = array<i32>} : memref<128xf32, #tpu.memory_space<vmem>>, vector<16xf32>,
    %add3A_869 = arith.addf %get3A_868, %scan3A_865#0 : vector<16xf32>
    %swap3A_870 = arith.constant 0 : index
    %swap3A_871 = tpu.vector_load %arg12[%swap3A_870] {strides = array<i32>} : memref<128xf32, #tpu.memory_space<vmem>>, vector<16xf32>,
    tpu.vector_store %arg12[%swap3A_870], %add3A_869 {strides = array<i32>} : memref<128xf32, #tpu.memory_space<vmem>>, vector<16xf32>,
    %get3A_872 = arith.constant 16 : index
    %get3A_873 = tpu.vector_load %arg12[%get3A_872] {strides = array<i32>} : memref<128xf32, #tpu.memory_space<vmem>>, vector<16xf32>,
    %add3A_874 = arith.addf %get3A_873, %scan3A_865#1 : vector<16xf32>
    %swap3A_875 = arith.constant 16 : index
    %swap3A_876 = tpu.vector_load %arg12[%swap3A_875] {strides = array<i32>} : memref<128xf32, #tpu.memory_space<vmem>>, vector<16xf32>,
    tpu.vector_store %arg12[%swap3A_875], %add3A_874 {strides = array<i32>} : memref<128xf32, #tpu.memory_space<vmem>>, vector<16xf32>,
    %get3A_877 = arith.constant 32 : index
    %get3A_878 = tpu.vector_load %arg12[%get3A_877] {strides = array<i32>} : memref<128xf32, #tpu.memory_space<vmem>>, vector<16xf32>,
    %add3A_879 = arith.addf %get3A_878, %scan3A_865#2 : vector<16xf32>
    %swap3A_880 = arith.constant 32 : index
    %swap3A_881 = tpu.vector_load %arg12[%swap3A_880] {strides = array<i32>} : memref<128xf32, #tpu.memory_space<vmem>>, vector<16xf32>,
    tpu.vector_store %arg12[%swap3A_880], %add3A_879 {strides = array<i32>} : memref<128xf32, #tpu.memory_space<vmem>>, vector<16xf32>,
    %get3A_882 = arith.constant 48 : index
    %get3A_883 = tpu.vector_load %arg12[%get3A_882] {strides = array<i32>} : memref<128xf32, #tpu.memory_space<vmem>>, vector<16xf32>,
    %add3A_884 = arith.addf %get3A_883, %scan3A_865#3 : vector<16xf32>
    %swap3A_885 = arith.constant 48 : index
    %swap3A_886 = tpu.vector_load %arg12[%swap3A_885] {strides = array<i32>} : memref<128xf32, #tpu.memory_space<vmem>>, vector<16xf32>,
    tpu.vector_store %arg12[%swap3A_885], %add3A_884 {strides = array<i32>} : memref<128xf32, #tpu.memory_space<vmem>>, vector<16xf32>,
    %get3A_887 = arith.constant 64 : index
    %get3A_888 = tpu.vector_load %arg12[%get3A_887] {strides = array<i32>} : memref<128xf32, #tpu.memory_space<vmem>>, vector<16xf32>,
    %add3A_889 = arith.addf %get3A_888, %scan3A_865#4 : vector<16xf32>
    %swap3A_890 = arith.constant 64 : index
    %swap3A_891 = tpu.vector_load %arg12[%swap3A_890] {strides = array<i32>} : memref<128xf32, #tpu.memory_space<vmem>>, vector<16xf32>,
    tpu.vector_store %arg12[%swap3A_890], %add3A_889 {strides = array<i32>} : memref<128xf32, #tpu.memory_space<vmem>>, vector<16xf32>,
    %get3A_892 = arith.constant 80 : index
    %get3A_893 = tpu.vector_load %arg12[%get3A_892] {strides = array<i32>} : memref<128xf32, #tpu.memory_space<vmem>>, vector<16xf32>,
    %add3A_894 = arith.addf %get3A_893, %scan3A_865#5 : vector<16xf32>
    %swap3A_895 = arith.constant 80 : index
    %swap3A_896 = tpu.vector_load %arg12[%swap3A_895] {strides = array<i32>} : memref<128xf32, #tpu.memory_space<vmem>>, vector<16xf32>,
    tpu.vector_store %arg12[%swap3A_895], %add3A_894 {strides = array<i32>} : memref<128xf32, #tpu.memory_space<vmem>>, vector<16xf32>,
    %get3A_897 = arith.constant 96 : index
    %get3A_898 = tpu.vector_load %arg12[%get3A_897] {strides = array<i32>} : memref<128xf32, #tpu.memory_space<vmem>>, vector<16xf32>,
    %add3A_899 = arith.addf %get3A_898, %scan3A_865#6 : vector<16xf32>
    %swap3A_900 = arith.constant 96 : index
    %swap3A_901 = tpu.vector_load %arg12[%swap3A_900] {strides = array<i32>} : memref<128xf32, #tpu.memory_space<vmem>>, vector<16xf32>,
    tpu.vector_store %arg12[%swap3A_900], %add3A_899 {strides = array<i32>} : memref<128xf32, #tpu.memory_space<vmem>>, vector<16xf32>,
    %get3A_902 = arith.constant 112 : index
    %get3A_903 = tpu.vector_load %arg12[%get3A_902] {strides = array<i32>} : memref<128xf32, #tpu.memory_space<vmem>>, vector<16xf32>,
    %add3A_904 = arith.addf %get3A_903, %scan3A_865#7 : vector<16xf32>
    %swap3A_905 = arith.constant 112 : index
    %swap3A_906 = tpu.vector_load %arg12[%swap3A_905] {strides = array<i32>} : memref<128xf32, #tpu.memory_space<vmem>>, vector<16xf32>,
    tpu.vector_store %arg12[%swap3A_905], %add3A_904 {strides = array<i32>} : memref<128xf32, #tpu.memory_space<vmem>>, vector<16xf32>,
    %iota3A_907 = tpu.iota {dimensions = array<i32: 0>} : vector<16xi32>
    %add3A_908 = arith.constant 384 : i32
    %add3A_909 = vector.broadcast %add3A_908 : i32 to vector<16xi32>
    %add3A_910 = arith.addi %iota3A_907, %add3A_909 : vector<16xi32>
    %iota3A_911 = tpu.iota {dimensions = array<i32: 0>} : vector<16xi32>
    %add3A_912 = arith.constant 400 : i32
    %add3A_913 = vector.broadcast %add3A_912 : i32 to vector<16xi32>
    %add3A_914 = arith.addi %iota3A_911, %add3A_913 : vector<16xi32>
    %iota3A_915 = tpu.iota {dimensions = array<i32: 0>} : vector<16xi32>
    %add3A_916 = arith.constant 416 : i32
    %add3A_917 = vector.broadcast %add3A_916 : i32 to vector<16xi32>
    %add3A_918 = arith.addi %iota3A_915, %add3A_917 : vector<16xi32>
    %iota3A_919 = tpu.iota {dimensions = array<i32: 0>} : vector<16xi32>
    %add3A_920 = arith.constant 432 : i32
    %add3A_921 = vector.broadcast %add3A_920 : i32 to vector<16xi32>
    %add3A_922 = arith.addi %iota3A_919, %add3A_921 : vector<16xi32>
    %iota3A_923 = tpu.iota {dimensions = array<i32: 0>} : vector<16xi32>
    %add3A_924 = arith.constant 448 : i32
    %add3A_925 = vector.broadcast %add3A_924 : i32 to vector<16xi32>
    %add3A_926 = arith.addi %iota3A_923, %add3A_925 : vector<16xi32>
    %iota3A_927 = tpu.iota {dimensions = array<i32: 0>} : vector<16xi32>
    %add3A_928 = arith.constant 464 : i32
    %add3A_929 = vector.broadcast %add3A_928 : i32 to vector<16xi32>
    %add3A_930 = arith.addi %iota3A_927, %add3A_929 : vector<16xi32>
    %iota3A_931 = tpu.iota {dimensions = array<i32: 0>} : vector<16xi32>
    %add3A_932 = arith.constant 480 : i32
    %add3A_933 = vector.broadcast %add3A_932 : i32 to vector<16xi32>
    %add3A_934 = arith.addi %iota3A_931, %add3A_933 : vector<16xi32>
    %iota3A_935 = tpu.iota {dimensions = array<i32: 0>} : vector<16xi32>
    %add3A_936 = arith.constant 496 : i32
    %add3A_937 = vector.broadcast %add3A_936 : i32 to vector<16xi32>
    %add3A_938 = arith.addi %iota3A_935, %add3A_937 : vector<16xi32>
    %broadcast_in_dim3A_939 = arith.constant 0.000000e+00 : f32
    %broadcast_in_dim3A_940 = vector.broadcast %broadcast_in_dim3A_939 : f32 to vector<16xf32>
    %broadcast_in_dim3A_941 = arith.constant 0.000000e+00 : f32
    %broadcast_in_dim3A_942 = vector.broadcast %broadcast_in_dim3A_941 : f32 to vector<16xf32>
    %broadcast_in_dim3A_943 = arith.constant 0.000000e+00 : f32
    %broadcast_in_dim3A_944 = vector.broadcast %broadcast_in_dim3A_943 : f32 to vector<16xf32>
    %broadcast_in_dim3A_945 = arith.constant 0.000000e+00 : f32
    %broadcast_in_dim3A_946 = vector.broadcast %broadcast_in_dim3A_945 : f32 to vector<16xf32>
    %broadcast_in_dim3A_947 = arith.constant 0.000000e+00 : f32
    %broadcast_in_dim3A_948 = vector.broadcast %broadcast_in_dim3A_947 : f32 to vector<16xf32>
    %broadcast_in_dim3A_949 = arith.constant 0.000000e+00 : f32
    %broadcast_in_dim3A_950 = vector.broadcast %broadcast_in_dim3A_949 : f32 to vector<16xf32>
    %broadcast_in_dim3A_951 = arith.constant 0.000000e+00 : f32
    %broadcast_in_dim3A_952 = vector.broadcast %broadcast_in_dim3A_951 : f32 to vector<16xf32>
    %broadcast_in_dim3A_953 = arith.constant 0.000000e+00 : f32
    %broadcast_in_dim3A_954 = vector.broadcast %broadcast_in_dim3A_953 : f32 to vector<16xf32>
    %scan3A_955 = arith.constant 0 : i32
    %scan3A_956 = arith.constant 64 : i32
    %scan3A_957 = arith.addi %scan3A_955, %scan3A_956 : i32
    %scan3A_958 = arith.constant 1 : i32
    %scan3A_959:8 = scf.for %scan3A_1001 = %scan3A_955 to %scan3A_957 step %scan3A_958 iter_args(%scan3A_1002 = %broadcast_in_dim3A_940, %scan3A_1003 = %broadcast_in_dim3A_942, %scan3A_1004 = %broadcast_in_dim3A_944, %scan3A_1005 = %broadcast_in_dim3A_946, %scan3A_1006 = %broadcast_in_dim3A_948, %scan3A_1007 = %broadcast_in_dim3A_950, %scan3A_1008 = %broadcast_in_dim3A_952, %scan3A_1009 = %broadcast_in_dim3A_954) -> (vector<16xf32>, vector<16xf32>, vector<16xf32>, vector<16xf32>, vector<16xf32>, vector<16xf32>, vector<16xf32>, vector<16xf32>)  : i32 {
      %add3A_1010 = arith.constant 192 : i32
      %add3A_1011 = arith.addi %add3A_1010, %scan3A_1001 : i32
      %get3A_1012 = arith.index_cast %add3A_1011 : i32 to index
      %get3A_1013 = arith.constant 0 : index
      %get3A_1014 = tpu.vector_load %arg11[%get3A_1012, %get3A_1013] {strides = array<i32>} : memref<256x16xf32, #tpu.memory_space<vmem>>, vector<16xf32>,
      %broadcast_in_dim3A_1015 = vector.broadcast %scan3A_1001 : i32 to vector<16xi32>
      %gather3A = tpu.vector_load_idx %arg9[%add3A_910, %broadcast_in_dim3A_1015] : memref<512x64xf32, #tpu.memory_space<vmem>>[vector<16xi32>, vector<16xi32>], vector<16xf32>,
      %mul3A_1016 = arith.mulf %gather3A, %get3A_1014 : vector<16xf32>
      %add3A_1017 = arith.addf %scan3A_1002, %mul3A_1016 : vector<16xf32>
      %gather3A_1018 = tpu.vector_load_idx %arg9[%add3A_914, %broadcast_in_dim3A_1015] : memref<512x64xf32, #tpu.memory_space<vmem>>[vector<16xi32>, vector<16xi32>], vector<16xf32>,
      %mul3A_1019 = arith.mulf %gather3A_1018, %get3A_1014 : vector<16xf32>
      %add3A_1020 = arith.addf %scan3A_1003, %mul3A_1019 : vector<16xf32>
      %gather3A_1021 = tpu.vector_load_idx %arg9[%add3A_918, %broadcast_in_dim3A_1015] : memref<512x64xf32, #tpu.memory_space<vmem>>[vector<16xi32>, vector<16xi32>], vector<16xf32>,
      %mul3A_1022 = arith.mulf %gather3A_1021, %get3A_1014 : vector<16xf32>
      %add3A_1023 = arith.addf %scan3A_1004, %mul3A_1022 : vector<16xf32>
      %gather3A_1024 = tpu.vector_load_idx %arg9[%add3A_922, %broadcast_in_dim3A_1015] : memref<512x64xf32, #tpu.memory_space<vmem>>[vector<16xi32>, vector<16xi32>], vector<16xf32>,
      %mul3A_1025 = arith.mulf %gather3A_1024, %get3A_1014 : vector<16xf32>
      %add3A_1026 = arith.addf %scan3A_1005, %mul3A_1025 : vector<16xf32>
      %gather3A_1027 = tpu.vector_load_idx %arg9[%add3A_926, %broadcast_in_dim3A_1015] : memref<512x64xf32, #tpu.memory_space<vmem>>[vector<16xi32>, vector<16xi32>], vector<16xf32>,
      %mul3A_1028 = arith.mulf %gather3A_1027, %get3A_1014 : vector<16xf32>
      %add3A_1029 = arith.addf %scan3A_1006, %mul3A_1028 : vector<16xf32>
      %gather3A_1030 = tpu.vector_load_idx %arg9[%add3A_930, %broadcast_in_dim3A_1015] : memref<512x64xf32, #tpu.memory_space<vmem>>[vector<16xi32>, vector<16xi32>], vector<16xf32>,
      %mul3A_1031 = arith.mulf %gather3A_1030, %get3A_1014 : vector<16xf32>
      %add3A_1032 = arith.addf %scan3A_1007, %mul3A_1031 : vector<16xf32>
      %gather3A_1033 = tpu.vector_load_idx %arg9[%add3A_934, %broadcast_in_dim3A_1015] : memref<512x64xf32, #tpu.memory_space<vmem>>[vector<16xi32>, vector<16xi32>], vector<16xf32>,
      %mul3A_1034 = arith.mulf %gather3A_1033, %get3A_1014 : vector<16xf32>
      %add3A_1035 = arith.addf %scan3A_1008, %mul3A_1034 : vector<16xf32>
      %gather3A_1036 = tpu.vector_load_idx %arg9[%add3A_938, %broadcast_in_dim3A_1015] : memref<512x64xf32, #tpu.memory_space<vmem>>[vector<16xi32>, vector<16xi32>], vector<16xf32>,
      %mul3A_1037 = arith.mulf %gather3A_1036, %get3A_1014 : vector<16xf32>
      %add3A_1038 = arith.addf %scan3A_1009, %mul3A_1037 : vector<16xf32>
      scf.yield %add3A_1017, %add3A_1020, %add3A_1023, %add3A_1026, %add3A_1029, %add3A_1032, %add3A_1035, %add3A_1038 : vector<16xf32>, vector<16xf32>, vector<16xf32>, vector<16xf32>, vector<16xf32>, vector<16xf32>, vector<16xf32>, vector<16xf32>
    }
    %scan3A_960 = arith.constant 64 : i32
    %get3A_961 = arith.constant 0 : index
    %get3A_962 = tpu.vector_load %arg12[%get3A_961] {strides = array<i32>} : memref<128xf32, #tpu.memory_space<vmem>>, vector<16xf32>,
    %add3A_963 = arith.addf %get3A_962, %scan3A_959#0 : vector<16xf32>
    %swap3A_964 = arith.constant 0 : index
    %swap3A_965 = tpu.vector_load %arg12[%swap3A_964] {strides = array<i32>} : memref<128xf32, #tpu.memory_space<vmem>>, vector<16xf32>,
    tpu.vector_store %arg12[%swap3A_964], %add3A_963 {strides = array<i32>} : memref<128xf32, #tpu.memory_space<vmem>>, vector<16xf32>,
    %get3A_966 = arith.constant 16 : index
    %get3A_967 = tpu.vector_load %arg12[%get3A_966] {strides = array<i32>} : memref<128xf32, #tpu.memory_space<vmem>>, vector<16xf32>,
    %add3A_968 = arith.addf %get3A_967, %scan3A_959#1 : vector<16xf32>
    %swap3A_969 = arith.constant 16 : index
    %swap3A_970 = tpu.vector_load %arg12[%swap3A_969] {strides = array<i32>} : memref<128xf32, #tpu.memory_space<vmem>>, vector<16xf32>,
    tpu.vector_store %arg12[%swap3A_969], %add3A_968 {strides = array<i32>} : memref<128xf32, #tpu.memory_space<vmem>>, vector<16xf32>,
    %get3A_971 = arith.constant 32 : index
    %get3A_972 = tpu.vector_load %arg12[%get3A_971] {strides = array<i32>} : memref<128xf32, #tpu.memory_space<vmem>>, vector<16xf32>,
    %add3A_973 = arith.addf %get3A_972, %scan3A_959#2 : vector<16xf32>
    %swap3A_974 = arith.constant 32 : index
    %swap3A_975 = tpu.vector_load %arg12[%swap3A_974] {strides = array<i32>} : memref<128xf32, #tpu.memory_space<vmem>>, vector<16xf32>,
    tpu.vector_store %arg12[%swap3A_974], %add3A_973 {strides = array<i32>} : memref<128xf32, #tpu.memory_space<vmem>>, vector<16xf32>,
    %get3A_976 = arith.constant 48 : index
    %get3A_977 = tpu.vector_load %arg12[%get3A_976] {strides = array<i32>} : memref<128xf32, #tpu.memory_space<vmem>>, vector<16xf32>,
    %add3A_978 = arith.addf %get3A_977, %scan3A_959#3 : vector<16xf32>
    %swap3A_979 = arith.constant 48 : index
    %swap3A_980 = tpu.vector_load %arg12[%swap3A_979] {strides = array<i32>} : memref<128xf32, #tpu.memory_space<vmem>>, vector<16xf32>,
    tpu.vector_store %arg12[%swap3A_979], %add3A_978 {strides = array<i32>} : memref<128xf32, #tpu.memory_space<vmem>>, vector<16xf32>,
    %get3A_981 = arith.constant 64 : index
    %get3A_982 = tpu.vector_load %arg12[%get3A_981] {strides = array<i32>} : memref<128xf32, #tpu.memory_space<vmem>>, vector<16xf32>,
    %add3A_983 = arith.addf %get3A_982, %scan3A_959#4 : vector<16xf32>
    %swap3A_984 = arith.constant 64 : index
    %swap3A_985 = tpu.vector_load %arg12[%swap3A_984] {strides = array<i32>} : memref<128xf32, #tpu.memory_space<vmem>>, vector<16xf32>,
    tpu.vector_store %arg12[%swap3A_984], %add3A_983 {strides = array<i32>} : memref<128xf32, #tpu.memory_space<vmem>>, vector<16xf32>,
    %get3A_986 = arith.constant 80 : index
    %get3A_987 = tpu.vector_load %arg12[%get3A_986] {strides = array<i32>} : memref<128xf32, #tpu.memory_space<vmem>>, vector<16xf32>,
    %add3A_988 = arith.addf %get3A_987, %scan3A_959#5 : vector<16xf32>
    %swap3A_989 = arith.constant 80 : index
    %swap3A_990 = tpu.vector_load %arg12[%swap3A_989] {strides = array<i32>} : memref<128xf32, #tpu.memory_space<vmem>>, vector<16xf32>,
    tpu.vector_store %arg12[%swap3A_989], %add3A_988 {strides = array<i32>} : memref<128xf32, #tpu.memory_space<vmem>>, vector<16xf32>,
    %get3A_991 = arith.constant 96 : index
    %get3A_992 = tpu.vector_load %arg12[%get3A_991] {strides = array<i32>} : memref<128xf32, #tpu.memory_space<vmem>>, vector<16xf32>,
    %add3A_993 = arith.addf %get3A_992, %scan3A_959#6 : vector<16xf32>
    %swap3A_994 = arith.constant 96 : index
    %swap3A_995 = tpu.vector_load %arg12[%swap3A_994] {strides = array<i32>} : memref<128xf32, #tpu.memory_space<vmem>>, vector<16xf32>,
    tpu.vector_store %arg12[%swap3A_994], %add3A_993 {strides = array<i32>} : memref<128xf32, #tpu.memory_space<vmem>>, vector<16xf32>,
    %get3A_996 = arith.constant 112 : index
    %get3A_997 = tpu.vector_load %arg12[%get3A_996] {strides = array<i32>} : memref<128xf32, #tpu.memory_space<vmem>>, vector<16xf32>,
    %add3A_998 = arith.addf %get3A_997, %scan3A_959#7 : vector<16xf32>
    %swap3A_999 = arith.constant 112 : index
    %swap3A_1000 = tpu.vector_load %arg12[%swap3A_999] {strides = array<i32>} : memref<128xf32, #tpu.memory_space<vmem>>, vector<16xf32>,
    tpu.vector_store %arg12[%swap3A_999], %add3A_998 {strides = array<i32>} : memref<128xf32, #tpu.memory_space<vmem>>, vector<16xf32>,
    "tpu.region"() ({
      %run_scoped3A_1001 = tpu.sem_alloc : memref<!tpu.dma_semaphore, #tpu.memory_space<semaphore_mem>>
      %dma_start3A_1002 = tpu.memref_slice %arg6[%mul3A_2] : memref<4096xf32, #tpu.memory_space<hbm>> -> memref<128xf32, #tpu.memory_space<hbm>>
      %dma_start3A_1003 = tpu.memref_slice %arg6[%mul3A_2] : memref<4096xf32, #tpu.memory_space<hbm>> -> memref<128xf32, #tpu.memory_space<hbm>>
      tpu.enqueue_dma source(%arg12 : memref<128xf32, #tpu.memory_space<vmem>>) target(%dma_start3A_1003 : memref<128xf32, #tpu.memory_space<hbm>>) target_semaphore(%run_scoped3A_1001 : memref<!tpu.dma_semaphore, #tpu.memory_space<semaphore_mem>>)
      %dma_wait3A_1004 = tpu.memref_slice %arg6[%mul3A_2] : memref<4096xf32, #tpu.memory_space<hbm>> -> memref<128xf32, #tpu.memory_space<hbm>>
      %dma_wait3A_1005 = tpu.memref_slice %arg6[%mul3A_2] : memref<4096xf32, #tpu.memory_space<hbm>> -> memref<128xf32, #tpu.memory_space<hbm>>
      tpu.wait_dma2 semaphore(%run_scoped3A_1001 : memref<!tpu.dma_semaphore, #tpu.memory_space<semaphore_mem>>) src(%arg12 : memref<128xf32, #tpu.memory_space<vmem>>) dst(%dma_wait3A_1005 : memref<128xf32, #tpu.memory_space<hbm>>)
      tpu.yield
    }) : () -> ()
    return
  }
}

module attributes {stable_mosaic.version = 14 : i64} {
  func.func @_loss_body(%arg0: memref<32x128xf32, #tpu.memory_space<vmem>>, %arg1: memref<32x128xf32, #tpu.memory_space<vmem>>, %arg2: memref<1xf32, #tpu.memory_space<smem>>, %arg3: memref<1x1xf32, #tpu.memory_space<smem>>) attributes {dimension_semantics = [], scalar_prefetch = 0 : i64, scratch_operands = 0 : i64, tpu.core_type = #tpu.core_type<tc>} {
    %get3A = arith.constant 0 : index
    %get3A_0 = arith.constant 0 : index
    %get3A_1 = vector.load %arg0[%get3A, %get3A_0] : memref<32x128xf32, #tpu.memory_space<vmem>>, vector<32x128xf32>
    %get3A_2 = arith.constant 0 : index
    %get3A_3 = memref.load %arg2[%get3A_2] : memref<1xf32, #tpu.memory_space<smem>>
    %add3A = vector.broadcast %get3A_3 : f32 to vector<32x128xf32>
    %add3A_4 = arith.addf %get3A_1, %add3A : vector<32x128xf32>
    %get3A_5 = arith.constant 0 : index
    %get3A_6 = arith.constant 0 : index
    %get3A_7 = vector.load %arg1[%get3A_5, %get3A_6] : memref<32x128xf32, #tpu.memory_space<vmem>>, vector<32x128xf32>
    %max3A = arith.constant 0.000000e+00 : f32
    %max3A_8 = vector.broadcast %max3A : f32 to vector<32x128xf32>
    %max3A_9 = arith.maximumf %add3A_4, %max3A_8 : vector<32x128xf32>
    %mul3A = arith.mulf %add3A_4, %get3A_7 : vector<32x128xf32>
    %sub3A = arith.subf %max3A_9, %mul3A : vector<32x128xf32>
    %abs3A = math.absf %add3A_4 : vector<32x128xf32>
    %neg3A = arith.constant 0.000000e+00 : f32
    %neg3A_10 = vector.broadcast %neg3A : f32 to vector<32x128xf32>
    %neg3A_11 = arith.subf %neg3A_10, %abs3A : vector<32x128xf32>
    %exp3A = math.exp %neg3A_11 : vector<32x128xf32>
    %add3A_12 = arith.constant 1.000000e+00 : f32
    %add3A_13 = vector.broadcast %add3A_12 : f32 to vector<32x128xf32>
    %add3A_14 = arith.addf %add3A_13, %exp3A : vector<32x128xf32>
    %log3A = math.log %add3A_14 : vector<32x128xf32>
    %add3A_15 = arith.addf %sub3A, %log3A : vector<32x128xf32>
    %reduce_sum3A = vector.shape_cast %add3A_15 : vector<32x128xf32> to vector<1x32x128xf32>
    %reduce_sum3A_16 = arith.constant dense<0.000000e+00> : vector<1xf32>
    %reduce_sum3A_17 = vector.multi_reduction <add>, %reduce_sum3A, %reduce_sum3A_16 [1, 2] : vector<1x32x128xf32> to vector<1xf32>
    %reduce_sum3A_18 = vector.shape_cast %reduce_sum3A_17 : vector<1xf32> to vector<1x1x1xf32>
    %reduce_sum3A_19 = vector.extract %reduce_sum3A_18[0, 0, 0] : f32 from vector<1x1x1xf32>
    %mul3A_20 = arith.constant 2.44140625E-4 : f32
    %mul3A_21 = arith.mulf %reduce_sum3A_19, %mul3A_20 : f32
    %swap3A = arith.constant 0 : index
    %swap3A_22 = arith.constant 0 : index
    %swap3A_23 = memref.load %arg3[%swap3A, %swap3A_22] : memref<1x1xf32, #tpu.memory_space<smem>>
    memref.store %mul3A_21, %arg3[%swap3A, %swap3A_22] : memref<1x1xf32, #tpu.memory_space<smem>>
    return
  }
}

</mosaic_0001>

<sc_bundles>
// kernel: kernel.4.cloned.1.call-start
scs
__scs_entry_jumppad:
0x0: {  	(pc) =	sbr.rel $0x88, $3  }
0x1: {  	(tag) =	ssettag $0x0;
	lr =	simm.s32 $0x1  }
0x2: {  	[smem:$0x3F9B] =	sst lr;
	_ =	strace $0xD0000000  }
0x3: {  	_ = 	snop  }
0x4: {  	_ = 	snop  }
0x5: {  	_ = 	snop  }
0x6: {  	_ = 	snop  }
0x7: {  	_ = 	snop  }
__scs_overlays_trampoline_lowered:
0x8: {  	[smem:$0x3FAA] =	sst s0  }
0x9: {  	[smem:$0x3FAB] =	sst s1  }
0xa: {  	[smem:$0x3FAC] =	sst s2  }
0xb: {  	[smem:$0x3FAD] =	sst s3  }
0xc: {  	[smem:$0x3FAE] =	sst s4  }
0xd: {  	[smem:$0x3FAF] =	sst s5  }
0xe: {  	[smem:$0x3FB0] =	sst s6  }
0xf: {  	[smem:$0x3FB1] =	sst s7  }
0x10: {  	[smem:$0x3FB2] =	sst s8  }
0x11: {  	[smem:$0x3FB3] =	sst s9;
	s0 =	simm.s32 @!p0 $0x0  }
0x12: {  	s1 =	sld [smem:$0x3F99];
	s0 =	simm.s32 @p0 $0x1  }
0x13: {  	[smem:$0x3FB4] =	sst s0;
	s0 =	simm.s32 @!p1 $0x0  }
0x14: {  	s2 =	sld [smem:$0x3F98];
	s0 =	simm.s32 @p1 $0x1  }
0x15: {  	[smem:$0x3FB5] =	sst s0;
	s0 =	simm.s32 @!p2 $0x0  }
0x16: {  	s3 =	sld [smem:$0x3FDB];
	s0 =	simm.s32 @p2 $0x1  }
0x17: {  	s4 =	simm.s32 $0x1BF5;
	[smem:$0x3FB7] =	sst s0  }
0x18: {  	s0 =	sld [smem:$0x3F9A];
	_ =	swait.ge [sflag:s4], $0x0  }
0x19: {  	s7 =	sld [smem:$0x3F9B]  }
0x1a: {  	s8 =	sadd.s32 $0xFFFFE003, lr  }
0x1b: {  	s9 =	sadd.s32 $0xFFFFFEF7, lr;
	s5 =	simm.s32 $0xFFFFFFFF;
	p2 =	slt.u32 s8, $0xFFFFF086  }
0x1c: {  	p1 =	slt.u32 s9, $0xF7A;
	s5 =	simm.s32 @!p2 $0x0  }
0x1d: {  	s5 =	simm.s32 @p1 $0x1;
	p0 =	seq.s32 s7, s2  }
0x1e: {  	s7 =	smul.u32 @!p0 $0xF7A, s2;
	p2 =	seq.s32 @!p0 s5, $0x0  }
0x1f: {  	s9 =	smul.u32 $0xF7A, s1;
	s8 =	simm.s32 @!p0 $0x1BF5;
	p2 =	por !p2, p0  }
0x20: {  	[sflag:s8] =	ssyncset.s32 @!p0 $0xFFFFF086;
	s6 =	sadd.s32 @!p0 s3, s7;
	s7 =	simm.s32 @!p0 $0x108  }
0x21: {  	s3 =	sadd.s32 s3, s9;
	s6 =	sadd.s32 @!p0 $0x88, s6;
	s7 =	simm.s32 @p2 $0x1082  }
0x22: {  	[simem:s7], [sflag:s8] =	dma.local @!p0 [hbm:s6], $0xF7A  }
0x23: {  	s9 =	sor.u32 $0xD0000000, s2;
	s6 =	simm.s32 $0x108;
	_ =	swait.ge @!p0 [sflag:s8], $0x0  }
0x24: {  	s3 =	sadd.s32 $0x88, s3;
	s6 =	simm.s32 @!p1 $0x1082;
	[sflag:s4] =	ssyncset.s32 $0xFFFFF086  }
0x25: {  	[simem:s6], [sflag:s4] =	dma.local [hbm:s3], $0xF7A  }
0x26: {  	[smem:$0x3F9B] =	sst s1;
	(tag) =	ssettag s2;
	_ =	strace s9  }
0x27: {  	s1 =	sld [smem:$0x3FAB]  }
0x28: {  	s2 =	sld [smem:$0x3FAC]  }
0x29: {  	s4 =	sld [smem:$0x3FAE]  }
0x2a: {  	p0 =	seq.s32 s5, $0x0;
	s5 =	sld [smem:$0x3FAF]  }
0x2b: {  	s6 =	sld [smem:$0x3FB0]  }
0x2c: {  	s7 =	sld [smem:$0x3FB1]  }
0x2d: {  	s3 =	simm.s32 $0x108;
	s8 =	sld [smem:$0x3FB2]  }
0x2e: {  	s3 =	simm.s32 @!p0 $0x1082;
	s9 =	sld [smem:$0x3FB3]  }
0x2f: {  	lr =	sadd.s32 s0, s3;
	s0 =	sld [smem:$0x3FAA]  }
0x30: {  	s3 =	sld [smem:$0x3FAD]  }
0x31: {  	[smem:$0x3FB6] =	sst s10  }
0x32: {  	s10 =	sld [smem:$0x3FB4];
	_ =	sdelay $0x3  }
0x33: {  	p0 =	seq.s32 s10, $0x1;
	s10 =	sld [smem:$0x3FB6];
	_ =	sdelay $0x3  }
0x34: {  	[smem:$0x3FB6] =	sst s10  }
0x35: {  	s10 =	sld [smem:$0x3FB5];
	_ =	sdelay $0x3  }
0x36: {  	p1 =	seq.s32 s10, $0x1;
	s10 =	sld [smem:$0x3FB6];
	_ =	sdelay $0x3  }
0x37: {  	[smem:$0x3FB6] =	sst s10  }
0x38: {  	s10 =	sld [smem:$0x3FB7]  }
0x39: {  	_ = 	snop;
	(pc) =	sbr.ind lr, $3  }
0x3a: {  	_ = 	snop  }
0x3b: {  	_ = 	snop  }
0x3c: {  	p2 =	seq.s32 s10, $0x1;
	s10 =	sld [smem:$0x3FB6]  }
0x3d: {  	_ =	shalt  }
0x3e: {  	_ =	shalt  }
0x3f: {  	_ =	shalt  }
0x40: {  	_ =	shalt  }
0x41: {  	_ =	shalt  }
0x42: {  	_ =	shalt  }
0x43: {  	_ =	shalt  }
0x44: {  	_ =	shalt  }
0x45: {  	_ =	shalt  }
0x46: {  	_ =	shalt  }
0x47: {  	_ =	shalt  }
0x48: {  	_ =	shalt  }
0x49: {  	_ =	shalt  }
0x4a: {  	_ =	shalt  }
0x4b: {  	_ =	shalt  }
0x4c: {  	_ =	shalt  }
0x4d: {  	_ =	shalt  }
0x4e: {  	_ =	shalt  }
0x4f: {  	_ =	shalt  }
0x50: {  	_ =	shalt  }
0x51: {  	_ =	shalt  }
0x52: {  	_ =	shalt  }
0x53: {  	_ =	shalt  }
0x54: {  	_ =	shalt  }
0x55: {  	_ =	shalt  }
0x56: {  	_ =	shalt  }
0x57: {  	_ =	shalt  }
0x58: {  	_ =	shalt  }
0x59: {  	_ =	shalt  }
0x5a: {  	_ =	shalt  }
0x5b: {  	_ =	shalt  }
0x5c: {  	_ =	shalt  }
0x5d: {  	_ =	shalt  }
0x5e: {  	_ =	shalt  }
0x5f: {  	_ =	shalt  }
0x60: {  	_ =	shalt  }
0x61: {  	_ =	shalt  }
0x62: {  	_ =	shalt  }
0x63: {  	_ =	shalt  }
0x64: {  	_ =	shalt  }
0x65: {  	_ =	shalt  }
0x66: {  	_ =	shalt  }
0x67: {  	_ =	shalt  }
0x68: {  	_ =	shalt  }
0x69: {  	_ =	shalt  }
0x6a: {  	_ =	shalt  }
0x6b: {  	_ =	shalt  }
0x6c: {  	_ =	shalt  }
0x6d: {  	_ =	shalt  }
0x6e: {  	_ =	shalt  }
0x6f: {  	_ =	shalt  }
0x70: {  	_ =	shalt  }
0x71: {  	_ =	shalt  }
0x72: {  	_ =	shalt  }
0x73: {  	_ =	shalt  }
0x74: {  	_ =	shalt  }
0x75: {  	_ =	shalt  }
0x76: {  	_ =	shalt  }
0x77: {  	_ =	shalt  }
0x78: {  	_ =	shalt  }
0x79: {  	_ =	shalt  }
0x7a: {  	_ =	shalt  }
0x7b: {  	_ =	shalt  }
0x7c: {  	_ =	shalt  }
0x7d: {  	_ =	shalt  }
0x7e: {  	_ =	shalt  }
0x7f: {  	_ =	shalt  }
0x80: {  	_ =	shalt  }
0x81: {  	_ =	shalt  }
0x82: {  	_ =	shalt  }
0x83: {  	_ =	shalt  }
0x84: {  	_ =	shalt  }
0x85: {  	_ =	shalt  }
0x86: {  	_ =	shalt  }
0x87: {  	_ =	shalt  }
.Lfunc_end0:
.L_simem_size_0:
called_computation_lowered:
.L_overlay_start_0:
0x88: {  	s2 =	sld [smem:$0x3FD9]  }
0x89: {  	s3 =	sld [smem:$0x3FFE];
	_ =	sdelay $0x1  }
0x8a: {  	s1 =	srdreg.scid  }
0x8b: {  	s0 =	sand.u32 $0x1, s1  }
0x8c: {  	s17 =	sshll.u32 s0, $0xA;
	s2 =	sadd.s32 s3, s2  }
0x8d: {  	s2 =	sadd.s32 s2, s17  }
0x8e: {  	[smem:$0x3FC2] =	sst s2  }
0x8f: {  	_ = 	snop  }
0x90: {  	s2 =	sld [smem:$0x3FC5];
	(tm) =	ssettm $0x1  }
0x91: {  	s18 =	sld [smem:$0x3FFB];
	_ =	sdelay $0x3  }
0x92: {  	_ =	strace s18  }
0x93: {  	s3 =	sld [smem:$0x3FFC];
	_ =	sdelay $0x3  }
0x94: {  	_ =	strace s3  }
0x95: {  	s3 =	sld [smem:$0x3FFD];
	_ =	sdelay $0x3  }
0x96: {  	_ =	strace s3  }
0x97: {  	_ =	strace $0x8FFFFFFF  }
0x98: {  	s19 =	sld [smem:$0x3FDB];
	_ =	sdelay $0x1  }
0x99: {  	s4 =	simm.s32 $_scs_section_size  }
0x9a: {  	s5 =	simm.s32 $_size__tile_overlayer_lowered;
	s6 =	simm.s32 $_tile_overlayer_lowered  }
0x9b: {  	s22 =	simm.s32 $0x1BFF;
	s21 =	sshll.u32 s6, $0x1;
	s3 =	sadd.s32 s4, s19  }
0x9c: {  	s7 =	simm.s32 $0x0;
	s20 =	sshll.u32 s5, $0x1;
	s5 =	sadd.s32 s21, s3  }
0x9d: {  	[timem:s7], [sflag:s22] =	dma.local [hbm:s5], s20  }
0x9e: {  	_ =	swait.ge [sflag:s22], s20  }
0x9f: {  	s4 =	ssub.s32 $0x0, s20;
	[sflag:s22] =	ssyncset.done $0x0  }
0xa0: {  	[sflag:s22] =	ssyncadd.s32 s4;
	_ =	sdelay $0x1  }
0xa1: {  	s23 =	simm.s32 $0x1B8B  }
0xa2: {  	_ =	swait.ge [sflag:s23], $0x1  }
0xa3: {  	[sflag:s23] =	ssyncset.done $0x0  }
0xa4: {  	s25 =	simm.s32 $0x1B8E;
	s24 =	sld [smem:$0x3FFE];
	[sflag:s23] =	ssyncadd.s32 $0xFFFFFFFF  }
0xa5: {  	s26 =	simm.s32 $execute0_lowered;
	[smem:$0x3FD2] =	sst s25  }
0xa6: {  	s5 =	sshll.u32 s26, $0x1;
	_ =	strace $0x80000046;
	[dreg:$0x1] =	wrdreg $0xFFFFFFFF  }
0xa7: {  	s28 =	simm.s32 $_size_execute0_lowered;
	s3 =	sadd.s32 s3, s5;
	[dreg:$0x0] =	wrdreg $0x0  }
0xa8: {  	s5 =	sshll.u32 s28, $0x1;
	[dreg:$0x2] =	wrdreg s3  }
0xa9: {  	[dreg:$0x3] =	wrdreg s5  }
0xaa: {  	[dreg:$0x4] =	wrdreg $0xC0  }
0xab: {  	_ =	task [dreg:s7], $0x5FFFF  }
0xac: {  	[dreg:$0x1] =	wrdreg $0xFFFFFFFF  }
0xad: {  	[dreg:$0x0] =	wrdreg $0x60  }
0xae: {  	[dreg:$0x2] =	wrdreg s24  }
0xaf: {  	[dreg:$0x3] =	wrdreg s2  }
0xb0: {  	[dreg:$0x4] =	wrdreg $0x9  }
0xb1: {  	_ =	task.clear_ibuf [dreg:s7], $0x5FFFF;
	_ =	strace $0x90000046  }
0xb2: {  	s29 =	simm.s32 $0x9;
	_ =	strace $0x80000048  }
0xb3: {  	_ =	swait.ge [sflag:s29], $0x1  }
0xb4: {  	[sflag:s29] =	ssyncadd.s32 $0xFFFFFFFF  }
0xb5: {  	_ =	strace $0x90000048  }
0xb6: {  	_ =	sfence  }
0xb7: {  	s30 =	sld [smem:$0x0];
	_ =	sdelay $0x2  }
0xb8: {  	s31 =	sshll.u32 s1, $0xD;
	s1 =	sshrl.u32 s1, $0x2  }
0xb9: {  	s3 =	sand.u32 $0x4000, s31;
	s1 =	sadd.s32 s1, s30  }
0xba: {  	s0 =	sor.u32 s3, s0;
	s1 =	sshll.u32 s1, $0x11  }
0xbb: {  	s0 =	sor.u32 s1, s0  }
0xbc: {  	s0 =	sadd.s32 $0x8F2B, s0  }
0xbd: {  	[sflag:s0] =	ssyncadd.remote.s32 $0x1  }
0xbe: {  	_ =	sfence.sel $0xFFFF  }
0xbf: {  	[dreg:$0x0] =	wrdreg $0xFFFFFFFF;
	(pc) =	sbr.abs _section_cstart, $3  }
0xc0: {  	[dreg:$0x1] =	wrdreg $0xFFFFFFFF  }
0xc1: {  	_ =	task.clear_ibuf [dreg:s7], $0x2FFFF;
	_ =	strace $0x9FFFFFFF  }
0xc2: {  	(tm) =	ssettm $0x7FFFFFFF  }
0xc3: {  	_ =	shalt  }
tec
execute0_lowered:
.L_overlay_start_1:
0x0: {  	(tag) =	ssettag $0x1  }
0x1: {  	s0 =	srdreg.scid  }
0x2: {  	s2 =	stileid.u32;
	s0 =	sand.u32 $0x1, s0  }
0x3: {  	s2 =	sshll.u32 s2, $0x8;
	s3 =	sshll.u32 s0, $0x7  }
0x4: {  	v0 =	vlaneseq.u32;
	s2 =	sor.u32 s3, s2  }
0x5: {  	s4 =	sor.u32 $0x10, s2;
	v1 =	vor.u32 s2, v0  }
0x6: {  	s20 =	sor.u32 $0x20, s2;
	[tilespmem:$0x1FF80] =	vst v1;
	v58 =	vor.u32 s4, v0  }
0x7: {  	s5 =	sor.u32 $0x30, s2;
	v59 =	vor.u32 s20, v0;
	[tilespmem:$0x1FF90] =	vst v58  }
0x8: {  	v4 =	vmul.u32 $0x80, v0;
	s21 =	sor.u32 $0x40, s2;
	v60 =	vor.u32 s5, v0;
	[tilespmem:$0x1FFA0] =	vst v59  }
0x9: {  	s1 =	rddreg [dreg:$0x0];
	s22 =	sor.u32 $0x50, s2;
	v61 =	vor.u32 s21, v0;
	[tilespmem:$0x1FFB0] =	vst v60  }
0xa: {  	s12 =	simm.s32 $0x2;
	s16 =	simm.s32 $0x10400;
	v9 =	vor.u32 $0x800, v4;
	v10 =	vor.u32 $0x1000, v4;
	s6 =	sor.u32 $0x60, s2;
	v62 =	vor.u32 s22, v0;
	[tilespmem:$0x1FFC0] =	vst v61  }
0xb: {  	s24 =	sadd.s32 $0xF43000, s1;
	s3 =	simm.s32 $0x0;
	v11 =	vor.u32 $0x1800, v4;
	v12 =	vor.u32 $0x2000, v4;
	s7 =	sshrl.u32 s2, $0x3;
	v63 =	vor.u32 s6, v0;
	[tilespmem:$0x1FFD0] =	vst v62  }
0xc: {  	s0 =	ssub.s32 $0x2, s0;
	v13 =	vor.u32 $0x2800, v4;
	v14 =	vor.u32 $0x3000, v4;
	v15 =	vor.u32 $0x3800, v4;
	[smem:$0x7FF] =	sst s3;
	s23 =	sadd.s32 s7, s1;
	[tilespmem:$0x1FFE0] =	vst v63  }
0xd: {  	v16 =	vor.u32 $0x4000, v4;
	v17 =	vor.u32 $0x4800, v4;
	s25 =	sadd.s32 $0xF5C200, s23;
	_ =	strace $0x80000047;
	[dreg:$0x3] =	wrdreg s24  }
0xe: {  	s26 =	sshrl.u32 s0, $0x1;
	v18 =	vor.u32 $0x5000, v4;
	v19 =	vor.u32 $0x5800, v4;
	v20 =	vor.u32 $0x6000, v4;
	s28 =	sadd.s32 $0xF5C400, s23;
	[dreg:$0x4] =	wrdreg s25  }
0xf: {  	v21 =	vor.u32 $0x6800, v4;
	v22 =	vor.u32 $0x7000, v4;
	v23 =	vor.u32 $0x7800, v4;
	s2 =	sor.u32 $0x70, s2;
	s29 =	sadd.s32 $0xF5C000, s23;
	[dreg:$0x5] =	wrdreg s28  }
0x10: {  	v24 =	vor.u32 $0x8000, v4;
	v25 =	vor.u32 $0x8800, v4;
	v26 =	vor.u32 $0x9000, v4;
	s0 =	ssub.s32 s0, s26;
	s30 =	sadd.s32 $0xF5C600, s23;
	[dreg:$0x6] =	wrdreg s29  }
0x11: {  	v27 =	vor.u32 $0x9800, v4;
	v28 =	vor.u32 $0xA000, v4;
	v29 =	vor.u32 $0xA800, v4;
	s6 =	sadd.s32 $0xC00, s1;
	s31 =	sadd.s32 $0xF5C800, s23;
	[dreg:$0x7] =	wrdreg s30  }
0x12: {  	v30 =	vor.u32 $0xB000, v4;
	v31 =	vor.u32 $0xB800, v4;
	v0 =	vor.u32 s2, v0;
	s0 =	smax.u32 s0, $0x1;
	s21 =	simm.s32 $0x1;
	[dreg:$0x8] =	wrdreg s31  }
0x13: {  	v32 =	vor.u32 $0xC000, v4;
	v33 =	vor.u32 $0xC800, v4;
	v34 =	vor.u32 $0xD000, v4;
	s22 =	simm.s32 $0x400;
	s1 =	simm.s32 $0x0;
	[tilespmem:$0x1FFF0] =	vst v0;
	[dreg:$0x9] =	wrdreg s0  }
.LBB2_1:
0x14: {  	[dreg:$0xa] =	wrdreg s1  }
0x15: {  	s0 =	rddreg [dreg:$0x6]  }
0x16: {  	[tilespmem:s3], [sflag:$0x2] =	stream.linear.gather [hbm4b:s0+s3], $0x80, $0x38;
	[tilespmem:$0x18580] =	vst v63  }
0x17: {  	_ =	swait.ge [sflag:s12], $0x80  }
0x18: {  	[sflag:s12] =	ssyncset.done $0x0  }
0x19: {  	s19 =	simm.s32 $0x80;
	s18 =	rddreg [dreg:$0x4];
	[sflag:s12] =	ssyncadd.s32 $0xFFFFFF80  }
0x1a: {  	[tilespmem:s19], [sflag:$0x2] =	stream.linear.gather [hbm4b:s18+s3], $0x80, $0x38;
	[tilespmem:$0x18580] =	vst v63  }
0x1b: {  	_ =	swait.ge [sflag:s12], $0x80  }
0x1c: {  	[sflag:s12] =	ssyncset.done $0x0  }
0x1d: {  	s2 =	simm.s32 $0x100;
	s20 =	rddreg [dreg:$0x5];
	[sflag:s12] =	ssyncadd.s32 $0xFFFFFF80  }
0x1e: {  	[tilespmem:s2], [sflag:$0x2] =	stream.linear.gather [hbm4b:s20+s3], $0x80, $0x38;
	[tilespmem:$0x18580] =	vst v63  }
0x1f: {  	_ =	swait.ge [sflag:s12], $0x80  }
0x20: {  	[sflag:s12] =	ssyncset.done $0x0  }
0x21: {  	s4 =	simm.s32 $0x180;
	s23 =	rddreg [dreg:$0x7];
	[sflag:s12] =	ssyncadd.s32 $0xFFFFFF80  }
0x22: {  	[tilespmem:s4], [sflag:$0x2] =	stream.linear.gather [hbm4b:s23+s3], $0x80, $0x38;
	[tilespmem:$0x18580] =	vst v63  }
0x23: {  	_ =	swait.ge [sflag:s12], $0x80  }
0x24: {  	[sflag:s12] =	ssyncset.done $0x0  }
0x25: {  	[sflag:s12] =	ssyncadd.s32 $0xFFFFFF80  }
0x26: {  	s24 =	rddreg [dreg:$0x1]  }
0x27: {  	[tilespmem:s16], [sflag:$0x2] =	stream.linear.gather [hbm4b:s24+s3], $0x100, $0x38;
	[tilespmem:$0x18580] =	vst v63  }
0x28: {  	_ =	swait.ge [sflag:s12], $0x100  }
0x29: {  	v7 =	vld [tilespmem:$0x1FF80]  }
0x2a: {  	v8 =	vld [tilespmem:$0x1FF90]  }
0x2b: {  	v36 =	vld [tilespmem:$0x1FFA0]  }
0x2c: {  	v37 =	vld [tilespmem:$0x1FFB0]  }
0x2d: {  	v38 =	vld [tilespmem:$0x1FFC0]  }
0x2e: {  	v39 =	vld [tilespmem:$0x1FFD0]  }
0x2f: {  	[sflag:s12] =	ssyncset.done $0x0;
	v40 =	vld [tilespmem:$0x1FFE0]  }
0x30: {  	v41 =	vld [tilespmem:$0x1FFF0];
	[sflag:s12] =	ssyncadd.s32 $0xFFFFFF00  }
0x31: {  	v0 =	vld [tilespmem:$0x0]  }
0x32: {  	v1 =	vld [tilespmem:$0x10]  }
0x33: {  	v2 =	vld [tilespmem:$0x20]  }
0x34: {  	v3 =	vld [tilespmem:$0x30]  }
0x35: {  	v5 =	vld [tilespmem:$0x40]  }
0x36: {  	v6 =	vld [tilespmem:$0x50];
	v0 =	vshll.u32 v0, $0xC  }
0x37: {  	v35 =	vld [tilespmem:$0x60];
	v1 =	vshll.u32 v1, $0xC;
	v0 =	vor.u32 v7, v0  }
0x38: {  	[tilespmem:$0x0] =	vst v0;
	v0 =	vor.u32 v8, v1;
	v1 =	vshll.u32 v2, $0xC;
	v2 =	vld [tilespmem:$0x70]  }
0x39: {  	[tilespmem:$0x10] =	vst v0;
	v0 =	vor.u32 v36, v1;
	v1 =	vshll.u32 v3, $0xC;
	v3 =	vld [tilespmem:$0x80]  }
0x3a: {  	[tilespmem:$0x20] =	vst v0;
	v0 =	vor.u32 v37, v1;
	v1 =	vshll.u32 v5, $0xC;
	v5 =	vld [tilespmem:$0x90]  }
0x3b: {  	[tilespmem:$0x30] =	vst v0;
	v0 =	vor.u32 v38, v1;
	v1 =	vshll.u32 v6, $0xC;
	v6 =	vld [tilespmem:$0xA0]  }
0x3c: {  	v59 =	vld [tilespmem:$0xB0];
	[tilespmem:$0x40] =	vst v0;
	v0 =	vor.u32 v39, v1;
	v1 =	vshll.u32 v35, $0xC  }
0x3d: {  	[tilespmem:$0x50] =	vst v0;
	v0 =	vor.u32 v40, v1;
	v1 =	vshll.u32 v2, $0xC;
	v2 =	vld [tilespmem:$0xC0]  }
0x3e: {  	[tilespmem:$0x60] =	vst v0;
	v0 =	vor.u32 v41, v1;
	v1 =	vshll.u32 v3, $0xC;
	v3 =	vld [tilespmem:$0xD0]  }
0x3f: {  	[tilespmem:$0x70] =	vst v0;
	v0 =	vor.u32 v7, v1;
	v1 =	vshll.u32 v5, $0xC;
	v5 =	vld [tilespmem:$0xE0]  }
0x40: {  	[tilespmem:$0x80] =	vst v0;
	v0 =	vor.u32 v8, v1;
	v1 =	vshll.u32 v6, $0xC;
	v6 =	vld [tilespmem:$0xF0]  }
0x41: {  	v60 =	vld [tilespmem:$0x100];
	[tilespmem:$0x90] =	vst v0;
	v0 =	vor.u32 v36, v1;
	v1 =	vshll.u32 v59, $0xC  }
0x42: {  	[tilespmem:$0xA0] =	vst v0;
	v0 =	vor.u32 v37, v1;
	v1 =	vshll.u32 v2, $0xC;
	v2 =	vld [tilespmem:$0x110]  }
0x43: {  	[tilespmem:$0xB0] =	vst v0;
	v0 =	vor.u32 v38, v1;
	v1 =	vshll.u32 v3, $0xC;
	v3 =	vld [tilespmem:$0x120]  }
0x44: {  	[tilespmem:$0xC0] =	vst v0;
	v0 =	vor.u32 v39, v1;
	v1 =	vshll.u32 v5, $0xC;
	v5 =	vld [tilespmem:$0x130]  }
0x45: {  	[tilespmem:$0xD0] =	vst v0;
	v0 =	vor.u32 v40, v1;
	v1 =	vshll.u32 v6, $0xC;
	v6 =	vld [tilespmem:$0x140]  }
0x46: {  	v61 =	vld [tilespmem:$0x150];
	[tilespmem:$0xE0] =	vst v0;
	v0 =	vor.u32 v41, v1;
	v1 =	vshll.u32 v60, $0xC  }
0x47: {  	[tilespmem:$0xF0] =	vst v0;
	v0 =	vor.u32 v7, v1;
	v1 =	vshll.u32 v2, $0xC;
	v2 =	vld [tilespmem:$0x160]  }
0x48: {  	[tilespmem:$0x100] =	vst v0;
	v0 =	vor.u32 v8, v1;
	v1 =	vshll.u32 v3, $0xC;
	v3 =	vld [tilespmem:$0x170]  }
0x49: {  	[tilespmem:$0x110] =	vst v0;
	v0 =	vor.u32 v36, v1;
	v1 =	vshll.u32 v5, $0xC;
	v5 =	vld [tilespmem:$0x180]  }
0x4a: {  	[tilespmem:$0x120] =	vst v0;
	v0 =	vor.u32 v37, v1;
	v1 =	vshll.u32 v6, $0xC;
	v6 =	vld [tilespmem:$0x190]  }
0x4b: {  	v62 =	vld [tilespmem:$0x1A0];
	[tilespmem:$0x130] =	vst v0;
	v0 =	vor.u32 v38, v1;
	v1 =	vshll.u32 v61, $0xC  }
0x4c: {  	[tilespmem:$0x140] =	vst v0;
	v0 =	vor.u32 v39, v1;
	v1 =	vshll.u32 v2, $0xC;
	v2 =	vld [tilespmem:$0x1B0]  }
0x4d: {  	[tilespmem:$0x150] =	vst v0;
	v0 =	vor.u32 v40, v1;
	v1 =	vshll.u32 v3, $0xC;
	v3 =	vld [tilespmem:$0x1C0]  }
0x4e: {  	[tilespmem:$0x160] =	vst v0;
	v0 =	vor.u32 v41, v1;
	v1 =	vshll.u32 v5, $0xC;
	v5 =	vld [tilespmem:$0x1D0]  }
0x4f: {  	[tilespmem:$0x170] =	vst v0;
	v0 =	vor.u32 v7, v1;
	v1 =	vshll.u32 v6, $0xC;
	v6 =	vld [tilespmem:$0x1E0]  }
0x50: {  	v63 =	vld [tilespmem:$0x1F0];
	[tilespmem:$0x180] =	vst v0;
	v0 =	vor.u32 v8, v1;
	v1 =	vshll.u32 v62, $0xC  }
0x51: {  	[tilespmem:$0x190] =	vst v0;
	v0 =	vor.u32 v36, v1;
	v1 =	vshll.u32 v2, $0xC  }
0x52: {  	[tilespmem:$0x1A0] =	vst v0;
	v0 =	vor.u32 v37, v1;
	v1 =	vshll.u32 v3, $0xC  }
0x53: {  	[tilespmem:$0x1B0] =	vst v0;
	v0 =	vor.u32 v38, v1;
	v1 =	vshll.u32 v5, $0xC  }
0x54: {  	[tilespmem:$0x1C0] =	vst v0;
	v0 =	vor.u32 v39, v1;
	v1 =	vshll.u32 v6, $0xC  }
0x55: {  	[tilespmem:$0x1D0] =	vst v0;
	v0 =	vor.u32 v40, v1;
	v1 =	vshll.u32 v63, $0xC  }
0x56: {  	[tilespmem:$0x1E0] =	vst v0;
	v0 =	vor.u32 v41, v1  }
0x57: {  	s5 =	simm.s32 $0x200;
	s25 =	rddreg [dreg:$0x3];
	[tilespmem:$0x1F0] =	vst v0  }
0x58: {  	[tilespmem:s5], [sflag:$0x1] =	stream.indirect.gather [hbm4b:s25+s19], $0x1, s3, s19, $0xb8;
	[tilespmem:$0x18580] =	vst v63  }
0x59: {  	s26 =	simm.s32 $0x280  }
0x5a: {  	[tilespmem:s26], [sflag:$0x1] =	stream.indirect.gather [hbm4b:s25+s19], $0x1, s19, s19, $0xb8;
	[tilespmem:$0x18580] =	vst v63  }
0x5b: {  	s28 =	simm.s32 $0x300  }
0x5c: {  	[tilespmem:s28], [sflag:$0x1] =	stream.indirect.gather [hbm4b:s25+s19], $0x1, s2, s19, $0xb8;
	[tilespmem:$0x18580] =	vst v63  }
0x5d: {  	s29 =	simm.s32 $0x380  }
0x5e: {  	[tilespmem:s29], [sflag:$0x1] =	stream.indirect.gather [hbm4b:s25+s19], $0x1, s4, s19, $0xb8;
	[tilespmem:$0x18580] =	vst v63  }
0x5f: {  	_ =	swait.ge [sflag:s21], $0x80  }
0x60: {  	[sflag:s21] =	ssyncset.done $0x0  }
0x61: {  	[sflag:s21] =	ssyncadd.s32 $0xFFFFFF80  }
0x62: {  	_ =	swait.ge [sflag:s21], $0x80  }
0x63: {  	[sflag:s21] =	ssyncset.done $0x0  }
0x64: {  	[sflag:s21] =	ssyncadd.s32 $0xFFFFFF80  }
0x65: {  	_ =	swait.ge [sflag:s21], $0x80  }
0x66: {  	v0 =	vmov s3;
	[sflag:s21] =	ssyncset.done $0x0  }
0x67: {  	[sflag:s21] =	ssyncadd.s32 $0xFFFFFF80  }
0x68: {  	_ =	swait.ge [sflag:s21], $0x80  }
0x69: {  	[sflag:s21] =	ssyncset.done $0x0  }
0x6a: {  	[sflag:s21] =	ssyncadd.s32 $0xFFFFFF80  }
0x6b: {  	s30 =	simm.s32 $0x1;
	v0 =	vld.idx.msk [tilespmem:v0+s16+$0x0], $0xffff  }
0x6c: {  	v1 =	vmov s30;
	_ =	sdelay $0x2  }
0x6d: {  	s0 =	simm.s32 $0x10500  }
0x6e: {  	[tilespmem:s0+$0x0] =	vst v0  }
0x6f: {  	s31 =	simm.s32 $0x2;
	v0 =	vld.idx.msk [tilespmem:v1+s16+$0x0], $0xffff  }
0x70: {  	s1 =	simm.s32 $0x3;
	v1 =	vmov s31  }
.LBB2_2:
0x71: {  	p0 =	sne.s32 s1, $0xFF;
	_ =	sdelay $0x1  }
.Ltmp0:
0x72: {  	s0 =	sadd.s32 $0x80, s0;
	(pc) =	sbr.rel @p0 .LBB2_2-.Ltmp0, $3  }
0x73: {  	[tilespmem:s0+$0x0] =	vst v0  }
0x74: {  	v0 =	vld.idx.msk [tilespmem:v1+s16+$0x0], $0xffff;
	_ =	sdelay $0x1  }
0x75: {  	v1 =	vmov s1;
	s1 =	sadd.s32 $0x1, s1  }
0x76: {  	_ =	sdelay $0x1  }
0x77: {  	s0 =	sadd.s32 $0x80, s0  }
0x78: {  	[tilespmem:s0+$0x0] =	vst v0  }
0x79: {  	v0 =	vld.idx.msk [tilespmem:v1+s16+$0x0], $0xffff;
	_ =	sdelay $0x1  }
0x7a: {  	s1 =	simm.s32 $0x0  }
0x7b: {  	s2 =	sand.u32 $0x600, s1  }
0x7c: {  	s1 =	sand.u32 $0x70, s1;
	s0 =	sadd.s32 $0x80, s0;
	s2 =	sshrl.u32 s2, $0x2  }
0x7d: {  	s2 =	sor.u32 s1, s2;
	[tilespmem:s0+$0x0] =	vst v0  }
0x7e: {  	v0 =	vld [tilespmem:s2+$0x200];
	_ =	sdelay $0x4  }
0x7f: {  	v0 =	vshll.u32 v0, $0x4  }
0x80: {  	(v2sf) =	vpush v0, $0x0  }
0x81: {  	(v2sf) =	vpush v0, $0x1  }
0x82: {  	(v2sf) =	vpush v0, $0x2;
	_ =	sdelay $0x1  }
0x83: {  	(v2sf) =	vpush v0, $0x3;
	_ =	sdelay $0x2  }
0x84: {  	(v2sf) =	vpush v0, $0x4;
	_ =	sdelay $0x1  }
0x85: {  	(v2sf) =	vpush v0, $0x5;
	_ =	sdelay $0x1  }
0x86: {  	(v2sf) =	vpush v0, $0x6;
	_ =	sdelay $0x1  }
0x87: {  	s25 =	simm.s32 $0x2000;
	s26 =	simm.s32 $0x4000;
	s28 =	simm.s32 $0x40  }
0x88: {  	s29 =	simm.s32 $0x0;
	s4 =	simm.s32 $0x480;
	s5 =	simm.s32 $0x700  }
0x89: {  	s14 =	simm.s32 $0x780;
	s17 =	simm.s32 $0x400;
	s7 =	spop (v2sf);
	(v2sf) =	vpush v0, $0x7  }
0x8a: {  	s19 =	simm.s32 $0x600;
	s0 =	sand.u32 $0x1FFFFFF0, s7;
	s18 =	spop (v2sf)  }
0x8b: {  	s9 =	simm.s32 $0x500;
	(v2sf) =	vpush v0, $0x8;
	s0 =	sadd.s32 s6, s0;
	s8 =	spop (v2sf)  }
0x8c: {  	(v2sf) =	vpush v0, $0x9;
	[tilespmem:s17], [sflag:$0x1] =	stream.linear.gather [hbm4b:s0+s3], $0x80, $0x38;
	[tilespmem:$0x18580] =	vst v63  }
0x8d: {  	s11 =	simm.s32 $0x580;
	s18 =	sand.u32 $0x1FFFFFF0, s18;
	s10 =	spop (v2sf);
	(v2sf) =	vpush v0, $0xA  }
0x8e: {  	s15 =	simm.s32 $0x680;
	s18 =	sadd.s32 s6, s18;
	s17 =	sand.u32 $0x1FFFFFF0, s8  }
0x8f: {  	[tilespmem:s4], [sflag:$0x1] =	stream.linear.gather [hbm4b:s18+s3], $0x80, $0x38;
	[tilespmem:$0x18580] =	vst v63  }
0x90: {  	s20 =	spop (v2sf);
	s17 =	sadd.s32 s6, s17;
	s18 =	sand.u32 $0x1FFFFFF0, s10  }
0x91: {  	[tilespmem:s9], [sflag:$0x1] =	stream.linear.gather [hbm4b:s17+s3], $0x80, $0x38;
	[tilespmem:$0x18580] =	vst v63  }
0x92: {  	(v2sf) =	vpush v0, $0xB;
	s13 =	sand.u32 $0x1FFFFFF0, s20;
	s23 =	spop (v2sf);
	s18 =	sadd.s32 s6, s18  }
0x93: {  	[tilespmem:s11], [sflag:$0x1] =	stream.linear.gather [hbm4b:s18+s3], $0x80, $0x38;
	[tilespmem:$0x18580] =	vst v63  }
0x94: {  	s24 =	sadd.s32 s6, s13;
	s4 =	sand.u32 $0x1FFFFFF0, s23;
	s7 =	spop (v2sf)  }
0x95: {  	[tilespmem:s19], [sflag:$0x1] =	stream.linear.gather [hbm4b:s24+s3], $0x80, $0x38;
	[tilespmem:$0x18580] =	vst v63  }
0x96: {  	s30 =	simm.s32 $0xB80;
	(v2sf) =	vpush v0, $0xC;
	s17 =	sadd.s32 s6, s4;
	s19 =	sand.u32 $0x1FFFFFF0, s7  }
0x97: {  	[tilespmem:s15], [sflag:$0x1] =	stream.linear.gather [hbm4b:s17+s3], $0x80, $0x38;
	[tilespmem:$0x18580] =	vst v63  }
0x98: {  	s1 =	sand.u32 $0x600, s28;
	s9 =	sadd.s32 s6, s19;
	s8 =	spop (v2sf);
	(v2sf) =	vpush v0, $0xD  }
0x99: {  	[tilespmem:s5], [sflag:$0x1] =	stream.linear.gather [hbm4b:s9+s3], $0x80, $0x38;
	[tilespmem:$0x18580] =	vst v63  }
0x9a: {  	s31 =	simm.s32 $0x10;
	s1 =	sshrl.u32 s1, $0x2;
	s11 =	spop (v2sf);
	(v2sf) =	vpush v0, $0xE  }
0x9b: {  	s2 =	simm.s32 $0x980;
	s0 =	simm.s32 $0x900;
	s13 =	spop (v2sf)  }
0x9c: {  	s10 =	simm.s32 $0x800;
	s17 =	sand.u32 $0x1FFFFFF0, s8;
	s20 =	spop (v2sf);
	(v2sf) =	vpush v0, $0xF  }
0x9d: {  	s19 =	simm.s32 $0x880;
	s18 =	sand.u32 $0x1FFFFFF0, s11;
	s17 =	sadd.s32 s6, s17  }
0x9e: {  	[tilespmem:s14], [sflag:$0x1] =	stream.linear.gather [hbm4b:s17+s3], $0x80, $0x38;
	[tilespmem:$0x18580] =	vst v63  }
0x9f: {  	s17 =	simm.s32 $0xA00;
	s15 =	sand.u32 $0x1FFFFFF0, s13;
	s18 =	sadd.s32 s6, s18  }
0xa0: {  	[tilespmem:s10], [sflag:$0x1] =	stream.linear.gather [hbm4b:s18+s3], $0x80, $0x38;
	[tilespmem:$0x18580] =	vst v63  }
0xa1: {  	s14 =	sadd.s32 s6, s15;
	s23 =	sand.u32 $0x1FFFFFF0, s20;
	s24 =	spop (v2sf)  }
0xa2: {  	[tilespmem:s19], [sflag:$0x1] =	stream.linear.gather [hbm4b:s14+s3], $0x80, $0x38;
	[tilespmem:$0x18580] =	vst v63  }
0xa3: {  	s18 =	simm.s32 $0xA80;
	s5 =	sand.u32 $0x1FFFFFF0, s24;
	s19 =	sadd.s32 s6, s23  }
.LBB2_4:
0xa4: {  	p0 =	sne.s32 s26, $0x3E000  }
0xa5: {  	s14 =	sand.u32 $0x70, s31;
	s20 =	spop (v2sf);
	s23 =	smov.u32 s26  }
0xa6: {  	[tilespmem:s0], [sflag:$0x1] =	stream.linear.gather [hbm4b:s19+s3], $0x80, $0x38;
	[tilespmem:$0x18580] =	vst v63  }
0xa7: {  	s0 =	sadd.s32 s6, s5;
	s5 =	sand.u32 $0x1FFFFFF0, s20;
	s19 =	spop (v2sf)  }
0xa8: {  	[tilespmem:s2], [sflag:$0x1] =	stream.linear.gather [hbm4b:s0+s3], $0x80, $0x38;
	[tilespmem:$0x18580] =	vst v63  }
0xa9: {  	s0 =	sadd.s32 s6, s5;
	s2 =	sand.u32 $0x1FFFFFF0, s19;
	s5 =	spop (v2sf)  }
0xaa: {  	[tilespmem:s17], [sflag:$0x1] =	stream.linear.gather [hbm4b:s0+s3], $0x80, $0x38;
	[tilespmem:$0x18580] =	vst v63  }
0xab: {  	s0 =	sadd.s32 s6, s2;
	s2 =	sand.u32 $0x1FFFFFF0, s5;
	s5 =	spop (v2sf)  }
0xac: {  	[tilespmem:s18], [sflag:$0x1] =	stream.linear.gather [hbm4b:s0+s3], $0x80, $0x38;
	[tilespmem:$0x18580] =	vst v63  }
0xad: {  	s2 =	sadd.s32 s6, s2;
	s0 =	sadd.s32 $0xB00, s29;
	s5 =	sand.u32 $0x1FFFFFF0, s5  }
0xae: {  	[tilespmem:s0], [sflag:$0x1] =	stream.linear.gather [hbm4b:s2+s3], $0x80, $0x38;
	[tilespmem:$0x18580] =	vst v63  }
0xaf: {  	s26 =	sadd.s32 $0x2000, s26;
	s0 =	sor.u32 s14, s1;
	s1 =	sadd.s32 s6, s5  }
0xb0: {  	[tilespmem:s30], [sflag:$0x1] =	stream.linear.gather [hbm4b:s1+s3], $0x80, $0x38;
	[tilespmem:$0x18580] =	vst v63  }
0xb1: {  	v0 =	vld [tilespmem:s0+$0x200];
	_ =	sdelay $0x4  }
0xb2: {  	v0 =	vshll.u32 v0, $0x4  }
0xb3: {  	(v2sf) =	vpush v0, $0x0  }
0xb4: {  	(v2sf) =	vpush v0, $0x1  }
0xb5: {  	(v2sf) =	vpush v0, $0x2  }
0xb6: {  	(v2sf) =	vpush v0, $0x3;
	_ =	sdelay $0x1  }
0xb7: {  	(v2sf) =	vpush v0, $0x4;
	_ =	sdelay $0x1  }
0xb8: {  	s28 =	sadd.s32 $0x40, s28;
	(v2sf) =	vpush v0, $0x5  }
0xb9: {  	s29 =	sshra.s32 s25, $0x2;
	s25 =	smov.u32 s23;
	s1 =	sand.u32 $0x600, s28  }
0xba: {  	s15 =	sadd.s32 $0x480, s29;
	s20 =	sadd.s32 $0x700, s29;
	s19 =	sadd.s32 $0x780, s29;
	(v2sf) =	vpush v0, $0x6  }
0xbb: {  	s7 =	sadd.s32 $0x400, s29;
	s8 =	sadd.s32 $0x600, s29;
	s0 =	sadd.s32 $0x900, s29  }
0xbc: {  	s5 =	sadd.s32 $0x680, s29;
	s2 =	sadd.s32 $0x980, s29;
	s30 =	sadd.s32 $0xB80, s29;
	(v2sf) =	vpush v0, $0x7  }
0xbd: {  	s23 =	sadd.s32 $0x800, s29;
	s17 =	sadd.s32 $0xA00, s29;
	s1 =	sshrl.u32 s1, $0x2  }
0xbe: {  	s18 =	sadd.s32 $0xA80, s29;
	(v2sf) =	vpush v0, $0x8  }
0xbf: {  	s14 =	sadd.s32 $0x880, s29  }
0xc0: {  	s9 =	sadd.s32 $0x580, s29;
	s10 =	spop (v2sf);
	(v2sf) =	vpush v0, $0x9  }
0xc1: {  	s31 =	sadd.s32 $0x10, s31;
	s10 =	sand.u32 $0x1FFFFFF0, s10;
	s11 =	spop (v2sf)  }
0xc2: {  	s13 =	sadd.s32 $0x500, s29;
	s11 =	sand.u32 $0x1FFFFFF0, s11;
	s4 =	spop (v2sf);
	(v2sf) =	vpush v0, $0xA  }
0xc3: {  	s10 =	sadd.s32 s6, s10;
	s4 =	sand.u32 $0x1FFFFFF0, s4;
	s24 =	spop (v2sf)  }
0xc4: {  	[tilespmem:s7], [sflag:$0x1] =	stream.linear.gather [hbm4b:s10+s3], $0x80, $0x38;
	(v2sf) =	vpush v0, $0xB;
	[tilespmem:$0x18580] =	vst v63  }
0xc5: {  	s7 =	sadd.s32 s6, s11;
	s10 =	sand.u32 $0x1FFFFFF0, s24;
	s11 =	spop (v2sf)  }
0xc6: {  	[tilespmem:s15], [sflag:$0x1] =	stream.linear.gather [hbm4b:s7+s3], $0x80, $0x38;
	[tilespmem:$0x18580] =	vst v63  }
0xc7: {  	s4 =	sadd.s32 s6, s4;
	s7 =	sand.u32 $0x1FFFFFF0, s11;
	s11 =	spop (v2sf)  }
0xc8: {  	[tilespmem:s13], [sflag:$0x1] =	stream.linear.gather [hbm4b:s4+s3], $0x80, $0x38;
	(v2sf) =	vpush v0, $0xC;
	[tilespmem:$0x18580] =	vst v63  }
0xc9: {  	s4 =	sadd.s32 s6, s10;
	s10 =	sand.u32 $0x1FFFFFF0, s11;
	s11 =	spop (v2sf)  }
0xca: {  	[tilespmem:s9], [sflag:$0x1] =	stream.linear.gather [hbm4b:s4+s3], $0x80, $0x38;
	(v2sf) =	vpush v0, $0xD;
	[tilespmem:$0x18580] =	vst v63  }
0xcb: {  	s4 =	sadd.s32 s6, s7;
	s7 =	sand.u32 $0x1FFFFFF0, s11;
	s9 =	spop (v2sf)  }
0xcc: {  	[tilespmem:s8], [sflag:$0x1] =	stream.linear.gather [hbm4b:s4+s3], $0x80, $0x38;
	(v2sf) =	vpush v0, $0xE;
	[tilespmem:$0x18580] =	vst v63  }
0xcd: {  	s4 =	sadd.s32 s6, s10;
	s8 =	sand.u32 $0x1FFFFFF0, s9;
	s9 =	spop (v2sf)  }
0xce: {  	[tilespmem:s5], [sflag:$0x1] =	stream.linear.gather [hbm4b:s4+s3], $0x80, $0x38;
	(v2sf) =	vpush v0, $0xF;
	[tilespmem:$0x18580] =	vst v63  }
0xcf: {  	s4 =	sadd.s32 s6, s7;
	s5 =	sand.u32 $0x1FFFFFF0, s9;
	s7 =	spop (v2sf)  }
0xd0: {  	[tilespmem:s20], [sflag:$0x1] =	stream.linear.gather [hbm4b:s4+s3], $0x80, $0x38;
	[tilespmem:$0x18580] =	vst v63  }
0xd1: {  	s4 =	sadd.s32 s6, s8;
	s7 =	sand.u32 $0x1FFFFFF0, s7;
	s8 =	spop (v2sf)  }
0xd2: {  	[tilespmem:s19], [sflag:$0x1] =	stream.linear.gather [hbm4b:s4+s3], $0x80, $0x38;
	[tilespmem:$0x18580] =	vst v63  }
.Ltmp1:
0xd3: {  	_ = 	snop;
	(pc) =	sbr.rel @p0 .LBB2_4-.Ltmp1, $4  }
0xd4: {  	s4 =	sadd.s32 s6, s5;
	s5 =	sand.u32 $0x1FFFFFF0, s8;
	s8 =	spop (v2sf)  }
0xd5: {  	[tilespmem:s23], [sflag:$0x1] =	stream.linear.gather [hbm4b:s4+s3], $0x80, $0x38;
	[tilespmem:$0x18580] =	vst v63  }
0xd6: {  	s19 =	sadd.s32 s6, s5;
	s4 =	sadd.s32 s6, s7;
	s5 =	sand.u32 $0x1FFFFFF0, s8  }
0xd7: {  	[tilespmem:s14], [sflag:$0x1] =	stream.linear.gather [hbm4b:s4+s3], $0x80, $0x38;
	[tilespmem:$0x18580] =	vst v63  }
0xd8: {  	s4 =	sand.u32 $0x70, s31;
	s7 =	spop (v2sf)  }
0xd9: {  	[tilespmem:s0], [sflag:$0x1] =	stream.linear.gather [hbm4b:s19+s3], $0x80, $0x38;
	[tilespmem:$0x18580] =	vst v63  }
0xda: {  	s26 =	sadd.s32 s6, s5;
	s28 =	sand.u32 $0x1FFFFFF0, s7;
	s31 =	spop (v2sf)  }
0xdb: {  	[tilespmem:s2], [sflag:$0x1] =	stream.linear.gather [hbm4b:s26+s3], $0x80, $0x38;
	[tilespmem:$0x18580] =	vst v63  }
0xdc: {  	s5 =	sadd.s32 s6, s28;
	s8 =	sand.u32 $0x1FFFFFF0, s31;
	s9 =	spop (v2sf)  }
0xdd: {  	[tilespmem:s17], [sflag:$0x1] =	stream.linear.gather [hbm4b:s5+s3], $0x80, $0x38;
	[tilespmem:$0x18580] =	vst v63  }
0xde: {  	s10 =	sadd.s32 s6, s8;
	s11 =	sand.u32 $0x1FFFFFF0, s9;
	s13 =	spop (v2sf)  }
0xdf: {  	[tilespmem:s18], [sflag:$0x1] =	stream.linear.gather [hbm4b:s10+s3], $0x80, $0x38;
	[tilespmem:$0x18580] =	vst v63  }
0xe0: {  	s14 =	sadd.s32 $0xB00, s29;
	s2 =	sadd.s32 s6, s11;
	s5 =	sand.u32 $0x1FFFFFF0, s13  }
0xe1: {  	[tilespmem:s14], [sflag:$0x1] =	stream.linear.gather [hbm4b:s2+s3], $0x80, $0x38;
	[tilespmem:$0x18580] =	vst v63  }
0xe2: {  	s15 =	sor.u32 s4, s1;
	s17 =	sadd.s32 s6, s5  }
0xe3: {  	[tilespmem:s30], [sflag:$0x1] =	stream.linear.gather [hbm4b:s17+s3], $0x80, $0x38;
	[tilespmem:$0x18580] =	vst v63  }
0xe4: {  	v0 =	vld [tilespmem:s15+$0x200];
	_ =	sdelay $0x4  }
0xe5: {  	v0 =	vshll.u32 v0, $0x4  }
0xe6: {  	(v2sf) =	vpush v0, $0x0  }
0xe7: {  	(v2sf) =	vpush v0, $0x1  }
0xe8: {  	(v2sf) =	vpush v0, $0x2;
	_ =	sdelay $0x1  }
0xe9: {  	(v2sf) =	vpush v0, $0x3;
	_ =	sdelay $0x1  }
0xea: {  	(v2sf) =	vpush v0, $0x4;
	_ =	sdelay $0x1  }
0xeb: {  	(v2sf) =	vpush v0, $0x5;
	_ =	sdelay $0x1  }
0xec: {  	(v2sf) =	vpush v0, $0x6  }
0xed: {  	s0 =	sshra.s32 s25, $0x2  }
0xee: {  	s4 =	sadd.s32 $0x700, s0;
	s20 =	sadd.s32 $0x400, s0;
	s1 =	sadd.s32 $0x980, s0;
	(v2sf) =	vpush v0, $0x7  }
0xef: {  	s23 =	sadd.s32 $0x580, s0;
	s24 =	sadd.s32 $0x500, s0;
	s8 =	sadd.s32 $0x600, s0  }
0xf0: {  	s9 =	sadd.s32 $0x900, s0;
	s18 =	sadd.s32 $0x480, s0;
	s10 =	sadd.s32 $0x680, s0;
	(v2sf) =	vpush v0, $0x8  }
0xf1: {  	s13 =	sadd.s32 $0x800, s0;
	s5 =	sadd.s32 $0x780, s0;
	s11 =	spop (v2sf)  }
0xf2: {  	s14 =	sadd.s32 $0x880, s0;
	(v2sf) =	vpush v0, $0x9;
	s15 =	spop (v2sf);
	s11 =	sand.u32 $0x1FFFFFF0, s11  }
0xf3: {  	(v2sf) =	vpush v0, $0xA;
	s15 =	sand.u32 $0x1FFFFFF0, s15;
	s25 =	spop (v2sf);
	s11 =	sadd.s32 s6, s11  }
0xf4: {  	[tilespmem:s20], [sflag:$0x1] =	stream.linear.gather [hbm4b:s11+s3], $0x80, $0x38;
	[tilespmem:$0x18580] =	vst v63  }
0xf5: {  	(v2sf) =	vpush v0, $0xB;
	s26 =	sand.u32 $0x1FFFFFF0, s25;
	s28 =	spop (v2sf);
	s15 =	sadd.s32 s6, s15  }
0xf6: {  	[tilespmem:s18], [sflag:$0x1] =	stream.linear.gather [hbm4b:s15+s3], $0x80, $0x38;
	[tilespmem:$0x18580] =	vst v63  }
0xf7: {  	s29 =	sand.u32 $0x1FFFFFF0, s28;
	s30 =	spop (v2sf);
	s7 =	sadd.s32 s6, s26  }
0xf8: {  	[tilespmem:s24], [sflag:$0x1] =	stream.linear.gather [hbm4b:s7+s3], $0x80, $0x38;
	[tilespmem:$0x18580] =	vst v63  }
0xf9: {  	(v2sf) =	vpush v0, $0xC;
	s31 =	sand.u32 $0x1FFFFFF0, s30;
	s15 =	spop (v2sf);
	s2 =	sadd.s32 s6, s29  }
0xfa: {  	[tilespmem:s23], [sflag:$0x1] =	stream.linear.gather [hbm4b:s2+s3], $0x80, $0x38;
	[tilespmem:$0x18580] =	vst v63  }
0xfb: {  	(v2sf) =	vpush v0, $0xD;
	s17 =	sand.u32 $0x1FFFFFF0, s15;
	s18 =	spop (v2sf);
	s7 =	sadd.s32 s6, s31  }
0xfc: {  	[tilespmem:s8], [sflag:$0x1] =	stream.linear.gather [hbm4b:s7+s3], $0x80, $0x38;
	[tilespmem:$0x18580] =	vst v63  }
0xfd: {  	(v2sf) =	vpush v0, $0xE;
	s19 =	sand.u32 $0x1FFFFFF0, s18;
	s20 =	spop (v2sf);
	s2 =	sadd.s32 s6, s17  }
0xfe: {  	[tilespmem:s10], [sflag:$0x1] =	stream.linear.gather [hbm4b:s2+s3], $0x80, $0x38;
	[tilespmem:$0x18580] =	vst v63  }
0xff: {  	s11 =	sadd.s32 $0xA00, s0;
	(v2sf) =	vpush v0, $0xF;
	s24 =	spop (v2sf);
	s7 =	sadd.s32 s6, s19  }
0x100: {  	[tilespmem:s4], [sflag:$0x1] =	stream.linear.gather [hbm4b:s7+s3], $0x80, $0x38;
	[tilespmem:$0x18580] =	vst v63  }
0x101: {  	s18 =	simm.s32 $0x0;
	s23 =	sand.u32 $0x1FFFFFF0, s20;
	s26 =	spop (v2sf)  }
0x102: {  	s25 =	sand.u32 $0x1FFFFFF0, s24;
	s2 =	sadd.s32 s6, s23;
	s29 =	spop (v2sf)  }
0x103: {  	[tilespmem:s5], [sflag:$0x1] =	stream.linear.gather [hbm4b:s2+s3], $0x80, $0x38;
	[tilespmem:$0x18580] =	vst v63  }
0x104: {  	s4 =	sadd.s32 s6, s25;
	s28 =	sand.u32 $0x1FFFFFF0, s26;
	s31 =	spop (v2sf)  }
0x105: {  	[tilespmem:s13], [sflag:$0x1] =	stream.linear.gather [hbm4b:s4+s3], $0x80, $0x38;
	[tilespmem:$0x18580] =	vst v63  }
0x106: {  	s30 =	sand.u32 $0x1FFFFFF0, s29;
	s2 =	sadd.s32 s6, s28;
	s8 =	sand.u32 $0x1FFFFFF0, s31  }
0x107: {  	[tilespmem:s14], [sflag:$0x1] =	stream.linear.gather [hbm4b:s2+s3], $0x80, $0x38;
	[tilespmem:$0x18580] =	vst v63  }
0x108: {  	s7 =	sadd.s32 s6, s30;
	s10 =	spop (v2sf);
	s4 =	sadd.s32 s6, s8  }
0x109: {  	[tilespmem:s9], [sflag:$0x1] =	stream.linear.gather [hbm4b:s7+s3], $0x80, $0x38;
	[tilespmem:$0x18580] =	vst v63  }
0x10a: {  	s5 =	sand.u32 $0x1FFFFFF0, s10;
	s13 =	sadd.s32 $0xA80, s0;
	s14 =	spop (v2sf)  }
0x10b: {  	[tilespmem:s1], [sflag:$0x1] =	stream.linear.gather [hbm4b:s4+s3], $0x80, $0x38;
	[tilespmem:$0x18580] =	vst v63  }
0x10c: {  	s5 =	sadd.s32 s6, s5;
	s15 =	sand.u32 $0x1FFFFFF0, s14;
	s17 =	spop (v2sf)  }
0x10d: {  	[tilespmem:s11], [sflag:$0x1] =	stream.linear.gather [hbm4b:s5+s3], $0x80, $0x38;
	[tilespmem:$0x18580] =	vst v63  }
0x10e: {  	v0 =	vmov s18;
	s2 =	sadd.s32 s6, s15;
	s19 =	spop (v2sf);
	s4 =	sand.u32 $0x1FFFFFF0, s17  }
0x10f: {  	v0 =	vand.u32 $0x7F, v0;
	[tilespmem:s13], [sflag:$0x1] =	stream.linear.gather [hbm4b:s2+s3], $0x80, $0x38;
	[tilespmem:$0x18580] =	vst v63  }
0x110: {  	s20 =	sadd.s32 $0xB00, s0;
	v0 =	vbroadcast v0, $0x0;
	s24 =	sand.u32 $0x1FFFFFF0, s19;
	s23 =	sadd.s32 s6, s4  }
0x111: {  	[tilespmem:s20], [sflag:$0x1] =	stream.linear.gather [hbm4b:s23+s3], $0x80, $0x38;
	[tilespmem:$0x18580] =	vst v63  }
0x112: {  	v1 =	vor.u32 v15, v0;
	s26 =	simm.s32 $0x1;
	s0 =	sadd.s32 $0xB80, s0;
	s25 =	sadd.s32 s6, s24  }
0x113: {  	[tilespmem:s0], [sflag:$0x1] =	stream.linear.gather [hbm4b:s25+s3], $0x80, $0x38;
	[tilespmem:$0x18580] =	vst v63  }
0x114: {  	v2 =	vor.u32 v4, v0;
	v35 =	vmov s26;
	_ =	swait.ge [sflag:s21], $0x10000  }
0x115: {  	v3 =	vor.u32 v9, v0;
	v35 =	vand.u32 $0x7F, v35;
	[sflag:s21] =	ssyncset.done $0x0  }
0x116: {  	v5 =	vor.u32 v10, v0;
	v39 =	vbroadcast v35, $0x0;
	[sflag:s21] =	ssyncadd.s32 $0xFFFF0000  }
0x117: {  	v36 =	vor.u32 v12, v0;
	s28 =	simm.s32 $0x10500;
	v1 =	vld.idx.msk [tilespmem:v1+s22+$0x0], $0xffff  }
0x118: {  	v40 =	vor.u32 v15, v39;
	v38 =	vld [tilespmem:s28+$0x0]  }
0x119: {  	v2 =	vld.idx.msk [tilespmem:v2+s22+$0x0], $0xffff  }
0x11a: {  	v37 =	vor.u32 v13, v0;
	v3 =	vld.idx.msk [tilespmem:v3+s22+$0x0], $0xffff  }
0x11b: {  	v6 =	vor.u32 v11, v0;
	v5 =	vld.idx.msk [tilespmem:v5+s22+$0x0], $0xffff  }
0x11c: {  	v0 =	vor.u32 v14, v0;
	v44 =	vld.idx.msk [tilespmem:v36+s22+$0x0], $0xffff  }
0x11d: {  	s30 =	simm.s32 $0x10580;
	v40 =	vld.idx.msk [tilespmem:v40+s22+$0x0], $0xffff  }
0x11e: {  	s29 =	simm.s32 $0x2;
	v36 =	vld [tilespmem:s30+$0x0]  }
0x11f: {  	v61 =	vmov s29;
	v35 =	vimm.f32 $0.0e+00;
	v45 =	vor.u32 v10, v39;
	v53 =	vld.idx.msk [tilespmem:v37+s22+$0x0], $0xffff  }
0x120: {  	v41 =	vor.u32 v4, v39;
	v42 =	vor.u32 v9, v39;
	v50 =	vor.u32 v11, v39;
	v6 =	vld.idx.msk [tilespmem:v6+s22+$0x0], $0xffff  }
0x121: {  	v52 =	vor.u32 v12, v39;
	v0 =	vld.idx.msk [tilespmem:v0+s22+$0x0], $0xffff;
	v1 =	vmul.f32 v1, v38;
	v2 =	vmul.f32 v2, v38  }
0x122: {  	v60 =	vor.u32 v13, v39;
	v3 =	vmul.f32 v3, v38;
	v5 =	vmul.f32 v5, v38  }
0x123: {  	v63 =	vmul.f32 v40, v36;
	v58 =	vadd.f32 v1, v35;
	v1 =	vand.u32 $0x7F, v61  }
0x124: {  	v57 =	vor.u32 v14, v39;
	v56 =	vld.idx.msk [tilespmem:v45+s22+$0x0], $0xffff;
	v59 =	vmul.f32 v53, v38;
	v1 =	vbroadcast v1, $0x0  }
0x125: {  	v39 =	vadd.f32 v2, v35;
	v2 =	vld.idx.msk [tilespmem:v41+s22+$0x0], $0xffff;
	v43 =	vadd.f32 v3, v35;
	v3 =	vmul.f32 v6, v38  }
0x126: {  	v0 =	vmul.f32 v0, v38;
	v6 =	vld.idx.msk [tilespmem:v42+s22+$0x0], $0xffff;
	v41 =	vadd.f32 v5, v35;
	v62 =	vor.u32 v15, v1  }
0x127: {  	v51 =	vld.idx.msk [tilespmem:v50+s22+$0x0], $0xffff;
	v5 =	vmul.f32 v44, v38;
	v44 =	vadd.f32 v59, v35;
	v40 =	vadd.f32 v3, v35  }
0x128: {  	v52 =	vld.idx.msk [tilespmem:v52+s22+$0x0], $0xffff;
	v42 =	vadd.f32 v63, v58;
	v49 =	vor.u32 v4, v1;
	v48 =	vor.u32 v9, v1  }
0x129: {  	v37 =	vld.idx.msk [tilespmem:v60+s22+$0x0], $0xffff;
	v47 =	vor.u32 v10, v1;
	v46 =	vor.u32 v11, v1;
	v54 =	vor.u32 v12, v1  }
0x12a: {  	s31 =	simm.s32 $0x3;
	v45 =	vld.idx.msk [tilespmem:v57+s22+$0x0], $0xffff;
	v55 =	vor.u32 v13, v1;
	v50 =	vor.u32 v14, v1;
	v1 =	vmul.f32 v2, v36  }
0x12b: {  	s1 =	simm.s32 $0x4;
	s0 =	simm.s32 $0x10600;
	v38 =	vadd.f32 v5, v35;
	v3 =	vmov s31;
	v2 =	vmul.f32 v6, v36;
	v53 =	vld.idx.msk [tilespmem:v62+s22+$0x0], $0xffff  }
.LBB2_6:
0x12c: {  	p0 =	sne.s32 s1, $0x3F;
	v3 =	vand.u32 $0x7F, v3;
	v5 =	vld [tilespmem:s0+$0x0];
	v39 =	vadd.f32 v1, v39;
	v1 =	vmul.f32 v56, v36;
	v6 =	vmovc v55;
	v57 =	vmovc v50  }
0x12d: {  	v3 =	vbroadcast v3, $0x0;
	v58 =	vld.idx.msk [tilespmem:v49+s22+$0x0], $0xffff;
	v43 =	vadd.f32 v2, v43;
	v2 =	vmul.f32 v51, v36  }
0x12e: {  	v35 =	vadd.f32 v0, v35;
	v60 =	vmul.f32 v52, v36;
	v59 =	vld.idx.msk [tilespmem:v48+s22+$0x0], $0xffff;
	v41 =	vadd.f32 v1, v41  }
0x12f: {  	v49 =	vor.u32 v4, v3;
	v48 =	vor.u32 v9, v3;
	v61 =	vor.u32 v15, v3;
	v56 =	vld.idx.msk [tilespmem:v47+s22+$0x0], $0xffff  }
.Ltmp2:
0x130: {  	v47 =	vor.u32 v10, v3;
	v62 =	vor.u32 v12, v3;
	v51 =	vld.idx.msk [tilespmem:v46+s22+$0x0], $0xffff;
	v46 =	vor.u32 v11, v3;
	(pc) =	sbr.rel @p0 .LBB2_6-.Ltmp2, $4  }
0x131: {  	v55 =	vor.u32 v13, v3;
	v50 =	vor.u32 v14, v3;
	v52 =	vld.idx.msk [tilespmem:v54+s22+$0x0], $0xffff;
	v3 =	vmul.f32 v53, v5  }
0x132: {  	v7 =	vmul.f32 v37, v36;
	v40 =	vadd.f32 v2, v40;
	v0 =	vmul.f32 v45, v36;
	v37 =	vld.idx.msk [tilespmem:v6+s22+$0x0], $0xffff  }
0x133: {  	v38 =	vadd.f32 v60, v38;
	v1 =	vmul.f32 v58, v5;
	v45 =	vld.idx.msk [tilespmem:v57+s22+$0x0], $0xffff;
	v42 =	vadd.f32 v3, v42  }
0x134: {  	s0 =	sadd.s32 $0x80, s0;
	v44 =	vadd.f32 v7, v44;
	v36 =	vmovc v5;
	v54 =	vmovc v62;
	v3 =	vmov s1;
	s1 =	sadd.s32 $0x1, s1;
	v2 =	vmul.f32 v59, v5;
	v53 =	vld.idx.msk [tilespmem:v61+s22+$0x0], $0xffff  }
0x135: {  	_ =	sdelay $0x2  }
0x136: {  	v5 =	vld [tilespmem:s0+$0x0];
	v3 =	vand.u32 $0x7F, v3  }
0x137: {  	v6 =	vld.idx.msk [tilespmem:v49+s22+$0x0], $0xffff;
	v3 =	vbroadcast v3, $0x0  }
0x138: {  	v48 =	vld.idx.msk [tilespmem:v48+s22+$0x0], $0xffff  }
0x139: {  	v61 =	vmul.f32 v56, v36;
	v47 =	vld.idx.msk [tilespmem:v47+s22+$0x0], $0xffff;
	v1 =	vadd.f32 v1, v39;
	v39 =	vor.u32 v4, v3  }
0x13a: {  	v62 =	vmul.f32 v51, v36;
	v51 =	vld.idx.msk [tilespmem:v54+s22+$0x0], $0xffff;
	v0 =	vadd.f32 v0, v35;
	v63 =	vor.u32 v9, v3  }
0x13b: {  	v54 =	vld.idx.msk [tilespmem:v55+s22+$0x0], $0xffff;
	v35 =	vor.u32 v10, v3;
	v55 =	vor.u32 v15, v3;
	v60 =	vor.u32 v11, v3  }
0x13c: {  	v50 =	vld.idx.msk [tilespmem:v50+s22+$0x0], $0xffff;
	s25 =	sadd.s32 $0x80, s0;
	v57 =	vor.u32 v12, v3;
	v58 =	vor.u32 v13, v3;
	v3 =	vor.u32 v14, v3  }
0x13d: {  	v2 =	vadd.f32 v2, v43;
	v59 =	vld [tilespmem:s25+$0x0]  }
0x13e: {  	v52 =	vmul.f32 v52, v36;
	v41 =	vadd.f32 v61, v41;
	v37 =	vmul.f32 v37, v36;
	v39 =	vld.idx.msk [tilespmem:v39+s22+$0x0], $0xffff  }
0x13f: {  	v43 =	vld.idx.msk [tilespmem:v46+s22+$0x0], $0xffff;
	v40 =	vadd.f32 v62, v40;
	v61 =	vmul.f32 v45, v36;
	v53 =	vmul.f32 v53, v5  }
0x140: {  	v38 =	vadd.f32 v52, v38;
	v6 =	vmul.f32 v6, v5;
	v62 =	vmul.f32 v48, v5;
	v63 =	vld.idx.msk [tilespmem:v63+s22+$0x0], $0xffff  }
0x141: {  	s26 =	simm.s32 $0x0;
	v37 =	vadd.f32 v37, v44;
	v48 =	vmul.f32 v47, v5;
	v51 =	vmul.f32 v51, v5;
	v3 =	vld.idx.msk [tilespmem:v3+s22+$0x0], $0xffff  }
0x142: {  	v0 =	vadd.f32 v61, v0;
	v54 =	vmul.f32 v54, v5;
	v61 =	vmov s26;
	v35 =	vld.idx.msk [tilespmem:v35+s22+$0x0], $0xffff  }
0x143: {  	v42 =	vadd.f32 v53, v42;
	v1 =	vadd.f32 v6, v1;
	v49 =	vld.idx.msk [tilespmem:v60+s22+$0x0], $0xffff;
	v39 =	vmul.f32 v39, v59  }
0x144: {  	v2 =	vadd.f32 v62, v2;
	v6 =	vmul.f32 v43, v5;
	v5 =	vmul.f32 v50, v5;
	v52 =	vld.idx.msk [tilespmem:v57+s22+$0x0], $0xffff  }
0x145: {  	v41 =	vadd.f32 v48, v41;
	v53 =	vld.idx.msk [tilespmem:v58+s22+$0x0], $0xffff;
	v56 =	vmul.f32 v63, v59;
	v8 =	vadd.f32 v39, v1  }
0x146: {  	v44 =	vadd.f32 v51, v38;
	v57 =	vld.idx.msk [tilespmem:v55+s22+$0x0], $0xffff;
	v0 =	vadd.f32 v5, v0;
	v3 =	vmul.f32 v3, v59  }
0x147: {  	v58 =	vadd.f32 v54, v37;
	v1 =	vmul.f32 v35, v59;
	v60 =	vadd.f32 v56, v2;
	[tilespmem:$0x1FF30] =	vst v8  }
0x148: {  	v6 =	vadd.f32 v6, v40;
	v2 =	vmul.f32 v49, v59;
	v3 =	vadd.f32 v3, v0;
	[tilespmem:$0x18500] =	vst v8  }
0x149: {  	v39 =	vand.u32 $0x7F, v61;
	v7 =	vadd.f32 v1, v41;
	v1 =	vmul.f32 v52, v59;
	[tilespmem:$0x18510] =	vst v60  }
0x14a: {  	v8 =	vadd.f32 v2, v6;
	v2 =	vmul.f32 v53, v59;
	v6 =	vbroadcast v39, $0x0;
	[tilespmem:$0x1FF70] =	vst v3  }
0x14b: {  	[tilespmem:$0x18560] =	vst v3;
	v40 =	vadd.f32 v1, v44  }
0x14c: {  	[tilespmem:$0x18520] =	vst v7;
	v1 =	vmul.f32 v57, v59;
	v41 =	vadd.f32 v2, v58;
	v2 =	vor.u32 v23, v6  }
0x14d: {  	[tilespmem:$0x18530] =	vst v8  }
0x14e: {  	s28 =	simm.s32 $0x1;
	v0 =	vor.u32 v16, v6;
	[tilespmem:$0x18540] =	vst v40;
	v42 =	vadd.f32 v1, v42  }
0x14f: {  	v62 =	vmov s28;
	v3 =	vor.u32 v18, v6;
	[tilespmem:$0x18550] =	vst v41  }
0x150: {  	v43 =	vand.u32 $0x7F, v62;
	v5 =	vor.u32 v19, v6;
	[tilespmem:$0x18570] =	vst v42  }
0x151: {  	s1 =	simm.s32 $0x12500;
	v37 =	vbroadcast v43, $0x0;
	v63 =	vor.u32 v20, v6;
	v2 =	vld.idx.msk [tilespmem:v2+s22+$0x0], $0xffff  }
0x152: {  	v1 =	vor.u32 v17, v6;
	v48 =	vld [tilespmem:s1+$0x0]  }
0x153: {  	v38 =	vor.u32 v23, v37;
	v0 =	vld.idx.msk [tilespmem:v0+s22+$0x0], $0xffff  }
0x154: {  	v3 =	vld.idx.msk [tilespmem:v3+s22+$0x0], $0xffff  }
0x155: {  	v35 =	vor.u32 v21, v6;
	v5 =	vld.idx.msk [tilespmem:v5+s22+$0x0], $0xffff  }
0x156: {  	v36 =	vor.u32 v17, v37;
	v52 =	vld.idx.msk [tilespmem:v63+s22+$0x0], $0xffff  }
0x157: {  	v39 =	vor.u32 v16, v37;
	v53 =	vor.u32 v18, v37;
	v6 =	vor.u32 v22, v6;
	v1 =	vld.idx.msk [tilespmem:v1+s22+$0x0], $0xffff  }
0x158: {  	s30 =	simm.s32 $0x12580;
	v43 =	vimm.f32 $0.0e+00;
	[tilespmem:$0x1FF50] =	vst v7;
	v58 =	vor.u32 v19, v37;
	v59 =	vor.u32 v20, v37;
	v47 =	vld.idx.msk [tilespmem:v38+s22+$0x0], $0xffff  }
0x159: {  	s29 =	simm.s32 $0x2;
	[tilespmem:$0x1FF60] =	vst v8;
	v7 =	vor.u32 v21, v37;
	v8 =	vor.u32 v22, v37;
	v44 =	vld [tilespmem:s30+$0x0];
	v2 =	vmul.f32 v2, v48  }
0x15a: {  	v37 =	vmov s29;
	v61 =	vld.idx.msk [tilespmem:v35+s22+$0x0], $0xffff;
	v0 =	vmul.f32 v0, v48;
	v3 =	vmul.f32 v3, v48  }
0x15b: {  	v36 =	vld.idx.msk [tilespmem:v36+s22+$0x0], $0xffff;
	v5 =	vmul.f32 v5, v48;
	v35 =	vadd.f32 v2, v43;
	v2 =	vand.u32 $0x7F, v37  }
0x15c: {  	v6 =	vld.idx.msk [tilespmem:v6+s22+$0x0], $0xffff;
	v1 =	vmul.f32 v1, v48;
	v49 =	vadd.f32 v0, v43;
	v0 =	vbroadcast v2, $0x0  }
0x15d: {  	s31 =	simm.s32 $0x3;
	v45 =	vadd.f32 v3, v43;
	v3 =	vmul.f32 v52, v48;
	v51 =	vadd.f32 v5, v43;
	v2 =	vld.idx.msk [tilespmem:v39+s22+$0x0], $0xffff  }
0x15e: {  	[tilespmem:$0x1FF40] =	vst v60;
	v60 =	vld.idx.msk [tilespmem:v53+s22+$0x0], $0xffff;
	v5 =	vmov s31;
	v39 =	vmul.f32 v47, v44;
	v38 =	vor.u32 v23, v0  }
0x15f: {  	v47 =	vld.idx.msk [tilespmem:v7+s22+$0x0], $0xffff;
	v7 =	vmul.f32 v61, v48;
	v46 =	vadd.f32 v1, v43;
	v57 =	vor.u32 v16, v0  }
0x160: {  	v58 =	vld.idx.msk [tilespmem:v58+s22+$0x0], $0xffff;
	v56 =	vor.u32 v17, v0;
	v55 =	vor.u32 v18, v0;
	v54 =	vor.u32 v19, v0  }
0x161: {  	v59 =	vld.idx.msk [tilespmem:v59+s22+$0x0], $0xffff;
	v63 =	vor.u32 v20, v0;
	v1 =	vor.u32 v21, v0;
	v62 =	vor.u32 v22, v0  }
0x162: {  	v53 =	vld.idx.msk [tilespmem:v8+s22+$0x0], $0xffff;
	v0 =	vmul.f32 v6, v48;
	v50 =	vadd.f32 v39, v35;
	v2 =	vmul.f32 v2, v44  }
0x163: {  	s0 =	simm.s32 $0x12600;
	s1 =	simm.s32 $0x4;
	v48 =	vadd.f32 v3, v43;
	v3 =	vmul.f32 v36, v44;
	v52 =	vadd.f32 v7, v43;
	v61 =	vld.idx.msk [tilespmem:v38+s22+$0x0], $0xffff  }
.LBB2_8:
0x164: {  	p0 =	sne.s32 s1, $0x3F;
	v5 =	vand.u32 $0x7F, v5;
	v6 =	vld [tilespmem:s0+$0x0];
	v49 =	vadd.f32 v2, v49;
	v2 =	vmul.f32 v60, v44;
	v7 =	vmovc v1;
	v8 =	vmovc v62  }
0x165: {  	v5 =	vbroadcast v5, $0x0;
	v35 =	vld.idx.msk [tilespmem:v57+s22+$0x0], $0xffff;
	v46 =	vadd.f32 v3, v46;
	v3 =	vmul.f32 v58, v44  }
0x166: {  	v37 =	vmul.f32 v59, v44;
	v43 =	vadd.f32 v0, v43;
	v36 =	vld.idx.msk [tilespmem:v56+s22+$0x0], $0xffff;
	v45 =	vadd.f32 v2, v45  }
0x167: {  	v57 =	vor.u32 v16, v5;
	v56 =	vor.u32 v17, v5;
	v38 =	vor.u32 v23, v5;
	v60 =	vld.idx.msk [tilespmem:v55+s22+$0x0], $0xffff  }
0x168: {  	v55 =	vor.u32 v18, v5;
	v39 =	vor.u32 v20, v5;
	v58 =	vld.idx.msk [tilespmem:v54+s22+$0x0], $0xffff;
	v54 =	vor.u32 v19, v5  }
.Ltmp3:
0x169: {  	v59 =	vld.idx.msk [tilespmem:v63+s22+$0x0], $0xffff;
	v63 =	vmul.f32 v47, v44;
	(pc) =	sbr.rel @p0 .LBB2_8-.Ltmp3, $4  }
0x16a: {  	v1 =	vor.u32 v21, v5;
	v62 =	vor.u32 v22, v5;
	v5 =	vmul.f32 v61, v6  }
0x16b: {  	v51 =	vadd.f32 v3, v51;
	v0 =	vmul.f32 v53, v44;
	v47 =	vld.idx.msk [tilespmem:v7+s22+$0x0], $0xffff  }
0x16c: {  	v48 =	vadd.f32 v37, v48;
	v2 =	vmul.f32 v35, v6;
	v53 =	vld.idx.msk [tilespmem:v8+s22+$0x0], $0xffff;
	v50 =	vadd.f32 v5, v50  }
0x16d: {  	s0 =	sadd.s32 $0x80, s0;
	v44 =	vmovc v6;
	v5 =	vmov s1;
	s1 =	sadd.s32 $0x1, s1;
	v3 =	vmul.f32 v36, v6;
	v52 =	vadd.f32 v63, v52;
	v61 =	vld.idx.msk [tilespmem:v38+s22+$0x0], $0xffff;
	v63 =	vmovc v39  }
0x16e: {  	_ =	sdelay $0x2  }
0x16f: {  	v6 =	vld [tilespmem:s0+$0x0]  }
0x170: {  	v5 =	vand.u32 $0x7F, v5;
	v7 =	vld.idx.msk [tilespmem:v57+s22+$0x0], $0xffff  }
0x171: {  	v8 =	vld.idx.msk [tilespmem:v56+s22+$0x0], $0xffff;
	v5 =	vbroadcast v5, $0x0  }
0x172: {  	v36 =	vld.idx.msk [tilespmem:v55+s22+$0x0], $0xffff  }
0x173: {  	v38 =	vmul.f32 v60, v44;
	v56 =	vld.idx.msk [tilespmem:v62+s22+$0x0], $0xffff;
	v62 =	vor.u32 v19, v5  }
0x174: {  	v37 =	vld.idx.msk [tilespmem:v54+s22+$0x0], $0xffff;
	v2 =	vadd.f32 v2, v49;
	v3 =	vadd.f32 v3, v46  }
0x175: {  	v49 =	vld.idx.msk [tilespmem:v63+s22+$0x0], $0xffff;
	v46 =	vmul.f32 v58, v44;
	v38 =	vadd.f32 v38, v45;
	v45 =	vmul.f32 v59, v44  }
0x176: {  	v1 =	vld.idx.msk [tilespmem:v1+s22+$0x0], $0xffff;
	s25 =	sadd.s32 $0x80, s0;
	v47 =	vmul.f32 v47, v44;
	v39 =	vor.u32 v16, v5;
	v8 =	vmul.f32 v8, v6  }
0x177: {  	v35 =	vor.u32 v23, v5;
	v60 =	vor.u32 v17, v5;
	v46 =	vadd.f32 v46, v51;
	v51 =	vld [tilespmem:s25+$0x0]  }
0x178: {  	v55 =	vor.u32 v18, v5;
	v58 =	vor.u32 v21, v5;
	v3 =	vadd.f32 v8, v3;
	v8 =	vld.idx.msk [tilespmem:v62+s22+$0x0], $0xffff  }
0x179: {  	v57 =	vor.u32 v20, v5;
	v5 =	vor.u32 v22, v5;
	v7 =	vmul.f32 v7, v6  }
0x17a: {  	v0 =	vadd.f32 v0, v43;
	v44 =	vmul.f32 v53, v44;
	v63 =	vmul.f32 v61, v6  }
0x17b: {  	v36 =	vmul.f32 v36, v6;
	v2 =	vadd.f32 v7, v2;
	v7 =	vmul.f32 v37, v6;
	v39 =	vld.idx.msk [tilespmem:v39+s22+$0x0], $0xffff  }
0x17c: {  	v0 =	vadd.f32 v44, v0;
	v1 =	vmul.f32 v1, v6;
	v62 =	vmul.f32 v49, v6  }
0x17d: {  	v49 =	vld.idx.msk [tilespmem:v58+s22+$0x0], $0xffff;
	v6 =	vmul.f32 v56, v6;
	v7 =	vadd.f32 v7, v46;
	v8 =	vmul.f32 v8, v51  }
0x17e: {  	v5 =	vld.idx.msk [tilespmem:v5+s22+$0x0], $0xffff  }
0x17f: {  	v0 =	vadd.f32 v6, v0;
	v6 =	vadd.f32 v8, v7;
	v8 =	vld [tilespmem:$0x1FF30]  }
0x180: {  	v60 =	vld.idx.msk [tilespmem:v60+s22+$0x0], $0xffff;
	v39 =	vmul.f32 v39, v51  }
0x181: {  	v47 =	vadd.f32 v47, v52  }
0x182: {  	v50 =	vadd.f32 v63, v50;
	v63 =	vld.idx.msk [tilespmem:v57+s22+$0x0], $0xffff;
	v2 =	vadd.f32 v39, v2  }
0x183: {  	v1 =	vadd.f32 v1, v47;
	v7 =	vmul.f32 v49, v51  }
0x184: {  	v43 =	vadd.f32 v2, v8;
	v2 =	vmul.f32 v5, v51;
	v5 =	vld [tilespmem:$0x1FF40]  }
0x185: {  	v45 =	vadd.f32 v45, v48;
	v52 =	vmul.f32 v60, v51;
	v1 =	vadd.f32 v7, v1;
	v7 =	vld [tilespmem:$0x1FF60];
	_ =	sdelay $0x1  }
0x186: {  	v61 =	vld.idx.msk [tilespmem:v55+s22+$0x0], $0xffff;
	v37 =	vadd.f32 v62, v45;
	v54 =	vmul.f32 v63, v51;
	v3 =	vadd.f32 v52, v3  }
0x187: {  	v35 =	vld.idx.msk [tilespmem:v35+s22+$0x0], $0xffff  }
0x188: {  	v55 =	vadd.f32 v3, v5;
	v5 =	vadd.f32 v54, v37  }
0x189: {  	v45 =	vadd.f32 v6, v7  }
0x18a: {  	v8 =	vld [tilespmem:$0x1FF50];
	[tilespmem:$0x18500] =	vst v43;
	v6 =	vadd.f32 v5, v40  }
0x18b: {  	s26 =	simm.s32 $0x0;
	v36 =	vadd.f32 v36, v38;
	v53 =	vmul.f32 v61, v51;
	[tilespmem:$0x18530] =	vst v45  }
0x18c: {  	v35 =	vmul.f32 v35, v51;
	v3 =	vmov s26;
	[tilespmem:$0x1FEF0] =	vst v6  }
0x18d: {  	v36 =	vadd.f32 v53, v36;
	v3 =	vand.u32 $0x7F, v3;
	v5 =	vadd.f32 v1, v41;
	[tilespmem:$0x18540] =	vst v6;
	v6 =	vld [tilespmem:$0x1FF70]  }
0x18e: {  	v0 =	vadd.f32 v2, v0;
	v2 =	vadd.f32 v35, v50;
	[tilespmem:$0x18510] =	vst v55;
	v3 =	vbroadcast v3, $0x0  }
0x18f: {  	v44 =	vadd.f32 v36, v8;
	[tilespmem:$0x1FF00] =	vst v5  }
0x190: {  	v1 =	vor.u32 v31, v3;
	[tilespmem:$0x18550] =	vst v5;
	v5 =	vadd.f32 v2, v42  }
0x191: {  	s28 =	simm.s32 $0x1;
	[tilespmem:$0x18520] =	vst v44  }
0x192: {  	v7 =	vmov s28;
	v2 =	vor.u32 v25, v3;
	[tilespmem:$0x1FF20] =	vst v5;
	v6 =	vadd.f32 v0, v6  }
0x193: {  	v7 =	vand.u32 $0x7F, v7;
	[tilespmem:$0x18570] =	vst v5;
	v5 =	vor.u32 v26, v3  }
0x194: {  	v7 =	vbroadcast v7, $0x0;
	v8 =	vor.u32 v28, v3;
	[tilespmem:$0x18560] =	vst v6  }
0x195: {  	s1 =	simm.s32 $0x14500;
	v0 =	vor.u32 v24, v3;
	v1 =	vld.idx.msk [tilespmem:v1+s22+$0x0], $0xffff  }
0x196: {  	v57 =	vor.u32 v31, v7;
	v48 =	vld [tilespmem:s1+$0x0]  }
0x197: {  	v2 =	vld.idx.msk [tilespmem:v2+s22+$0x0], $0xffff  }
0x198: {  	v56 =	vor.u32 v29, v3;
	v5 =	vld.idx.msk [tilespmem:v5+s22+$0x0], $0xffff  }
0x199: {  	[tilespmem:$0x1FF10] =	vst v6;
	v6 =	vor.u32 v27, v3;
	v8 =	vld.idx.msk [tilespmem:v8+s22+$0x0], $0xffff  }
0x19a: {  	v0 =	vld.idx.msk [tilespmem:v0+s22+$0x0], $0xffff  }
0x19b: {  	s29 =	simm.s32 $0x2;
	s30 =	simm.s32 $0x14580;
	v58 =	vor.u32 v24, v7;
	v35 =	vld.idx.msk [tilespmem:v57+s22+$0x0], $0xffff  }
0x19c: {  	v63 =	vmov s29;
	v39 =	vimm.f32 $0.0e+00;
	v50 =	vor.u32 v26, v7;
	v41 =	vld [tilespmem:s30+$0x0]  }
0x19d: {  	v59 =	vor.u32 v25, v7;
	v51 =	vor.u32 v27, v7;
	v3 =	vor.u32 v30, v3;
	v53 =	vld.idx.msk [tilespmem:v56+s22+$0x0], $0xffff  }
0x19e: {  	v52 =	vor.u32 v28, v7;
	v61 =	vor.u32 v29, v7;
	v6 =	vld.idx.msk [tilespmem:v6+s22+$0x0], $0xffff;
	v1 =	vmul.f32 v1, v48  }
0x19f: {  	v7 =	vor.u32 v30, v7;
	v2 =	vmul.f32 v2, v48;
	v0 =	vmul.f32 v0, v48  }
0x1a0: {  	v37 =	vld.idx.msk [tilespmem:v58+s22+$0x0], $0xffff;
	v5 =	vmul.f32 v5, v48;
	v36 =	vadd.f32 v1, v39;
	v1 =	vand.u32 $0x7F, v63  }
0x1a1: {  	[tilespmem:$0x1FEE0] =	vst v55;
	v60 =	vld.idx.msk [tilespmem:v50+s22+$0x0], $0xffff;
	v35 =	vmul.f32 v35, v41;
	v49 =	vadd.f32 v0, v39;
	v0 =	vbroadcast v1, $0x0  }
0x1a2: {  	v3 =	vld.idx.msk [tilespmem:v3+s22+$0x0], $0xffff;
	v40 =	vmul.f32 v53, v48;
	v46 =	vadd.f32 v2, v39;
	v42 =	vadd.f32 v5, v39  }
0x1a3: {  	v5 =	vmul.f32 v8, v48;
	v2 =	vmul.f32 v6, v48;
	v6 =	vld.idx.msk [tilespmem:v59+s22+$0x0], $0xffff;
	v8 =	vor.u32 v31, v0  }
0x1a4: {  	v59 =	vld.idx.msk [tilespmem:v52+s22+$0x0], $0xffff;
	v50 =	vadd.f32 v35, v36;
	v52 =	vadd.f32 v40, v39;
	v57 =	vor.u32 v24, v0  }
0x1a5: {  	v58 =	vld.idx.msk [tilespmem:v51+s22+$0x0], $0xffff;
	v56 =	vor.u32 v25, v0;
	v55 =	vor.u32 v26, v0;
	v54 =	vor.u32 v27, v0  }
0x1a6: {  	v47 =	vld.idx.msk [tilespmem:v61+s22+$0x0], $0xffff;
	v63 =	vor.u32 v28, v0;
	v1 =	vor.u32 v29, v0;
	v62 =	vor.u32 v30, v0  }
0x1a7: {  	s31 =	simm.s32 $0x3;
	v53 =	vld.idx.msk [tilespmem:v7+s22+$0x0], $0xffff;
	v51 =	vadd.f32 v2, v39;
	v0 =	vmul.f32 v3, v48;
	v2 =	vmul.f32 v37, v41  }
0x1a8: {  	s0 =	simm.s32 $0x14600;
	s1 =	simm.s32 $0x4;
	v48 =	vadd.f32 v5, v39;
	v5 =	vmov s31;
	v3 =	vmul.f32 v6, v41;
	v61 =	vld.idx.msk [tilespmem:v8+s22+$0x0], $0xffff  }
.LBB2_10:
0x1a9: {  	p0 =	sne.s32 s1, $0x3F;
	v5 =	vand.u32 $0x7F, v5;
	v6 =	vld [tilespmem:s0+$0x0];
	v49 =	vadd.f32 v2, v49;
	v2 =	vmul.f32 v60, v41;
	v7 =	vmovc v1;
	v8 =	vmovc v62  }
0x1aa: {  	v5 =	vbroadcast v5, $0x0;
	v35 =	vld.idx.msk [tilespmem:v57+s22+$0x0], $0xffff;
	v46 =	vadd.f32 v3, v46;
	v3 =	vmul.f32 v58, v41  }
0x1ab: {  	v37 =	vmul.f32 v59, v41;
	v39 =	vadd.f32 v0, v39;
	v36 =	vld.idx.msk [tilespmem:v56+s22+$0x0], $0xffff;
	v42 =	vadd.f32 v2, v42  }
0x1ac: {  	v57 =	vor.u32 v24, v5;
	v56 =	vor.u32 v25, v5;
	v38 =	vor.u32 v31, v5;
	v60 =	vld.idx.msk [tilespmem:v55+s22+$0x0], $0xffff  }
0x1ad: {  	v55 =	vor.u32 v26, v5;
	v40 =	vor.u32 v28, v5;
	v58 =	vld.idx.msk [tilespmem:v54+s22+$0x0], $0xffff;
	v54 =	vor.u32 v27, v5  }
.Ltmp4:
0x1ae: {  	v59 =	vld.idx.msk [tilespmem:v63+s22+$0x0], $0xffff;
	v63 =	vmul.f32 v47, v41;
	(pc) =	sbr.rel @p0 .LBB2_10-.Ltmp4, $4  }
0x1af: {  	v1 =	vor.u32 v29, v5;
	v62 =	vor.u32 v30, v5;
	v5 =	vmul.f32 v61, v6  }
0x1b0: {  	v51 =	vadd.f32 v3, v51;
	v0 =	vmul.f32 v53, v41;
	v47 =	vld.idx.msk [tilespmem:v7+s22+$0x0], $0xffff  }
0x1b1: {  	v48 =	vadd.f32 v37, v48;
	v2 =	vmul.f32 v35, v6;
	v53 =	vld.idx.msk [tilespmem:v8+s22+$0x0], $0xffff;
	v50 =	vadd.f32 v5, v50  }
0x1b2: {  	s0 =	sadd.s32 $0x80, s0;
	v41 =	vmovc v6;
	v5 =	vmov s1;
	s1 =	sadd.s32 $0x1, s1;
	v3 =	vmul.f32 v36, v6;
	v52 =	vadd.f32 v63, v52;
	v61 =	vld.idx.msk [tilespmem:v38+s22+$0x0], $0xffff;
	v63 =	vmovc v40  }
0x1b3: {  	_ =	sdelay $0x2  }
0x1b4: {  	v5 =	vand.u32 $0x7F, v5;
	v6 =	vld [tilespmem:s0+$0x0]  }
0x1b5: {  	v7 =	vld.idx.msk [tilespmem:v57+s22+$0x0], $0xffff;
	v5 =	vbroadcast v5, $0x0  }
0x1b6: {  	v8 =	vld.idx.msk [tilespmem:v56+s22+$0x0], $0xffff  }
0x1b7: {  	v36 =	vld.idx.msk [tilespmem:v55+s22+$0x0], $0xffff;
	v2 =	vadd.f32 v2, v49;
	v40 =	vor.u32 v24, v5  }
0x1b8: {  	v37 =	vld.idx.msk [tilespmem:v54+s22+$0x0], $0xffff;
	v38 =	vmul.f32 v60, v41;
	v0 =	vadd.f32 v0, v39;
	v3 =	vadd.f32 v3, v46  }
0x1b9: {  	v49 =	vld.idx.msk [tilespmem:v63+s22+$0x0], $0xffff;
	v46 =	vmul.f32 v58, v41;
	v35 =	vor.u32 v31, v5;
	v39 =	vor.u32 v27, v5  }
0x1ba: {  	v1 =	vld.idx.msk [tilespmem:v1+s22+$0x0], $0xffff;
	s28 =	sadd.s32 $0x80, s0;
	v63 =	vor.u32 v25, v5;
	v55 =	vor.u32 v26, v5;
	v57 =	vor.u32 v28, v5  }
0x1bb: {  	v60 =	vor.u32 v29, v5;
	v46 =	vadd.f32 v46, v51;
	v51 =	vld [tilespmem:s28+$0x0];
	v5 =	vor.u32 v30, v5  }
0x1bc: {  	v8 =	vmul.f32 v8, v6;
	v40 =	vld.idx.msk [tilespmem:v40+s22+$0x0], $0xffff  }
0x1bd: {  	v56 =	vld.idx.msk [tilespmem:v62+s22+$0x0], $0xffff  }
0x1be: {  	v62 =	vmul.f32 v53, v41;
	v3 =	vadd.f32 v8, v3;
	v8 =	vld.idx.msk [tilespmem:v39+s22+$0x0], $0xffff  }
0x1bf: {  	v61 =	vmul.f32 v61, v6;
	v7 =	vmul.f32 v7, v6  }
0x1c0: {  	v36 =	vmul.f32 v36, v6;
	v1 =	vmul.f32 v1, v6;
	v5 =	vld.idx.msk [tilespmem:v5+s22+$0x0], $0xffff  }
0x1c1: {  	v2 =	vadd.f32 v7, v2;
	v7 =	vmul.f32 v37, v6;
	v63 =	vld.idx.msk [tilespmem:v63+s22+$0x0], $0xffff;
	v40 =	vmul.f32 v40, v51  }
0x1c2: {  	v0 =	vadd.f32 v62, v0;
	v54 =	vld.idx.msk [tilespmem:v55+s22+$0x0], $0xffff;
	v55 =	vmul.f32 v49, v6;
	v6 =	vmul.f32 v56, v6  }
0x1c3: {  	v57 =	vld.idx.msk [tilespmem:v57+s22+$0x0], $0xffff;
	v7 =	vadd.f32 v7, v46;
	v8 =	vmul.f32 v8, v51;
	v2 =	vadd.f32 v40, v2  }
0x1c4: {  	v38 =	vadd.f32 v38, v42;
	v42 =	vmul.f32 v59, v41;
	v0 =	vadd.f32 v6, v0  }
0x1c5: {  	v6 =	vadd.f32 v8, v7;
	v8 =	vadd.f32 v2, v43;
	v2 =	vmul.f32 v5, v51;
	v5 =	vld [tilespmem:$0x1FEE0]  }
0x1c6: {  	v42 =	vadd.f32 v42, v48;
	v59 =	vld.idx.msk [tilespmem:v60+s22+$0x0], $0xffff;
	v60 =	vmul.f32 v63, v51  }
0x1c7: {  	v0 =	vadd.f32 v2, v0;
	v2 =	vld [tilespmem:$0x1FEF0]  }
0x1c8: {  	v37 =	vadd.f32 v55, v42;
	v62 =	vmul.f32 v57, v51;
	v3 =	vadd.f32 v60, v3  }
0x1c9: {  	v47 =	vmul.f32 v47, v41  }
0x1ca: {  	v35 =	vld.idx.msk [tilespmem:v35+s22+$0x0], $0xffff;
	v63 =	vadd.f32 v3, v5;
	v5 =	vadd.f32 v62, v37  }
0x1cb: {  	v47 =	vadd.f32 v47, v52  }
0x1cc: {  	v40 =	vadd.f32 v5, v2;
	v5 =	vld [tilespmem:$0x1FF00]  }
0x1cd: {  	v1 =	vadd.f32 v1, v47;
	v7 =	vmul.f32 v59, v51;
	_ =	sdelay $0x1  }
0x1ce: {  	v50 =	vadd.f32 v61, v50;
	v35 =	vmul.f32 v35, v51;
	v1 =	vadd.f32 v7, v1;
	_ =	sdelay $0x1  }
0x1cf: {  	v2 =	vadd.f32 v35, v50;
	v35 =	vadd.f32 v1, v5;
	v5 =	vld [tilespmem:$0x1FF10]  }
0x1d0: {  	v36 =	vadd.f32 v36, v38;
	v61 =	vmul.f32 v54, v51;
	_ =	sdelay $0x1  }
0x1d1: {  	s29 =	simm.s32 $0x0;
	v36 =	vadd.f32 v61, v36  }
0x1d2: {  	v42 =	vadd.f32 v6, v45;
	[tilespmem:$0x1FEB0] =	vst v8;
	v3 =	vmov s29  }
0x1d3: {  	[tilespmem:$0x18500] =	vst v8;
	v8 =	vadd.f32 v36, v44;
	v3 =	vand.u32 $0x7F, v3;
	v36 =	vadd.f32 v0, v5;
	v0 =	vld [tilespmem:$0x1FF20]  }
0x1d4: {  	[tilespmem:$0x18530] =	vst v42;
	v3 =	vbroadcast v3, $0x0  }
0x1d5: {  	v43 =	vor.u32 $0xF800, v4;
	[tilespmem:$0x18520] =	vst v8  }
0x1d6: {  	[tilespmem:$0x18510] =	vst v63;
	v1 =	vor.u32 v43, v3  }
0x1d7: {  	[tilespmem:$0x18540] =	vst v40  }
0x1d8: {  	[tilespmem:$0x18550] =	vst v35;
	v5 =	vor.u32 v34, v3;
	v37 =	vadd.f32 v2, v0  }
0x1d9: {  	[tilespmem:$0x18560] =	vst v36;
	v0 =	vor.u32 v32, v3  }
0x1da: {  	v45 =	vor.u32 $0xD800, v4;
	v2 =	vor.u32 v33, v3;
	[tilespmem:$0x18570] =	vst v37  }
0x1db: {  	s30 =	simm.s32 $0x16500;
	v46 =	vor.u32 $0xE000, v4;
	v6 =	vor.u32 v45, v3;
	v1 =	vld.idx.msk [tilespmem:v1+s22+$0x0], $0xffff  }
0x1dc: {  	s1 =	simm.s32 $0x1;
	v44 =	vor.u32 $0xE800, v4;
	v7 =	vor.u32 v46, v3;
	v55 =	vld [tilespmem:s30+$0x0]  }
0x1dd: {  	[tilespmem:$0x1FED0] =	vst v8;
	v8 =	vmov s1;
	v54 =	vor.u32 v44, v3;
	v5 =	vld.idx.msk [tilespmem:v5+s22+$0x0], $0xffff  }
0x1de: {  	v47 =	vor.u32 $0xF000, v4;
	v41 =	vld.idx.msk [tilespmem:v0+s22+$0x0], $0xffff;
	v0 =	vand.u32 $0x7F, v8  }
0x1df: {  	v3 =	vor.u32 v47, v3;
	v2 =	vld.idx.msk [tilespmem:v2+s22+$0x0], $0xffff;
	v8 =	vbroadcast v0, $0x0  }
0x1e0: {  	v6 =	vld.idx.msk [tilespmem:v6+s22+$0x0], $0xffff  }
0x1e1: {  	v48 =	vimm.f32 $0.0e+00;
	v61 =	vimm.f32 $0.0e+00;
	v7 =	vld.idx.msk [tilespmem:v7+s22+$0x0], $0xffff;
	v60 =	vor.u32 v32, v8  }
0x1e2: {  	v38 =	vld.idx.msk [tilespmem:v54+s22+$0x0], $0xffff;
	v51 =	vor.u32 v43, v8;
	v1 =	vmul.f32 v1, v55;
	v0 =	vor.u32 v33, v8  }
0x1e3: {  	v62 =	vor.u32 v34, v8;
	v59 =	vor.u32 v45, v8;
	v5 =	vmul.f32 v5, v55  }
0x1e4: {  	v58 =	vor.u32 v46, v8;
	v39 =	vmul.f32 v41, v55;
	v41 =	vmul.f32 v2, v55;
	v2 =	vld.idx.msk [tilespmem:v3+s22+$0x0], $0xffff  }
0x1e5: {  	s0 =	simm.s32 $0x16580;
	v56 =	vor.u32 v44, v8;
	v57 =	vor.u32 v47, v8;
	v49 =	vadd.f32 v1, v48  }
0x1e6: {  	s31 =	simm.s32 $0x2;
	v54 =	vld [tilespmem:s0+$0x0];
	v1 =	vmul.f32 v6, v55;
	v52 =	vadd.f32 v5, v48;
	v3 =	vmul.f32 v7, v55  }
0x1e7: {  	[tilespmem:$0x1FEC0] =	vst v63;
	v6 =	vmov s31;
	v5 =	vmul.f32 v38, v55;
	v50 =	vadd.f32 v39, v48;
	v63 =	vld.idx.msk [tilespmem:v51+s22+$0x0], $0xffff  }
0x1e8: {  	s1 =	simm.s32 $0x3;
	v53 =	vadd.f32 v1, v48;
	v51 =	vadd.f32 v41, v48;
	v1 =	vld.idx.msk [tilespmem:v60+s22+$0x0], $0xffff;
	v60 =	vimm.f32 $0.0e+00  }
.LBB2_12:
0x1e9: {  	p0 =	sne.s32 s1, $0x3F;
	v6 =	vand.u32 $0x7F, v6;
	v7 =	vld.idx.msk [tilespmem:v0+s22+$0x0], $0xffff;
	v48 =	vadd.f32 v3, v48;
	v0 =	vmul.f32 v2, v55  }
0x1ea: {  	v3 =	vbroadcast v6, $0x0;
	v6 =	vld.idx.msk [tilespmem:v62+s22+$0x0], $0xffff;
	v60 =	vadd.f32 v5, v60  }
0x1eb: {  	v5 =	vld.idx.msk [tilespmem:v59+s22+$0x0], $0xffff;
	v61 =	vadd.f32 v0, v61  }
0x1ec: {  	v8 =	vor.u32 v32, v3;
	v38 =	vor.u32 v43, v3;
	v39 =	vld.idx.msk [tilespmem:v58+s22+$0x0], $0xffff;
	v63 =	vmul.f32 v63, v54  }
0x1ed: {  	v0 =	vor.u32 v33, v3;
	v62 =	vor.u32 v34, v3;
	v59 =	vor.u32 v45, v3;
	v41 =	vld.idx.msk [tilespmem:v56+s22+$0x0], $0xffff  }
0x1ee: {  	v58 =	vor.u32 v46, v3;
	v56 =	vor.u32 v44, v3;
	v2 =	vld.idx.msk [tilespmem:v57+s22+$0x0], $0xffff;
	v49 =	vadd.f32 v63, v49  }
.Ltmp5:
0x1ef: {  	v55 =	vmovc v54;
	v1 =	vmul.f32 v1, v54;
	v57 =	vor.u32 v47, v3;
	v3 =	vmul.f32 v7, v54;
	(pc) =	sbr.rel @p0 .LBB2_12-.Ltmp5, $4  }
0x1f0: {  	v6 =	vmul.f32 v6, v55  }
0x1f1: {  	s0 =	sadd.s32 $0x80, s0;
	v50 =	vadd.f32 v1, v50;
	v51 =	vadd.f32 v3, v51;
	v5 =	vmul.f32 v5, v55;
	v63 =	vld.idx.msk [tilespmem:v38+s22+$0x0], $0xffff  }
0x1f2: {  	v52 =	vadd.f32 v6, v52;
	v3 =	vmul.f32 v39, v55;
	v54 =	vld [tilespmem:s0+$0x0]  }
0x1f3: {  	v6 =	vmov s1;
	s1 =	sadd.s32 $0x1, s1;
	v53 =	vadd.f32 v5, v53;
	v5 =	vmul.f32 v41, v55;
	v1 =	vld.idx.msk [tilespmem:v8+s22+$0x0], $0xffff  }
0x1f4: {  	_ =	sdelay $0x3  }
0x1f5: {  	v0 =	vld.idx.msk [tilespmem:v0+s22+$0x0], $0xffff  }
0x1f6: {  	v7 =	vld.idx.msk [tilespmem:v62+s22+$0x0], $0xffff  }
0x1f7: {  	v8 =	vld.idx.msk [tilespmem:v59+s22+$0x0], $0xffff  }
0x1f8: {  	v6 =	vand.u32 $0x7F, v6;
	v39 =	vld.idx.msk [tilespmem:v58+s22+$0x0], $0xffff  }
0x1f9: {  	v56 =	vld.idx.msk [tilespmem:v56+s22+$0x0], $0xffff;
	v2 =	vmul.f32 v2, v55;
	v6 =	vbroadcast v6, $0x0  }
0x1fa: {  	v55 =	vld.idx.msk [tilespmem:v57+s22+$0x0], $0xffff;
	v3 =	vadd.f32 v3, v48  }
0x1fb: {  	v2 =	vadd.f32 v2, v61;
	v38 =	vor.u32 v32, v6;
	v41 =	vor.u32 v33, v6  }
0x1fc: {  	s0 =	sadd.s32 $0x80, s0;
	v45 =	vor.u32 v45, v6;
	v61 =	vmul.f32 v63, v54;
	v1 =	vmul.f32 v1, v54  }
0x1fd: {  	v48 =	vld [tilespmem:s0+$0x0];
	v46 =	vor.u32 v46, v6;
	v0 =	vmul.f32 v0, v54;
	v7 =	vmul.f32 v7, v54  }
0x1fe: {  	v44 =	vor.u32 v44, v6;
	v8 =	vmul.f32 v8, v54;
	v63 =	vmul.f32 v56, v54;
	v56 =	vld [tilespmem:$0x1FEC0]  }
0x1ff: {  	v39 =	vmul.f32 v39, v54;
	v0 =	vadd.f32 v0, v51;
	v51 =	vmul.f32 v55, v54;
	v54 =	vld [tilespmem:$0x1FEB0]  }
0x200: {  	v47 =	vor.u32 v47, v6;
	v38 =	vld.idx.msk [tilespmem:v38+s22+$0x0], $0xffff  }
0x201: {  	v62 =	vor.u32 v34, v6;
	v41 =	vld.idx.msk [tilespmem:v41+s22+$0x0], $0xffff  }
0x202: {  	v6 =	vor.u32 v43, v6;
	v45 =	vld.idx.msk [tilespmem:v45+s22+$0x0], $0xffff  }
0x203: {  	v46 =	vld.idx.msk [tilespmem:v46+s22+$0x0], $0xffff  }
0x204: {  	v5 =	vadd.f32 v5, v60;
	v49 =	vadd.f32 v61, v49;
	v44 =	vld.idx.msk [tilespmem:v44+s22+$0x0], $0xffff  }
0x205: {  	v1 =	vadd.f32 v1, v50;
	v7 =	vadd.f32 v7, v52;
	v47 =	vld.idx.msk [tilespmem:v47+s22+$0x0], $0xffff;
	v38 =	vmul.f32 v38, v48  }
0x206: {  	v8 =	vadd.f32 v8, v53;
	v3 =	vadd.f32 v39, v3;
	v62 =	vld.idx.msk [tilespmem:v62+s22+$0x0], $0xffff;
	v41 =	vmul.f32 v41, v48  }
0x207: {  	v5 =	vadd.f32 v63, v5;
	v6 =	vld.idx.msk [tilespmem:v6+s22+$0x0], $0xffff;
	v52 =	vmul.f32 v45, v48;
	v1 =	vadd.f32 v38, v1  }
0x208: {  	v2 =	vadd.f32 v51, v2;
	v53 =	vmul.f32 v46, v48;
	v0 =	vadd.f32 v41, v0  }
0x209: {  	v55 =	vmul.f32 v44, v48;
	v8 =	vadd.f32 v52, v8;
	v1 =	vadd.f32 v1, v54  }
0x20a: {  	v58 =	vld [tilespmem:$0x1FED0];
	v57 =	vmul.f32 v47, v48;
	v3 =	vadd.f32 v53, v3;
	v0 =	vadd.f32 v0, v56  }
0x20b: {  	v43 =	vmul.f32 v62, v48;
	v5 =	vadd.f32 v55, v5;
	v59 =	vadd.f32 v8, v42;
	[tilespmem:$0x18500] =	vst v1  }
0x20c: {  	v6 =	vmul.f32 v6, v48;
	v2 =	vadd.f32 v57, v2;
	v60 =	vadd.f32 v3, v40;
	[tilespmem:$0x18510] =	vst v0  }
0x20d: {  	v7 =	vadd.f32 v43, v7;
	v61 =	vadd.f32 v5, v35;
	[tilespmem:$0x18530] =	vst v59  }
0x20e: {  	v3 =	vadd.f32 v6, v49;
	v62 =	vadd.f32 v2, v36;
	[tilespmem:$0x18540] =	vst v60  }
0x20f: {  	v1 =	vadd.f32 v7, v58;
	[tilespmem:$0x18550] =	vst v61  }
0x210: {  	v63 =	vadd.f32 v3, v37;
	[tilespmem:$0x18560] =	vst v62  }
0x211: {  	[tilespmem:$0x18520] =	vst v1  }
0x212: {  	s29 =	rddreg [dreg:$0x8];
	s1 =	simm.s32 $0x18500;
	[tilespmem:$0x18570] =	vst v63  }
0x213: {  	[hbm4b:s29+s3] =	stream.linear.scatter [tilespmem:s1], [sflag:$0x2], $0x80, $0x38;
	[tilespmem:$0x18580] =	vst v63  }
0x214: {  	_ =	swait.ge [sflag:s12], $0x80  }
0x215: {  	s30 =	rddreg [dreg:$0xa]  }
0x216: {  	s31 =	rddreg [dreg:$0x9];
	s1 =	sadd.s32 $0x1, s30  }
0x217: {  	p0 =	sne.s32 s1, s31  }
.Ltmp6:
0x218: {  	_ = 	snop;
	(pc) =	sbr.rel @p0 .LBB2_1-.Ltmp6, $3  }
0x219: {  	_ =	sdelay $0x1  }
0x21a: {  	[sflag:s12] =	ssyncset.done $0x0  }
0x21b: {  	[sflag:s12] =	ssyncadd.s32 $0xFFFFFF80  }
0x21c: {  	_ =	sfence.sel $0x180000  }
0x21d: {  	[bflag:$0x0] =	sbarrier.arrive $0xFFFF  }
0x21e: {  	_ =	strace $0x90000047  }
0x21f: {  	s0 =	stileid.u32;
	[bflag:$0x2] =	sbarrier.arrive $0xFFFF  }
0x220: {  	p0 =	sne.s32 s0, $0x0;
	s0 =	rddreg [dreg:$0x2]  }
0x221: {  	s0 =	sadd.s32 @!p0 $0x100000, s0  }
0x222: {  	[sflag:s0] =	ssyncadd.tile.s32 @!p0 $0x1;
	_ =	shalt  }
.Lfunc_end2:
_tile_overlayer_lowered:
.L_overlay_start_2:
0x223: {  	(tag) =	ssettag $0x2  }
0x224: {  	s0 =	rddreg [dreg:$0x0];
	s2 =	stileid.u32  }
0x225: {  	s1 =	rddreg [dreg:$0x1];
	p0 =	sne.s32 s2, $0x0  }
0x226: {  	s3 =	rddreg [dreg:$0x2];
	[bflag:$0x3] =	sbarrier.arrive $0xFFFF;
	s2 =	simm.s32 @!p0 $0x1C02  }
0x227: {  	[timem:s3], [sflag:s2] =	dma.local @!p0 [hbm:s0], s1  }
0x228: {  	s0 =	simm.s32 @!p0 $0x2  }
0x229: {  	_ =	swait.ge @!p0 [sflag:s0], s1  }
0x22a: {  	s1 =	ssub.s32 @!p0 $0x0, s1;
	[sflag:s0] =	ssyncset.done @!p0 $0x0  }
0x22b: {  	[sflag:s0] =	ssyncadd.s32 @!p0 s1  }
0x22c: {  	[bflag:$0x3] =	sbarrier.arrive $0xFFFF  }
0x22d: {  	_ =	shalt  }

</sc_bundles>
